<compile_context>
chip_gen: v7x
topology: tpu7x:2x2x1
jax: 0.10.2.dev20260603
libtpu: 0.0.44.dev20260713+nightly
codegen_flags: <defaults>
</compile_context>

<pallas_src>
import functools

import jax
import jax.numpy as jnp
from jax import lax
from jax.experimental import pallas as pl
from jax.experimental.pallas import tpu as pltpu
from jax.experimental.pallas import tpu_sc as plsc

_NC = 2
_NS = 16
_NW = _NC * _NS

_BATCH = 16384
_HEADS = 26
_DIM = 32
_N = _BATCH * _HEADS
_PER_W = _N // _NW
_CH = 128
_NCHUNK = _PER_W // _CH
_LANES = 16

_VOCAB = 2600000
_TBLK = 8192
_TGRID = -(-_VOCAB // _TBLK)



def _transpose_body(in_ref, e_ref, out_ref):
    x = in_ref[...]
    e = e_ref[...]
    q = _TBLK // 4
    acc = jnp.zeros((q, 128), jnp.float32)
    for i in range(4):
        acc = acc + lax.dot_general(
            x[:, i * q:(i + 1) * q], e[:, i * 128:(i + 1) * 128],
            (((0,), (0,)), ((), ())), preferred_element_type=jnp.float32,
            precision=lax.Precision.HIGHEST)
    out_ref[...] = acc


def _retile_table(table_t):
    eye = jnp.eye(_DIM, dtype=jnp.float32)
    e = jnp.zeros((_DIM, 4, 128), jnp.float32)
    for i in range(4):
        e = e.at[:, i, i * _DIM:(i + 1) * _DIM].set(eye)
    e = e.reshape(_DIM, 512)
    return pl.pallas_call(
        _transpose_body,
        grid=(_TGRID,),
        in_specs=[pl.BlockSpec((_DIM, _TBLK), lambda j: (0, j)),
                  pl.BlockSpec((_DIM, 512), lambda j: (0, 0))],
        out_specs=pl.BlockSpec((_TBLK // 4, 128), lambda j: (j, 0)),
        out_shape=jax.ShapeDtypeStruct((_TGRID * _TBLK // 4, 128),
                                       jnp.float32),
    )(table_t, e)



def _body(hash_hbm, table_hbm, off_hbm, out_hbm,
          hash_v, idx_v, col_v, off_v, g_buf, o_buf,
          hsem, gsem0, gsem1, wsem0, wsem1):
    wid = lax.axis_index("s") * _NC + lax.axis_index("c")
    base = wid * _PER_W

    pltpu.sync_copy(off_hbm, off_v)

    def flat_pos(c):
        f = base + c * _CH
        b0 = pl.multiple_of(f & (_BATCH - 1), _CH)
        return f >> 14, b0

    def h_copy(c, s):
        h, b0 = flat_pos(c)
        return pltpu.make_async_copy(
            hash_hbm.at[h].at[pl.ds(b0, _CH)], hash_v.at[s], hsem)

    def g_copy(c, s):
        return pltpu.make_async_copy(
            table_hbm.at[idx_v.at[s]], g_buf.at[s], gsems[s])

    def w_copy(c, s):
        h, b0 = flat_pos(c)
        return pltpu.make_async_copy(
            o_buf.at[s], out_hbm.at[h].at[:, pl.ds(b0, _CH)], wsems[s])

    gsems = (gsem0, gsem1)
    wsems = (wsem0, wsem1)
    d_vec = lax.iota(jnp.int32, _LANES)

    def compute_ids(c, s):
        h, _ = flat_pos(c)
        off16 = off_v[h, pl.ds(0, _LANES)]

        def _add(i, carry):
            v = hash_v[s, pl.ds(i * _LANES, _LANES)] + off16
            lb = _TBLK.bit_length() - 1
            qq = _TBLK // 4
            col_v[s, pl.ds(i * _LANES, _LANES)] = (
                lax.shift_right_logical(v, lb - 2) & 3) * _DIM
            idx_v[s, pl.ds(i * _LANES, _LANES)] = (
                (lax.shift_right_logical(v, lb) * qq) | (v & (qq - 1)))
            return carry

        lax.fori_loop(0, _CH // _LANES, _add, 0)

    def rearrange(c, s):
        def _rb(rb, carry):
            colv = col_v[s, pl.ds(rb * _LANES, _LANES)]
            for t in range(_LANES):
                col = colv[t]
                rr = rb * _LANES + t
                src = g_buf.at[s].at[rr]
                v0 = src[pl.ds(col, _LANES)]
                v1 = src[pl.ds(col + _LANES, _LANES)]
                b_vec = jnp.zeros((_LANES,), jnp.int32) + rr
                plsc.store_scatter(o_buf.at[s], [d_vec, b_vec], v0)
                plsc.store_scatter(o_buf.at[s], [d_vec + _LANES, b_vec], v1)
            return carry

        lax.fori_loop(0, _CH // _LANES, _rb, 0)

    h_copy(0, 0).start()

    def _pair(c2, carry):
        c0 = c2 * 2
        c1 = c0 + 1

        h_copy(c0, 0).wait()
        h_copy(c1, 1).start()
        compute_ids(c0, 0)
        g_copy(c0, 0).start()

        h_copy(c1, 1).wait()

        @pl.when(c2 < _NCHUNK // 2 - 1)
        def _():
            h_copy(c0 + 2, 0).start()

        compute_ids(c1, 1)
        g_copy(c0, 0).wait()
        g_copy(c1, 1).start()

        @pl.when(c2 > 0)
        def _():
            w_copy(c0 - 2, 0).wait()

        rearrange(c0, 0)
        w_copy(c0, 0).start()

        g_copy(c1, 1).wait()

        @pl.when(c2 > 0)
        def _():
            w_copy(c1 - 2, 1).wait()

        rearrange(c1, 1)
        w_copy(c1, 1).start()
        return carry

    lax.fori_loop(0, _NCHUNK // 2, _pair, 0)
    w_copy(_NCHUNK - 2, 0).wait()
    w_copy(_NCHUNK - 1, 1).wait()


def _gather(hash_t, table128, off128):
    mesh = plsc.VectorSubcoreMesh(core_axis_name="c", subcore_axis_name="s",
                                  num_cores=_NC)
    k = functools.partial(
        pl.kernel,
        mesh=mesh,
        out_type=jax.ShapeDtypeStruct((_HEADS, _DIM, _BATCH), jnp.float32),
        scratch_types=[
            pltpu.VMEM((2, _CH), jnp.int32),
            pltpu.VMEM((2, _CH), jnp.int32),
            pltpu.VMEM((2, _CH), jnp.int32),
            pltpu.VMEM((_HEADS, 128), jnp.int32),
            pltpu.VMEM((2, _CH, 128), jnp.float32),
            pltpu.VMEM((2, _DIM, _CH), jnp.float32),
            pltpu.SemaphoreType.DMA,
            pltpu.SemaphoreType.DMA,
            pltpu.SemaphoreType.DMA,
            pltpu.SemaphoreType.DMA,
            pltpu.SemaphoreType.DMA,
        ],
        compiler_params=pltpu.CompilerParams(needs_layout_passes=False),
    )(_body)
    return k(hash_t, table128, off128)


def kernel(hash_ids, table, offsets):
    hash_t = hash_ids.T
    table_t = table.T
    table128 = _retile_table(table_t)
    off128 = jnp.tile(offsets[:, None], (1, 128))
    out = _gather(hash_t, table128, off128)
    return out.transpose(2, 0, 1)

# --- scband reference (transcript-rebuilt; emitter-appended) ---
"""Pipeline reference for scband-multi-head-embedding-38517266710584 (READ-ONLY COPY).

The authoritative reference and input builder live on the scoring server;
editing this copy changes nothing except your own understanding.
"""

import jax, jax.numpy as jnp
import numpy as np

SIZES = [100000] * 26
DIM = 32
BATCH = 16384


def setup_inputs(seed: int = 0) -> dict:
    key = jax.random.key(seed)
    k1, k2 = jax.random.split(key)
    hash_ids = jax.random.randint(k1, (BATCH, len(SIZES)), 0, 100000, dtype=jnp.int32)
    total = int(sum(SIZES))
    table = jax.random.normal(k2, (total, DIM), dtype=jnp.float32) * 0.02
    offsets = jnp.asarray(np.cumsum([0] + SIZES[:-1]), dtype=jnp.int32)
    return {"hash_ids": hash_ids, "table": table, "offsets": offsets}


def reference(hash_ids, table, offsets):
    # flat_ids = hash_ids + offsets  (offsets broadcast over batch dim)
    flat_ids = hash_ids + offsets[None, :]
    # embedding lookup -> gather rows from table
    embeds = jnp.take(table, flat_ids, axis=0)
    return embeds

if __name__ == "__main__":
    import jax
    _d = setup_inputs()
    print(jax.jit(kernel)(*tuple(_d.values())))

</pallas_src>

<mosaic_0001>
#map = affine_map<(d0, d1) -> (0, 0)>
#map1 = affine_map<(d0, d1) -> (0, 0, 0)>
module attributes {stable_mosaic.version = 14 : i64} {
  func.func @_body(%arg0: i32, %arg1: i32, %arg2: memref<26x16384xi32, #tpu.memory_space<hbm>>, %arg3: memref<651264x128xf32, #tpu.memory_space<hbm>>, %arg4: memref<26x128xi32, #tpu.memory_space<hbm>>, %arg5: memref<26x32x16384xf32, #tpu.memory_space<hbm>>, %arg6: memref<2x128xi32, #tpu.memory_space<vmem>>, %arg7: memref<2x128xi32, #tpu.memory_space<vmem>>, %arg8: memref<2x128xi32, #tpu.memory_space<vmem>>, %arg9: memref<26x128xi32, #tpu.memory_space<vmem>>, %arg10: memref<2x128x128xf32, #tpu.memory_space<vmem>>, %arg11: memref<2x32x128xf32, #tpu.memory_space<vmem>>, %arg12: memref<!tpu.dma_semaphore, #tpu.memory_space<semaphore_mem>>, %arg13: memref<!tpu.dma_semaphore, #tpu.memory_space<semaphore_mem>>, %arg14: memref<!tpu.dma_semaphore, #tpu.memory_space<semaphore_mem>>, %arg15: memref<!tpu.dma_semaphore, #tpu.memory_space<semaphore_mem>>, %arg16: memref<!tpu.dma_semaphore, #tpu.memory_space<semaphore_mem>>) attributes {dimension_semantics = [#tpu.dimension_semantics<core_parallel>, #tpu.dimension_semantics<subcore_parallel>], iteration_bounds = array<i64: 2, 16>, scalar_prefetch = 0 : i64, scratch_operands = 11 : i64, tpu.core_type = #tpu.core_type<sc_vector_subcore>, window_params = [{transform_indices = #map}, {transform_indices = #map}, {transform_indices = #map}, {transform_indices = #map1}]} {
    %mul3A = arith.constant 2 : i32
    %mul3A_0 = arith.muli %arg1, %mul3A : i32
    %add3A = arith.addi %mul3A_0, %arg0 : i32
    %mul3A_1 = arith.constant 13312 : i32
    %mul3A_2 = arith.muli %add3A, %mul3A_1 : i32
    "tpu.region"() ({
      %run_scoped3A = tpu.sem_alloc : memref<!tpu.dma_semaphore, #tpu.memory_space<semaphore_mem>>
      tpu.enqueue_dma source(%arg4 : memref<26x128xi32, #tpu.memory_space<hbm>>) target(%arg9 : memref<26x128xi32, #tpu.memory_space<vmem>>) target_semaphore(%run_scoped3A : memref<!tpu.dma_semaphore, #tpu.memory_space<semaphore_mem>>)
      tpu.wait_dma2 semaphore(%run_scoped3A : memref<!tpu.dma_semaphore, #tpu.memory_space<semaphore_mem>>) src(%arg4 : memref<26x128xi32, #tpu.memory_space<hbm>>) dst(%arg9 : memref<26x128xi32, #tpu.memory_space<vmem>>)
      tpu.yield
    }) : () -> ()
    %iota3A = tpu.iota {dimensions = array<i32: 0>} : vector<16xi32>
    %add3A_3 = arith.constant 0 : i32
    %add3A_4 = arith.addi %mul3A_2, %add3A_3 : i32
    %and3A = arith.constant 16383 : i32
    %and3A_5 = arith.andi %add3A_4, %and3A : i32
    %multiple_of3A = tpu.assume_multiple %and3A_5, 128 : i32
    %shift_right_arithmetic3A = arith.constant 14 : i32
    %shift_right_arithmetic3A_6 = arith.shrsi %add3A_4, %shift_right_arithmetic3A : i32
    %dma_start3A = arith.constant 0 : i32
    %dma_start3A_7 = arith.constant 0 : i32
    %dma_start3A_8 = tpu.memref_slice %arg6[%dma_start3A, %dma_start3A_7] : memref<2x128xi32, #tpu.memory_space<vmem>> -> memref<1x128xi32, #tpu.memory_space<vmem>>
    %dma_start3A_9 = tpu.memref_squeeze %dma_start3A_8 : memref<1x128xi32, #tpu.memory_space<vmem>> -> memref<128xi32, #tpu.memory_space<vmem>>
    %dma_start3A_10 = arith.constant 0 : i32
    %dma_start3A_11 = tpu.memref_slice %arg2[%shift_right_arithmetic3A_6, %dma_start3A_10] : memref<26x16384xi32, #tpu.memory_space<hbm>> -> memref<1x16384xi32, #tpu.memory_space<hbm>>
    %dma_start3A_12 = tpu.memref_squeeze %dma_start3A_11 : memref<1x16384xi32, #tpu.memory_space<hbm>> -> memref<16384xi32, #tpu.memory_space<hbm>>
    %dma_start3A_13 = tpu.memref_slice %dma_start3A_12[%multiple_of3A] : memref<16384xi32, #tpu.memory_space<hbm>> -> memref<128xi32, #tpu.memory_space<hbm>>
    %dma_start3A_14 = arith.constant 0 : i32
    %dma_start3A_15 = tpu.memref_slice %arg6[%dma_start3A, %dma_start3A_14] : memref<2x128xi32, #tpu.memory_space<vmem>> -> memref<1x128xi32, #tpu.memory_space<vmem>>
    %dma_start3A_16 = tpu.memref_squeeze %dma_start3A_15 : memref<1x128xi32, #tpu.memory_space<vmem>> -> memref<128xi32, #tpu.memory_space<vmem>>
    %dma_start3A_17 = arith.constant 0 : i32
    %dma_start3A_18 = tpu.memref_slice %arg2[%shift_right_arithmetic3A_6, %dma_start3A_17] : memref<26x16384xi32, #tpu.memory_space<hbm>> -> memref<1x16384xi32, #tpu.memory_space<hbm>>
    %dma_start3A_19 = tpu.memref_squeeze %dma_start3A_18 : memref<1x16384xi32, #tpu.memory_space<hbm>> -> memref<16384xi32, #tpu.memory_space<hbm>>
    %dma_start3A_20 = tpu.memref_slice %dma_start3A_19[%multiple_of3A] : memref<16384xi32, #tpu.memory_space<hbm>> -> memref<128xi32, #tpu.memory_space<hbm>>
    tpu.enqueue_dma source(%dma_start3A_20 : memref<128xi32, #tpu.memory_space<hbm>>) target(%dma_start3A_16 : memref<128xi32, #tpu.memory_space<vmem>>) target_semaphore(%arg12 : memref<!tpu.dma_semaphore, #tpu.memory_space<semaphore_mem>>)
    %scan3A = arith.constant 0 : i32
    %scan3A_21 = arith.constant 0 : i32
    %scan3A_22 = arith.constant 52 : i32
    %scan3A_23 = arith.addi %scan3A_21, %scan3A_22 : i32
    %scan3A_24 = arith.constant 1 : i32
    scf.for %scan3A_81 = %scan3A_21 to %scan3A_23 step %scan3A_24  : i32 {
      %mul3A_82 = arith.constant 2 : i32
      %mul3A_83 = arith.muli %scan3A_81, %mul3A_82 : i32
      %add3A_84 = arith.constant 1 : i32
      %add3A_85 = arith.addi %mul3A_83, %add3A_84 : i32
      %mul3A_86 = arith.constant 128 : i32
      %mul3A_87 = arith.muli %mul3A_83, %mul3A_86 : i32
      %add3A_88 = arith.addi %mul3A_2, %mul3A_87 : i32
      %and3A_89 = arith.constant 16383 : i32
      %and3A_90 = arith.andi %add3A_88, %and3A_89 : i32
      %multiple_of3A_91 = tpu.assume_multiple %and3A_90, 128 : i32
      %shift_right_arithmetic3A_92 = arith.constant 14 : i32
      %shift_right_arithmetic3A_93 = arith.shrsi %add3A_88, %shift_right_arithmetic3A_92 : i32
      %dma_wait3A_94 = arith.constant 0 : i32
      %dma_wait3A_95 = arith.constant 0 : i32
      %dma_wait3A_96 = tpu.memref_slice %arg6[%dma_wait3A_94, %dma_wait3A_95] : memref<2x128xi32, #tpu.memory_space<vmem>> -> memref<1x128xi32, #tpu.memory_space<vmem>>
      %dma_wait3A_97 = tpu.memref_squeeze %dma_wait3A_96 : memref<1x128xi32, #tpu.memory_space<vmem>> -> memref<128xi32, #tpu.memory_space<vmem>>
      %dma_wait3A_98 = arith.constant 0 : i32
      %dma_wait3A_99 = tpu.memref_slice %arg2[%shift_right_arithmetic3A_93, %dma_wait3A_98] : memref<26x16384xi32, #tpu.memory_space<hbm>> -> memref<1x16384xi32, #tpu.memory_space<hbm>>
      %dma_wait3A_100 = tpu.memref_squeeze %dma_wait3A_99 : memref<1x16384xi32, #tpu.memory_space<hbm>> -> memref<16384xi32, #tpu.memory_space<hbm>>
      %dma_wait3A_101 = tpu.memref_slice %dma_wait3A_100[%multiple_of3A_91] : memref<16384xi32, #tpu.memory_space<hbm>> -> memref<128xi32, #tpu.memory_space<hbm>>
      %dma_wait3A_102 = arith.constant 0 : i32
      %dma_wait3A_103 = tpu.memref_slice %arg6[%dma_wait3A_94, %dma_wait3A_102] : memref<2x128xi32, #tpu.memory_space<vmem>> -> memref<1x128xi32, #tpu.memory_space<vmem>>
      %dma_wait3A_104 = tpu.memref_squeeze %dma_wait3A_103 : memref<1x128xi32, #tpu.memory_space<vmem>> -> memref<128xi32, #tpu.memory_space<vmem>>
      %dma_wait3A_105 = arith.constant 0 : i32
      %dma_wait3A_106 = tpu.memref_slice %arg2[%shift_right_arithmetic3A_93, %dma_wait3A_105] : memref<26x16384xi32, #tpu.memory_space<hbm>> -> memref<1x16384xi32, #tpu.memory_space<hbm>>
      %dma_wait3A_107 = tpu.memref_squeeze %dma_wait3A_106 : memref<1x16384xi32, #tpu.memory_space<hbm>> -> memref<16384xi32, #tpu.memory_space<hbm>>
      %dma_wait3A_108 = tpu.memref_slice %dma_wait3A_107[%multiple_of3A_91] : memref<16384xi32, #tpu.memory_space<hbm>> -> memref<128xi32, #tpu.memory_space<hbm>>
      tpu.wait_dma2 semaphore(%arg12 : memref<!tpu.dma_semaphore, #tpu.memory_space<semaphore_mem>>) src(%dma_wait3A_108 : memref<128xi32, #tpu.memory_space<hbm>>) dst(%dma_wait3A_104 : memref<128xi32, #tpu.memory_space<vmem>>)
      %mul3A_109 = arith.constant 128 : i32
      %mul3A_110 = arith.muli %add3A_85, %mul3A_109 : i32
      %add3A_111 = arith.addi %mul3A_2, %mul3A_110 : i32
      %and3A_112 = arith.constant 16383 : i32
      %and3A_113 = arith.andi %add3A_111, %and3A_112 : i32
      %multiple_of3A_114 = tpu.assume_multiple %and3A_113, 128 : i32
      %shift_right_arithmetic3A_115 = arith.constant 14 : i32
      %shift_right_arithmetic3A_116 = arith.shrsi %add3A_111, %shift_right_arithmetic3A_115 : i32
      %dma_start3A_117 = arith.constant 1 : i32
      %dma_start3A_118 = arith.constant 0 : i32
      %dma_start3A_119 = tpu.memref_slice %arg6[%dma_start3A_117, %dma_start3A_118] : memref<2x128xi32, #tpu.memory_space<vmem>> -> memref<1x128xi32, #tpu.memory_space<vmem>>
      %dma_start3A_120 = tpu.memref_squeeze %dma_start3A_119 : memref<1x128xi32, #tpu.memory_space<vmem>> -> memref<128xi32, #tpu.memory_space<vmem>>
      %dma_start3A_121 = arith.constant 0 : i32
      %dma_start3A_122 = tpu.memref_slice %arg2[%shift_right_arithmetic3A_116, %dma_start3A_121] : memref<26x16384xi32, #tpu.memory_space<hbm>> -> memref<1x16384xi32, #tpu.memory_space<hbm>>
      %dma_start3A_123 = tpu.memref_squeeze %dma_start3A_122 : memref<1x16384xi32, #tpu.memory_space<hbm>> -> memref<16384xi32, #tpu.memory_space<hbm>>
      %dma_start3A_124 = tpu.memref_slice %dma_start3A_123[%multiple_of3A_114] : memref<16384xi32, #tpu.memory_space<hbm>> -> memref<128xi32, #tpu.memory_space<hbm>>
      %dma_start3A_125 = arith.constant 0 : i32
      %dma_start3A_126 = tpu.memref_slice %arg6[%dma_start3A_117, %dma_start3A_125] : memref<2x128xi32, #tpu.memory_space<vmem>> -> memref<1x128xi32, #tpu.memory_space<vmem>>
      %dma_start3A_127 = tpu.memref_squeeze %dma_start3A_126 : memref<1x128xi32, #tpu.memory_space<vmem>> -> memref<128xi32, #tpu.memory_space<vmem>>
      %dma_start3A_128 = arith.constant 0 : i32
      %dma_start3A_129 = tpu.memref_slice %arg2[%shift_right_arithmetic3A_116, %dma_start3A_128] : memref<26x16384xi32, #tpu.memory_space<hbm>> -> memref<1x16384xi32, #tpu.memory_space<hbm>>
      %dma_start3A_130 = tpu.memref_squeeze %dma_start3A_129 : memref<1x16384xi32, #tpu.memory_space<hbm>> -> memref<16384xi32, #tpu.memory_space<hbm>>
      %dma_start3A_131 = tpu.memref_slice %dma_start3A_130[%multiple_of3A_114] : memref<16384xi32, #tpu.memory_space<hbm>> -> memref<128xi32, #tpu.memory_space<hbm>>
      tpu.enqueue_dma source(%dma_start3A_131 : memref<128xi32, #tpu.memory_space<hbm>>) target(%dma_start3A_127 : memref<128xi32, #tpu.memory_space<vmem>>) target_semaphore(%arg12 : memref<!tpu.dma_semaphore, #tpu.memory_space<semaphore_mem>>)
      %mul3A_132 = arith.constant 128 : i32
      %mul3A_133 = arith.muli %mul3A_83, %mul3A_132 : i32
      %add3A_134 = arith.addi %mul3A_2, %mul3A_133 : i32
      %and3A_135 = arith.constant 16383 : i32
      %and3A_136 = arith.andi %add3A_134, %and3A_135 : i32
      %multiple_of3A_137 = tpu.assume_multiple %and3A_136, 128 : i32
      %shift_right_arithmetic3A_138 = arith.constant 14 : i32
      %shift_right_arithmetic3A_139 = arith.shrsi %add3A_134, %shift_right_arithmetic3A_138 : i32
      %get3A = arith.index_cast %shift_right_arithmetic3A_139 : i32 to index
      %get3A_140 = arith.constant 0 : index
      %get3A_141 = tpu.vector_load %arg9[%get3A, %get3A_140] {strides = array<i32>} : memref<26x128xi32, #tpu.memory_space<vmem>>, vector<16xi32>,
      %scan3A_142 = arith.constant 0 : i32
      %scan3A_143 = arith.constant 0 : i32
      %scan3A_144 = arith.constant 8 : i32
      %scan3A_145 = arith.addi %scan3A_143, %scan3A_144 : i32
      %scan3A_146 = arith.constant 1 : i32
      scf.for %scan3A_317 = %scan3A_143 to %scan3A_145 step %scan3A_146  : i32 {
        %mul3A_318 = arith.constant 16 : i32
        %mul3A_319 = arith.muli %scan3A_317, %mul3A_318 : i32
        %get3A_320 = arith.constant 0 : i32
        %get3A_321 = arith.index_cast %get3A_320 : i32 to index
        %get3A_322 = arith.index_cast %mul3A_319 : i32 to index
        %get3A_323 = tpu.vector_load %arg6[%get3A_321, %get3A_322] {strides = array<i32>} : memref<2x128xi32, #tpu.memory_space<vmem>>, vector<16xi32>,
        %add3A_324 = arith.addi %get3A_323, %get3A_141 : vector<16xi32>
        %shift_right_logical3A = arith.constant 11 : i32
        %shift_right_logical3A_325 = vector.broadcast %shift_right_logical3A : i32 to vector<16xi32>
        %shift_right_logical3A_326 = arith.shrui %add3A_324, %shift_right_logical3A_325 : vector<16xi32>
        %and3A_327 = arith.constant 3 : i32
        %and3A_328 = vector.broadcast %and3A_327 : i32 to vector<16xi32>
        %and3A_329 = arith.andi %shift_right_logical3A_326, %and3A_328 : vector<16xi32>
        %mul3A_330 = arith.constant 32 : i32
        %mul3A_331 = vector.broadcast %mul3A_330 : i32 to vector<16xi32>
        %mul3A_332 = arith.muli %and3A_329, %mul3A_331 : vector<16xi32>
        %mul3A_333 = arith.constant 16 : i32
        %mul3A_334 = arith.muli %scan3A_317, %mul3A_333 : i32
        %swap3A = arith.constant 0 : i32
        %swap3A_335 = arith.index_cast %swap3A : i32 to index
        %swap3A_336 = arith.index_cast %mul3A_334 : i32 to index
        %swap3A_337 = tpu.vector_load %arg8[%swap3A_335, %swap3A_336] {strides = array<i32>} : memref<2x128xi32, #tpu.memory_space<vmem>>, vector<16xi32>,
        tpu.vector_store %arg8[%swap3A_335, %swap3A_336], %mul3A_332 {strides = array<i32>} : memref<2x128xi32, #tpu.memory_space<vmem>>, vector<16xi32>,
        %shift_right_logical3A_338 = arith.constant 13 : i32
        %shift_right_logical3A_339 = vector.broadcast %shift_right_logical3A_338 : i32 to vector<16xi32>
        %shift_right_logical3A_340 = arith.shrui %add3A_324, %shift_right_logical3A_339 : vector<16xi32>
        %mul3A_341 = arith.constant 2048 : i32
        %mul3A_342 = vector.broadcast %mul3A_341 : i32 to vector<16xi32>
        %mul3A_343 = arith.muli %shift_right_logical3A_340, %mul3A_342 : vector<16xi32>
        %and3A_344 = arith.constant 2047 : i32
        %and3A_345 = vector.broadcast %and3A_344 : i32 to vector<16xi32>
        %and3A_346 = arith.andi %add3A_324, %and3A_345 : vector<16xi32>
        %or3A = arith.ori %mul3A_343, %and3A_346 : vector<16xi32>
        %mul3A_347 = arith.constant 16 : i32
        %mul3A_348 = arith.muli %scan3A_317, %mul3A_347 : i32
        %swap3A_349 = arith.constant 0 : i32
        %swap3A_350 = arith.index_cast %swap3A_349 : i32 to index
        %swap3A_351 = arith.index_cast %mul3A_348 : i32 to index
        %swap3A_352 = tpu.vector_load %arg7[%swap3A_350, %swap3A_351] {strides = array<i32>} : memref<2x128xi32, #tpu.memory_space<vmem>>, vector<16xi32>,
        tpu.vector_store %arg7[%swap3A_350, %swap3A_351], %or3A {strides = array<i32>} : memref<2x128xi32, #tpu.memory_space<vmem>>, vector<16xi32>,
      }
      %scan3A_147 = arith.constant 8 : i32
      %dma_start3A_148 = arith.constant 0 : i32
      %dma_start3A_149 = arith.constant 0 : i32
      %dma_start3A_150 = arith.constant 0 : i32
      %dma_start3A_151 = arith.constant 0 : i32
      %dma_start3A_152 = tpu.memref_slice %arg10[%dma_start3A_149, %dma_start3A_150, %dma_start3A_151] : memref<2x128x128xf32, #tpu.memory_space<vmem>> -> memref<1x128x128xf32, #tpu.memory_space<vmem>>
      %dma_start3A_153 = tpu.memref_squeeze %dma_start3A_152 : memref<1x128x128xf32, #tpu.memory_space<vmem>> -> memref<128x128xf32, #tpu.memory_space<vmem>>
      %dma_start3A_154 = arith.constant 0 : i32
      %dma_start3A_155 = tpu.memref_slice %arg7[%dma_start3A_148, %dma_start3A_154] : memref<2x128xi32, #tpu.memory_space<vmem>> -> memref<1x128xi32, #tpu.memory_space<vmem>>
      %dma_start3A_156 = tpu.memref_squeeze %dma_start3A_155 : memref<1x128xi32, #tpu.memory_space<vmem>> -> memref<128xi32, #tpu.memory_space<vmem>>
      %dma_start3A_157 = arith.constant 0 : i32
      %dma_start3A_158 = arith.constant 0 : i32
      %dma_start3A_159 = tpu.memref_slice %arg3[%dma_start3A_157, %dma_start3A_158] : memref<651264x128xf32, #tpu.memory_space<hbm>> -> memref<651264x128xf32, #tpu.memory_space<hbm>>
      tpu.enqueue_indirect_dma source(%dma_start3A_159 : memref<651264x128xf32, #tpu.memory_space<hbm>>) target(%dma_start3A_153 : memref<128x128xf32, #tpu.memory_space<vmem>>) offsets(%dma_start3A_156 : memref<128xi32, #tpu.memory_space<vmem>>) semaphore(%arg13 : memref<!tpu.dma_semaphore, #tpu.memory_space<semaphore_mem>>)
      %mul3A_160 = arith.constant 128 : i32
      %mul3A_161 = arith.muli %add3A_85, %mul3A_160 : i32
      %add3A_162 = arith.addi %mul3A_2, %mul3A_161 : i32
      %and3A_163 = arith.constant 16383 : i32
      %and3A_164 = arith.andi %add3A_162, %and3A_163 : i32
      %multiple_of3A_165 = tpu.assume_multiple %and3A_164, 128 : i32
      %shift_right_arithmetic3A_166 = arith.constant 14 : i32
      %shift_right_arithmetic3A_167 = arith.shrsi %add3A_162, %shift_right_arithmetic3A_166 : i32
      %dma_wait3A_168 = arith.constant 1 : i32
      %dma_wait3A_169 = arith.constant 0 : i32
      %dma_wait3A_170 = tpu.memref_slice %arg6[%dma_wait3A_168, %dma_wait3A_169] : memref<2x128xi32, #tpu.memory_space<vmem>> -> memref<1x128xi32, #tpu.memory_space<vmem>>
      %dma_wait3A_171 = tpu.memref_squeeze %dma_wait3A_170 : memref<1x128xi32, #tpu.memory_space<vmem>> -> memref<128xi32, #tpu.memory_space<vmem>>
      %dma_wait3A_172 = arith.constant 0 : i32
      %dma_wait3A_173 = tpu.memref_slice %arg2[%shift_right_arithmetic3A_167, %dma_wait3A_172] : memref<26x16384xi32, #tpu.memory_space<hbm>> -> memref<1x16384xi32, #tpu.memory_space<hbm>>
      %dma_wait3A_174 = tpu.memref_squeeze %dma_wait3A_173 : memref<1x16384xi32, #tpu.memory_space<hbm>> -> memref<16384xi32, #tpu.memory_space<hbm>>
      %dma_wait3A_175 = tpu.memref_slice %dma_wait3A_174[%multiple_of3A_165] : memref<16384xi32, #tpu.memory_space<hbm>> -> memref<128xi32, #tpu.memory_space<hbm>>
      %dma_wait3A_176 = arith.constant 0 : i32
      %dma_wait3A_177 = tpu.memref_slice %arg6[%dma_wait3A_168, %dma_wait3A_176] : memref<2x128xi32, #tpu.memory_space<vmem>> -> memref<1x128xi32, #tpu.memory_space<vmem>>
      %dma_wait3A_178 = tpu.memref_squeeze %dma_wait3A_177 : memref<1x128xi32, #tpu.memory_space<vmem>> -> memref<128xi32, #tpu.memory_space<vmem>>
      %dma_wait3A_179 = arith.constant 0 : i32
      %dma_wait3A_180 = tpu.memref_slice %arg2[%shift_right_arithmetic3A_167, %dma_wait3A_179] : memref<26x16384xi32, #tpu.memory_space<hbm>> -> memref<1x16384xi32, #tpu.memory_space<hbm>>
      %dma_wait3A_181 = tpu.memref_squeeze %dma_wait3A_180 : memref<1x16384xi32, #tpu.memory_space<hbm>> -> memref<16384xi32, #tpu.memory_space<hbm>>
      %dma_wait3A_182 = tpu.memref_slice %dma_wait3A_181[%multiple_of3A_165] : memref<16384xi32, #tpu.memory_space<hbm>> -> memref<128xi32, #tpu.memory_space<hbm>>
      tpu.wait_dma2 semaphore(%arg12 : memref<!tpu.dma_semaphore, #tpu.memory_space<semaphore_mem>>) src(%dma_wait3A_182 : memref<128xi32, #tpu.memory_space<hbm>>) dst(%dma_wait3A_178 : memref<128xi32, #tpu.memory_space<vmem>>)
      %lt3A = arith.constant 51 : i32
      %lt3A_183 = arith.cmpi slt, %scan3A_81, %lt3A : i32
      %convert_element_type3A = arith.extui %lt3A_183 : i1 to i32
      %cond3A = arith.constant 0 : i32
      %cond3A_184 = arith.cmpi ne, %convert_element_type3A, %cond3A : i32
      scf.if %cond3A_184 {
        %add3A_317 = arith.constant 2 : i32
        %add3A_318 = arith.addi %mul3A_83, %add3A_317 : i32
        %mul3A_319 = arith.constant 128 : i32
        %mul3A_320 = arith.muli %add3A_318, %mul3A_319 : i32
        %add3A_321 = arith.addi %mul3A_2, %mul3A_320 : i32
        %and3A_322 = arith.constant 16383 : i32
        %and3A_323 = arith.andi %add3A_321, %and3A_322 : i32
        %multiple_of3A_324 = tpu.assume_multiple %and3A_323, 128 : i32
        %shift_right_arithmetic3A_325 = arith.constant 14 : i32
        %shift_right_arithmetic3A_326 = arith.shrsi %add3A_321, %shift_right_arithmetic3A_325 : i32
        %dma_start3A_327 = arith.constant 0 : i32
        %dma_start3A_328 = arith.constant 0 : i32
        %dma_start3A_329 = tpu.memref_slice %arg6[%dma_start3A_327, %dma_start3A_328] : memref<2x128xi32, #tpu.memory_space<vmem>> -> memref<1x128xi32, #tpu.memory_space<vmem>>
        %dma_start3A_330 = tpu.memref_squeeze %dma_start3A_329 : memref<1x128xi32, #tpu.memory_space<vmem>> -> memref<128xi32, #tpu.memory_space<vmem>>
        %dma_start3A_331 = arith.constant 0 : i32
        %dma_start3A_332 = tpu.memref_slice %arg2[%shift_right_arithmetic3A_326, %dma_start3A_331] : memref<26x16384xi32, #tpu.memory_space<hbm>> -> memref<1x16384xi32, #tpu.memory_space<hbm>>
        %dma_start3A_333 = tpu.memref_squeeze %dma_start3A_332 : memref<1x16384xi32, #tpu.memory_space<hbm>> -> memref<16384xi32, #tpu.memory_space<hbm>>
        %dma_start3A_334 = tpu.memref_slice %dma_start3A_333[%multiple_of3A_324] : memref<16384xi32, #tpu.memory_space<hbm>> -> memref<128xi32, #tpu.memory_space<hbm>>
        %dma_start3A_335 = arith.constant 0 : i32
        %dma_start3A_336 = tpu.memref_slice %arg6[%dma_start3A_327, %dma_start3A_335] : memref<2x128xi32, #tpu.memory_space<vmem>> -> memref<1x128xi32, #tpu.memory_space<vmem>>
        %dma_start3A_337 = tpu.memref_squeeze %dma_start3A_336 : memref<1x128xi32, #tpu.memory_space<vmem>> -> memref<128xi32, #tpu.memory_space<vmem>>
        %dma_start3A_338 = arith.constant 0 : i32
        %dma_start3A_339 = tpu.memref_slice %arg2[%shift_right_arithmetic3A_326, %dma_start3A_338] : memref<26x16384xi32, #tpu.memory_space<hbm>> -> memref<1x16384xi32, #tpu.memory_space<hbm>>
        %dma_start3A_340 = tpu.memref_squeeze %dma_start3A_339 : memref<1x16384xi32, #tpu.memory_space<hbm>> -> memref<16384xi32, #tpu.memory_space<hbm>>
        %dma_start3A_341 = tpu.memref_slice %dma_start3A_340[%multiple_of3A_324] : memref<16384xi32, #tpu.memory_space<hbm>> -> memref<128xi32, #tpu.memory_space<hbm>>
        tpu.enqueue_dma source(%dma_start3A_341 : memref<128xi32, #tpu.memory_space<hbm>>) target(%dma_start3A_337 : memref<128xi32, #tpu.memory_space<vmem>>) target_semaphore(%arg12 : memref<!tpu.dma_semaphore, #tpu.memory_space<semaphore_mem>>)
      } else {
      }
      %mul3A_185 = arith.constant 128 : i32
      %mul3A_186 = arith.muli %add3A_85, %mul3A_185 : i32
      %add3A_187 = arith.addi %mul3A_2, %mul3A_186 : i32
      %and3A_188 = arith.constant 16383 : i32
      %and3A_189 = arith.andi %add3A_187, %and3A_188 : i32
      %multiple_of3A_190 = tpu.assume_multiple %and3A_189, 128 : i32
      %shift_right_arithmetic3A_191 = arith.constant 14 : i32
      %shift_right_arithmetic3A_192 = arith.shrsi %add3A_187, %shift_right_arithmetic3A_191 : i32
      %get3A_193 = arith.index_cast %shift_right_arithmetic3A_192 : i32 to index
      %get3A_194 = arith.constant 0 : index
      %get3A_195 = tpu.vector_load %arg9[%get3A_193, %get3A_194] {strides = array<i32>} : memref<26x128xi32, #tpu.memory_space<vmem>>, vector<16xi32>,
      %scan3A_196 = arith.constant 0 : i32
      %scan3A_197 = arith.constant 0 : i32
      %scan3A_198 = arith.constant 8 : i32
      %scan3A_199 = arith.addi %scan3A_197, %scan3A_198 : i32
      %scan3A_200 = arith.constant 1 : i32
      scf.for %scan3A_317 = %scan3A_197 to %scan3A_199 step %scan3A_200  : i32 {
        %mul3A_318 = arith.constant 16 : i32
        %mul3A_319 = arith.muli %scan3A_317, %mul3A_318 : i32
        %get3A_320 = arith.constant 1 : i32
        %get3A_321 = arith.index_cast %get3A_320 : i32 to index
        %get3A_322 = arith.index_cast %mul3A_319 : i32 to index
        %get3A_323 = tpu.vector_load %arg6[%get3A_321, %get3A_322] {strides = array<i32>} : memref<2x128xi32, #tpu.memory_space<vmem>>, vector<16xi32>,
        %add3A_324 = arith.addi %get3A_323, %get3A_195 : vector<16xi32>
        %shift_right_logical3A = arith.constant 11 : i32
        %shift_right_logical3A_325 = vector.broadcast %shift_right_logical3A : i32 to vector<16xi32>
        %shift_right_logical3A_326 = arith.shrui %add3A_324, %shift_right_logical3A_325 : vector<16xi32>
        %and3A_327 = arith.constant 3 : i32
        %and3A_328 = vector.broadcast %and3A_327 : i32 to vector<16xi32>
        %and3A_329 = arith.andi %shift_right_logical3A_326, %and3A_328 : vector<16xi32>
        %mul3A_330 = arith.constant 32 : i32
        %mul3A_331 = vector.broadcast %mul3A_330 : i32 to vector<16xi32>
        %mul3A_332 = arith.muli %and3A_329, %mul3A_331 : vector<16xi32>
        %mul3A_333 = arith.constant 16 : i32
        %mul3A_334 = arith.muli %scan3A_317, %mul3A_333 : i32
        %swap3A = arith.constant 1 : i32
        %swap3A_335 = arith.index_cast %swap3A : i32 to index
        %swap3A_336 = arith.index_cast %mul3A_334 : i32 to index
        %swap3A_337 = tpu.vector_load %arg8[%swap3A_335, %swap3A_336] {strides = array<i32>} : memref<2x128xi32, #tpu.memory_space<vmem>>, vector<16xi32>,
        tpu.vector_store %arg8[%swap3A_335, %swap3A_336], %mul3A_332 {strides = array<i32>} : memref<2x128xi32, #tpu.memory_space<vmem>>, vector<16xi32>,
        %shift_right_logical3A_338 = arith.constant 13 : i32
        %shift_right_logical3A_339 = vector.broadcast %shift_right_logical3A_338 : i32 to vector<16xi32>
        %shift_right_logical3A_340 = arith.shrui %add3A_324, %shift_right_logical3A_339 : vector<16xi32>
        %mul3A_341 = arith.constant 2048 : i32
        %mul3A_342 = vector.broadcast %mul3A_341 : i32 to vector<16xi32>
        %mul3A_343 = arith.muli %shift_right_logical3A_340, %mul3A_342 : vector<16xi32>
        %and3A_344 = arith.constant 2047 : i32
        %and3A_345 = vector.broadcast %and3A_344 : i32 to vector<16xi32>
        %and3A_346 = arith.andi %add3A_324, %and3A_345 : vector<16xi32>
        %or3A = arith.ori %mul3A_343, %and3A_346 : vector<16xi32>
        %mul3A_347 = arith.constant 16 : i32
        %mul3A_348 = arith.muli %scan3A_317, %mul3A_347 : i32
        %swap3A_349 = arith.constant 1 : i32
        %swap3A_350 = arith.index_cast %swap3A_349 : i32 to index
        %swap3A_351 = arith.index_cast %mul3A_348 : i32 to index
        %swap3A_352 = tpu.vector_load %arg7[%swap3A_350, %swap3A_351] {strides = array<i32>} : memref<2x128xi32, #tpu.memory_space<vmem>>, vector<16xi32>,
        tpu.vector_store %arg7[%swap3A_350, %swap3A_351], %or3A {strides = array<i32>} : memref<2x128xi32, #tpu.memory_space<vmem>>, vector<16xi32>,
      }
      %scan3A_201 = arith.constant 8 : i32
      %dma_wait3A_202 = arith.constant 0 : i32
      %dma_wait3A_203 = arith.constant 0 : i32
      %dma_wait3A_204 = arith.constant 0 : i32
      %dma_wait3A_205 = arith.constant 0 : i32
      %dma_wait3A_206 = tpu.memref_slice %arg10[%dma_wait3A_203, %dma_wait3A_204, %dma_wait3A_205] : memref<2x128x128xf32, #tpu.memory_space<vmem>> -> memref<1x128x128xf32, #tpu.memory_space<vmem>>
      %dma_wait3A_207 = tpu.memref_squeeze %dma_wait3A_206 : memref<1x128x128xf32, #tpu.memory_space<vmem>> -> memref<128x128xf32, #tpu.memory_space<vmem>>
      %dma_wait3A_208 = arith.constant 0 : i32
      %dma_wait3A_209 = tpu.memref_slice %arg7[%dma_wait3A_202, %dma_wait3A_208] : memref<2x128xi32, #tpu.memory_space<vmem>> -> memref<1x128xi32, #tpu.memory_space<vmem>>
      %dma_wait3A_210 = tpu.memref_squeeze %dma_wait3A_209 : memref<1x128xi32, #tpu.memory_space<vmem>> -> memref<128xi32, #tpu.memory_space<vmem>>
      %dma_wait3A_211 = arith.constant 0 : i32
      %dma_wait3A_212 = arith.constant 0 : i32
      %dma_wait3A_213 = tpu.memref_slice %arg3[%dma_wait3A_211, %dma_wait3A_212] : memref<651264x128xf32, #tpu.memory_space<hbm>> -> memref<651264x128xf32, #tpu.memory_space<hbm>>
      tpu.wait_indirect_dma semaphore(%arg13 : memref<!tpu.dma_semaphore, #tpu.memory_space<semaphore_mem>>) src(%dma_wait3A_213 : memref<651264x128xf32, #tpu.memory_space<hbm>>) dst(%dma_wait3A_207 : memref<128x128xf32, #tpu.memory_space<vmem>>)
      %dma_start3A_214 = arith.constant 1 : i32
      %dma_start3A_215 = arith.constant 1 : i32
      %dma_start3A_216 = arith.constant 0 : i32
      %dma_start3A_217 = arith.constant 0 : i32
      %dma_start3A_218 = tpu.memref_slice %arg10[%dma_start3A_215, %dma_start3A_216, %dma_start3A_217] : memref<2x128x128xf32, #tpu.memory_space<vmem>> -> memref<1x128x128xf32, #tpu.memory_space<vmem>>
      %dma_start3A_219 = tpu.memref_squeeze %dma_start3A_218 : memref<1x128x128xf32, #tpu.memory_space<vmem>> -> memref<128x128xf32, #tpu.memory_space<vmem>>
      %dma_start3A_220 = arith.constant 0 : i32
      %dma_start3A_221 = tpu.memref_slice %arg7[%dma_start3A_214, %dma_start3A_220] : memref<2x128xi32, #tpu.memory_space<vmem>> -> memref<1x128xi32, #tpu.memory_space<vmem>>
      %dma_start3A_222 = tpu.memref_squeeze %dma_start3A_221 : memref<1x128xi32, #tpu.memory_space<vmem>> -> memref<128xi32, #tpu.memory_space<vmem>>
      %dma_start3A_223 = arith.constant 0 : i32
      %dma_start3A_224 = arith.constant 0 : i32
      %dma_start3A_225 = tpu.memref_slice %arg3[%dma_start3A_223, %dma_start3A_224] : memref<651264x128xf32, #tpu.memory_space<hbm>> -> memref<651264x128xf32, #tpu.memory_space<hbm>>
      tpu.enqueue_indirect_dma source(%dma_start3A_225 : memref<651264x128xf32, #tpu.memory_space<hbm>>) target(%dma_start3A_219 : memref<128x128xf32, #tpu.memory_space<vmem>>) offsets(%dma_start3A_222 : memref<128xi32, #tpu.memory_space<vmem>>) semaphore(%arg14 : memref<!tpu.dma_semaphore, #tpu.memory_space<semaphore_mem>>)
      %gt3A = arith.constant 0 : i32
      %gt3A_226 = arith.cmpi sgt, %scan3A_81, %gt3A : i32
      %convert_element_type3A_227 = arith.extui %gt3A_226 : i1 to i32
      %cond3A_228 = arith.constant 0 : i32
      %cond3A_229 = arith.cmpi ne, %convert_element_type3A_227, %cond3A_228 : i32
      scf.if %cond3A_229 {
        %sub3A = arith.constant 2 : i32
        %sub3A_317 = arith.subi %mul3A_83, %sub3A : i32
        %mul3A_318 = arith.constant 128 : i32
        %mul3A_319 = arith.muli %sub3A_317, %mul3A_318 : i32
        %add3A_320 = arith.addi %mul3A_2, %mul3A_319 : i32
        %and3A_321 = arith.constant 16383 : i32
        %and3A_322 = arith.andi %add3A_320, %and3A_321 : i32
        %multiple_of3A_323 = tpu.assume_multiple %and3A_322, 128 : i32
        %shift_right_arithmetic3A_324 = arith.constant 14 : i32
        %shift_right_arithmetic3A_325 = arith.shrsi %add3A_320, %shift_right_arithmetic3A_324 : i32
        %dma_wait3A_326 = arith.constant 0 : i32
        %dma_wait3A_327 = arith.constant 0 : i32
        %dma_wait3A_328 = arith.constant 0 : i32
        %dma_wait3A_329 = tpu.memref_slice %arg11[%dma_wait3A_326, %dma_wait3A_327, %dma_wait3A_328] : memref<2x32x128xf32, #tpu.memory_space<vmem>> -> memref<1x32x128xf32, #tpu.memory_space<vmem>>
        %dma_wait3A_330 = tpu.memref_squeeze %dma_wait3A_329 : memref<1x32x128xf32, #tpu.memory_space<vmem>> -> memref<32x128xf32, #tpu.memory_space<vmem>>
        %dma_wait3A_331 = arith.constant 0 : i32
        %dma_wait3A_332 = arith.constant 0 : i32
        %dma_wait3A_333 = tpu.memref_slice %arg5[%shift_right_arithmetic3A_325, %dma_wait3A_331, %dma_wait3A_332] : memref<26x32x16384xf32, #tpu.memory_space<hbm>> -> memref<1x32x16384xf32, #tpu.memory_space<hbm>>
        %dma_wait3A_334 = tpu.memref_squeeze %dma_wait3A_333 : memref<1x32x16384xf32, #tpu.memory_space<hbm>> -> memref<32x16384xf32, #tpu.memory_space<hbm>>
        %dma_wait3A_335 = arith.constant 0 : i32
        %dma_wait3A_336 = tpu.memref_slice %dma_wait3A_334[%dma_wait3A_335, %multiple_of3A_323] : memref<32x16384xf32, #tpu.memory_space<hbm>> -> memref<32x128xf32, #tpu.memory_space<hbm>>
        %dma_wait3A_337 = arith.constant 0 : i32
        %dma_wait3A_338 = arith.constant 0 : i32
        %dma_wait3A_339 = tpu.memref_slice %arg5[%shift_right_arithmetic3A_325, %dma_wait3A_337, %dma_wait3A_338] : memref<26x32x16384xf32, #tpu.memory_space<hbm>> -> memref<1x32x16384xf32, #tpu.memory_space<hbm>>
        %dma_wait3A_340 = tpu.memref_squeeze %dma_wait3A_339 : memref<1x32x16384xf32, #tpu.memory_space<hbm>> -> memref<32x16384xf32, #tpu.memory_space<hbm>>
        %dma_wait3A_341 = arith.constant 0 : i32
        %dma_wait3A_342 = tpu.memref_slice %dma_wait3A_340[%dma_wait3A_341, %multiple_of3A_323] : memref<32x16384xf32, #tpu.memory_space<hbm>> -> memref<32x128xf32, #tpu.memory_space<hbm>>
        %dma_wait3A_343 = arith.constant 0 : i32
        %dma_wait3A_344 = arith.constant 0 : i32
        %dma_wait3A_345 = tpu.memref_slice %arg11[%dma_wait3A_326, %dma_wait3A_343, %dma_wait3A_344] : memref<2x32x128xf32, #tpu.memory_space<vmem>> -> memref<1x32x128xf32, #tpu.memory_space<vmem>>
        %dma_wait3A_346 = tpu.memref_squeeze %dma_wait3A_345 : memref<1x32x128xf32, #tpu.memory_space<vmem>> -> memref<32x128xf32, #tpu.memory_space<vmem>>
        tpu.wait_dma2 semaphore(%arg15 : memref<!tpu.dma_semaphore, #tpu.memory_space<semaphore_mem>>) src(%dma_wait3A_346 : memref<32x128xf32, #tpu.memory_space<vmem>>) dst(%dma_wait3A_342 : memref<32x128xf32, #tpu.memory_space<hbm>>)
      } else {
      }
      %scan3A_230 = arith.constant 0 : i32
      %scan3A_231 = arith.constant 0 : i32
      %scan3A_232 = arith.constant 8 : i32
      %scan3A_233 = arith.addi %scan3A_231, %scan3A_232 : i32
      %scan3A_234 = arith.constant 1 : i32
      scf.for %scan3A_317 = %scan3A_231 to %scan3A_233 step %scan3A_234  : i32 {
        %mul3A_318 = arith.constant 16 : i32
        %mul3A_319 = arith.muli %scan3A_317, %mul3A_318 : i32
        %get3A_320 = arith.constant 0 : i32
        %get3A_321 = arith.index_cast %get3A_320 : i32 to index
        %get3A_322 = arith.index_cast %mul3A_319 : i32 to index
        %get3A_323 = tpu.vector_load %arg8[%get3A_321, %get3A_322] {strides = array<i32>} : memref<2x128xi32, #tpu.memory_space<vmem>>, vector<16xi32>,
        %slice3A = vector.extract_strided_slice %get3A_323 {offsets = [0], sizes = [1], strides = [1]} : vector<16xi32> to vector<1xi32>
        %squeeze3A = vector.extract %slice3A[0] : i32 from vector<1xi32>
        %mul3A_324 = arith.constant 16 : i32
        %mul3A_325 = arith.muli %scan3A_317, %mul3A_324 : i32
        %add3A_326 = arith.constant 0 : i32
        %add3A_327 = arith.addi %mul3A_325, %add3A_326 : i32
        %get3A_328 = arith.constant 0 : i32
        %get3A_329 = arith.constant 0 : i32
        %get3A_330 = arith.constant 0 : i32
        %get3A_331 = tpu.memref_slice %arg10[%get3A_328, %get3A_329, %get3A_330] : memref<2x128x128xf32, #tpu.memory_space<vmem>> -> memref<1x128x128xf32, #tpu.memory_space<vmem>>
        %get3A_332 = tpu.memref_squeeze %get3A_331 : memref<1x128x128xf32, #tpu.memory_space<vmem>> -> memref<128x128xf32, #tpu.memory_space<vmem>>
        %get3A_333 = arith.constant 0 : i32
        %get3A_334 = tpu.memref_slice %get3A_332[%add3A_327, %get3A_333] : memref<128x128xf32, #tpu.memory_space<vmem>> -> memref<1x128xf32, #tpu.memory_space<vmem>>
        %get3A_335 = tpu.memref_squeeze %get3A_334 : memref<1x128xf32, #tpu.memory_space<vmem>> -> memref<128xf32, #tpu.memory_space<vmem>>
        %get3A_336 = arith.index_cast %squeeze3A : i32 to index
        %get3A_337 = tpu.vector_load %get3A_335[%get3A_336] {strides = array<i32>} : memref<128xf32, #tpu.memory_space<vmem>>, vector<16xf32>,
        %add3A_338 = arith.constant 16 : i32
        %add3A_339 = arith.addi %squeeze3A, %add3A_338 : i32
        %get3A_340 = arith.constant 0 : i32
        %get3A_341 = arith.constant 0 : i32
        %get3A_342 = arith.constant 0 : i32
        %get3A_343 = tpu.memref_slice %arg10[%get3A_340, %get3A_341, %get3A_342] : memref<2x128x128xf32, #tpu.memory_space<vmem>> -> memref<1x128x128xf32, #tpu.memory_space<vmem>>
        %get3A_344 = tpu.memref_squeeze %get3A_343 : memref<1x128x128xf32, #tpu.memory_space<vmem>> -> memref<128x128xf32, #tpu.memory_space<vmem>>
        %get3A_345 = arith.constant 0 : i32
        %get3A_346 = tpu.memref_slice %get3A_344[%add3A_327, %get3A_345] : memref<128x128xf32, #tpu.memory_space<vmem>> -> memref<1x128xf32, #tpu.memory_space<vmem>>
        %get3A_347 = tpu.memref_squeeze %get3A_346 : memref<1x128xf32, #tpu.memory_space<vmem>> -> memref<128xf32, #tpu.memory_space<vmem>>
        %get3A_348 = arith.index_cast %add3A_339 : i32 to index
        %get3A_349 = tpu.vector_load %get3A_347[%get3A_348] {strides = array<i32>} : memref<128xf32, #tpu.memory_space<vmem>>, vector<16xf32>,
        %broadcast_in_dim3A = arith.constant 0 : i32
        %broadcast_in_dim3A_350 = vector.broadcast %broadcast_in_dim3A : i32 to vector<16xi32>
        %add3A_351 = vector.broadcast %add3A_327 : i32 to vector<16xi32>
        %add3A_352 = arith.addi %broadcast_in_dim3A_350, %add3A_351 : vector<16xi32>
        %scatter3A = arith.constant 0 : i32
        %scatter3A_353 = arith.constant 0 : i32
        %scatter3A_354 = arith.constant 0 : i32
        %scatter3A_355 = tpu.memref_slice %arg11[%scatter3A, %scatter3A_353, %scatter3A_354] : memref<2x32x128xf32, #tpu.memory_space<vmem>> -> memref<1x32x128xf32, #tpu.memory_space<vmem>>
        %scatter3A_356 = tpu.memref_squeeze %scatter3A_355 : memref<1x32x128xf32, #tpu.memory_space<vmem>> -> memref<32x128xf32, #tpu.memory_space<vmem>>
        tpu.vector_store_idx %scatter3A_356[%iota3A, %add3A_352], %get3A_337 : memref<32x128xf32, #tpu.memory_space<vmem>>[vector<16xi32>, vector<16xi32>], vector<16xf32>,
        %add3A_357 = arith.constant 16 : i32
        %add3A_358 = vector.broadcast %add3A_357 : i32 to vector<16xi32>
        %add3A_359 = arith.addi %iota3A, %add3A_358 : vector<16xi32>
        %scatter3A_360 = arith.constant 0 : i32
        %scatter3A_361 = arith.constant 0 : i32
        %scatter3A_362 = arith.constant 0 : i32
        %scatter3A_363 = tpu.memref_slice %arg11[%scatter3A_360, %scatter3A_361, %scatter3A_362] : memref<2x32x128xf32, #tpu.memory_space<vmem>> -> memref<1x32x128xf32, #tpu.memory_space<vmem>>
        %scatter3A_364 = tpu.memref_squeeze %scatter3A_363 : memref<1x32x128xf32, #tpu.memory_space<vmem>> -> memref<32x128xf32, #tpu.memory_space<vmem>>
        tpu.vector_store_idx %scatter3A_364[%add3A_359, %add3A_352], %get3A_349 : memref<32x128xf32, #tpu.memory_space<vmem>>[vector<16xi32>, vector<16xi32>], vector<16xf32>,
        %slice3A_365 = vector.extract_strided_slice %get3A_323 {offsets = [1], sizes = [1], strides = [1]} : vector<16xi32> to vector<1xi32>
        %squeeze3A_366 = vector.extract %slice3A_365[0] : i32 from vector<1xi32>
        %mul3A_367 = arith.constant 16 : i32
        %mul3A_368 = arith.muli %scan3A_317, %mul3A_367 : i32
        %add3A_369 = arith.constant 1 : i32
        %add3A_370 = arith.addi %mul3A_368, %add3A_369 : i32
        %get3A_371 = arith.constant 0 : i32
        %get3A_372 = arith.constant 0 : i32
        %get3A_373 = arith.constant 0 : i32
        %get3A_374 = tpu.memref_slice %arg10[%get3A_371, %get3A_372, %get3A_373] : memref<2x128x128xf32, #tpu.memory_space<vmem>> -> memref<1x128x128xf32, #tpu.memory_space<vmem>>
        %get3A_375 = tpu.memref_squeeze %get3A_374 : memref<1x128x128xf32, #tpu.memory_space<vmem>> -> memref<128x128xf32, #tpu.memory_space<vmem>>
        %get3A_376 = arith.constant 0 : i32
        %get3A_377 = tpu.memref_slice %get3A_375[%add3A_370, %get3A_376] : memref<128x128xf32, #tpu.memory_space<vmem>> -> memref<1x128xf32, #tpu.memory_space<vmem>>
        %get3A_378 = tpu.memref_squeeze %get3A_377 : memref<1x128xf32, #tpu.memory_space<vmem>> -> memref<128xf32, #tpu.memory_space<vmem>>
        %get3A_379 = arith.index_cast %squeeze3A_366 : i32 to index
        %get3A_380 = tpu.vector_load %get3A_378[%get3A_379] {strides = array<i32>} : memref<128xf32, #tpu.memory_space<vmem>>, vector<16xf32>,
        %add3A_381 = arith.constant 16 : i32
        %add3A_382 = arith.addi %squeeze3A_366, %add3A_381 : i32
        %get3A_383 = arith.constant 0 : i32
        %get3A_384 = arith.constant 0 : i32
        %get3A_385 = arith.constant 0 : i32
        %get3A_386 = tpu.memref_slice %arg10[%get3A_383, %get3A_384, %get3A_385] : memref<2x128x128xf32, #tpu.memory_space<vmem>> -> memref<1x128x128xf32, #tpu.memory_space<vmem>>
        %get3A_387 = tpu.memref_squeeze %get3A_386 : memref<1x128x128xf32, #tpu.memory_space<vmem>> -> memref<128x128xf32, #tpu.memory_space<vmem>>
        %get3A_388 = arith.constant 0 : i32
        %get3A_389 = tpu.memref_slice %get3A_387[%add3A_370, %get3A_388] : memref<128x128xf32, #tpu.memory_space<vmem>> -> memref<1x128xf32, #tpu.memory_space<vmem>>
        %get3A_390 = tpu.memref_squeeze %get3A_389 : memref<1x128xf32, #tpu.memory_space<vmem>> -> memref<128xf32, #tpu.memory_space<vmem>>
        %get3A_391 = arith.index_cast %add3A_382 : i32 to index
        %get3A_392 = tpu.vector_load %get3A_390[%get3A_391] {strides = array<i32>} : memref<128xf32, #tpu.memory_space<vmem>>, vector<16xf32>,
        %broadcast_in_dim3A_393 = arith.constant 0 : i32
        %broadcast_in_dim3A_394 = vector.broadcast %broadcast_in_dim3A_393 : i32 to vector<16xi32>
        %add3A_395 = vector.broadcast %add3A_370 : i32 to vector<16xi32>
        %add3A_396 = arith.addi %broadcast_in_dim3A_394, %add3A_395 : vector<16xi32>
        %scatter3A_397 = arith.constant 0 : i32
        %scatter3A_398 = arith.constant 0 : i32
        %scatter3A_399 = arith.constant 0 : i32
        %scatter3A_400 = tpu.memref_slice %arg11[%scatter3A_397, %scatter3A_398, %scatter3A_399] : memref<2x32x128xf32, #tpu.memory_space<vmem>> -> memref<1x32x128xf32, #tpu.memory_space<vmem>>
        %scatter3A_401 = tpu.memref_squeeze %scatter3A_400 : memref<1x32x128xf32, #tpu.memory_space<vmem>> -> memref<32x128xf32, #tpu.memory_space<vmem>>
        tpu.vector_store_idx %scatter3A_401[%iota3A, %add3A_396], %get3A_380 : memref<32x128xf32, #tpu.memory_space<vmem>>[vector<16xi32>, vector<16xi32>], vector<16xf32>,
        %add3A_402 = arith.constant 16 : i32
        %add3A_403 = vector.broadcast %add3A_402 : i32 to vector<16xi32>
        %add3A_404 = arith.addi %iota3A, %add3A_403 : vector<16xi32>
        %scatter3A_405 = arith.constant 0 : i32
        %scatter3A_406 = arith.constant 0 : i32
        %scatter3A_407 = arith.constant 0 : i32
        %scatter3A_408 = tpu.memref_slice %arg11[%scatter3A_405, %scatter3A_406, %scatter3A_407] : memref<2x32x128xf32, #tpu.memory_space<vmem>> -> memref<1x32x128xf32, #tpu.memory_space<vmem>>
        %scatter3A_409 = tpu.memref_squeeze %scatter3A_408 : memref<1x32x128xf32, #tpu.memory_space<vmem>> -> memref<32x128xf32, #tpu.memory_space<vmem>>
        tpu.vector_store_idx %scatter3A_409[%add3A_404, %add3A_396], %get3A_392 : memref<32x128xf32, #tpu.memory_space<vmem>>[vector<16xi32>, vector<16xi32>], vector<16xf32>,
        %slice3A_410 = vector.extract_strided_slice %get3A_323 {offsets = [2], sizes = [1], strides = [1]} : vector<16xi32> to vector<1xi32>
        %squeeze3A_411 = vector.extract %slice3A_410[0] : i32 from vector<1xi32>
        %mul3A_412 = arith.constant 16 : i32
        %mul3A_413 = arith.muli %scan3A_317, %mul3A_412 : i32
        %add3A_414 = arith.constant 2 : i32
        %add3A_415 = arith.addi %mul3A_413, %add3A_414 : i32
        %get3A_416 = arith.constant 0 : i32
        %get3A_417 = arith.constant 0 : i32
        %get3A_418 = arith.constant 0 : i32
        %get3A_419 = tpu.memref_slice %arg10[%get3A_416, %get3A_417, %get3A_418] : memref<2x128x128xf32, #tpu.memory_space<vmem>> -> memref<1x128x128xf32, #tpu.memory_space<vmem>>
        %get3A_420 = tpu.memref_squeeze %get3A_419 : memref<1x128x128xf32, #tpu.memory_space<vmem>> -> memref<128x128xf32, #tpu.memory_space<vmem>>
        %get3A_421 = arith.constant 0 : i32
        %get3A_422 = tpu.memref_slice %get3A_420[%add3A_415, %get3A_421] : memref<128x128xf32, #tpu.memory_space<vmem>> -> memref<1x128xf32, #tpu.memory_space<vmem>>
        %get3A_423 = tpu.memref_squeeze %get3A_422 : memref<1x128xf32, #tpu.memory_space<vmem>> -> memref<128xf32, #tpu.memory_space<vmem>>
        %get3A_424 = arith.index_cast %squeeze3A_411 : i32 to index
        %get3A_425 = tpu.vector_load %get3A_423[%get3A_424] {strides = array<i32>} : memref<128xf32, #tpu.memory_space<vmem>>, vector<16xf32>,
        %add3A_426 = arith.constant 16 : i32
        %add3A_427 = arith.addi %squeeze3A_411, %add3A_426 : i32
        %get3A_428 = arith.constant 0 : i32
        %get3A_429 = arith.constant 0 : i32
        %get3A_430 = arith.constant 0 : i32
        %get3A_431 = tpu.memref_slice %arg10[%get3A_428, %get3A_429, %get3A_430] : memref<2x128x128xf32, #tpu.memory_space<vmem>> -> memref<1x128x128xf32, #tpu.memory_space<vmem>>
        %get3A_432 = tpu.memref_squeeze %get3A_431 : memref<1x128x128xf32, #tpu.memory_space<vmem>> -> memref<128x128xf32, #tpu.memory_space<vmem>>
        %get3A_433 = arith.constant 0 : i32
        %get3A_434 = tpu.memref_slice %get3A_432[%add3A_415, %get3A_433] : memref<128x128xf32, #tpu.memory_space<vmem>> -> memref<1x128xf32, #tpu.memory_space<vmem>>
        %get3A_435 = tpu.memref_squeeze %get3A_434 : memref<1x128xf32, #tpu.memory_space<vmem>> -> memref<128xf32, #tpu.memory_space<vmem>>
        %get3A_436 = arith.index_cast %add3A_427 : i32 to index
        %get3A_437 = tpu.vector_load %get3A_435[%get3A_436] {strides = array<i32>} : memref<128xf32, #tpu.memory_space<vmem>>, vector<16xf32>,
        %broadcast_in_dim3A_438 = arith.constant 0 : i32
        %broadcast_in_dim3A_439 = vector.broadcast %broadcast_in_dim3A_438 : i32 to vector<16xi32>
        %add3A_440 = vector.broadcast %add3A_415 : i32 to vector<16xi32>
        %add3A_441 = arith.addi %broadcast_in_dim3A_439, %add3A_440 : vector<16xi32>
        %scatter3A_442 = arith.constant 0 : i32
        %scatter3A_443 = arith.constant 0 : i32
        %scatter3A_444 = arith.constant 0 : i32
        %scatter3A_445 = tpu.memref_slice %arg11[%scatter3A_442, %scatter3A_443, %scatter3A_444] : memref<2x32x128xf32, #tpu.memory_space<vmem>> -> memref<1x32x128xf32, #tpu.memory_space<vmem>>
        %scatter3A_446 = tpu.memref_squeeze %scatter3A_445 : memref<1x32x128xf32, #tpu.memory_space<vmem>> -> memref<32x128xf32, #tpu.memory_space<vmem>>
        tpu.vector_store_idx %scatter3A_446[%iota3A, %add3A_441], %get3A_425 : memref<32x128xf32, #tpu.memory_space<vmem>>[vector<16xi32>, vector<16xi32>], vector<16xf32>,
        %add3A_447 = arith.constant 16 : i32
        %add3A_448 = vector.broadcast %add3A_447 : i32 to vector<16xi32>
        %add3A_449 = arith.addi %iota3A, %add3A_448 : vector<16xi32>
        %scatter3A_450 = arith.constant 0 : i32
        %scatter3A_451 = arith.constant 0 : i32
        %scatter3A_452 = arith.constant 0 : i32
        %scatter3A_453 = tpu.memref_slice %arg11[%scatter3A_450, %scatter3A_451, %scatter3A_452] : memref<2x32x128xf32, #tpu.memory_space<vmem>> -> memref<1x32x128xf32, #tpu.memory_space<vmem>>
        %scatter3A_454 = tpu.memref_squeeze %scatter3A_453 : memref<1x32x128xf32, #tpu.memory_space<vmem>> -> memref<32x128xf32, #tpu.memory_space<vmem>>
        tpu.vector_store_idx %scatter3A_454[%add3A_449, %add3A_441], %get3A_437 : memref<32x128xf32, #tpu.memory_space<vmem>>[vector<16xi32>, vector<16xi32>], vector<16xf32>,
        %slice3A_455 = vector.extract_strided_slice %get3A_323 {offsets = [3], sizes = [1], strides = [1]} : vector<16xi32> to vector<1xi32>
        %squeeze3A_456 = vector.extract %slice3A_455[0] : i32 from vector<1xi32>
        %mul3A_457 = arith.constant 16 : i32
        %mul3A_458 = arith.muli %scan3A_317, %mul3A_457 : i32
        %add3A_459 = arith.constant 3 : i32
        %add3A_460 = arith.addi %mul3A_458, %add3A_459 : i32
        %get3A_461 = arith.constant 0 : i32
        %get3A_462 = arith.constant 0 : i32
        %get3A_463 = arith.constant 0 : i32
        %get3A_464 = tpu.memref_slice %arg10[%get3A_461, %get3A_462, %get3A_463] : memref<2x128x128xf32, #tpu.memory_space<vmem>> -> memref<1x128x128xf32, #tpu.memory_space<vmem>>
        %get3A_465 = tpu.memref_squeeze %get3A_464 : memref<1x128x128xf32, #tpu.memory_space<vmem>> -> memref<128x128xf32, #tpu.memory_space<vmem>>
        %get3A_466 = arith.constant 0 : i32
        %get3A_467 = tpu.memref_slice %get3A_465[%add3A_460, %get3A_466] : memref<128x128xf32, #tpu.memory_space<vmem>> -> memref<1x128xf32, #tpu.memory_space<vmem>>
        %get3A_468 = tpu.memref_squeeze %get3A_467 : memref<1x128xf32, #tpu.memory_space<vmem>> -> memref<128xf32, #tpu.memory_space<vmem>>
        %get3A_469 = arith.index_cast %squeeze3A_456 : i32 to index
        %get3A_470 = tpu.vector_load %get3A_468[%get3A_469] {strides = array<i32>} : memref<128xf32, #tpu.memory_space<vmem>>, vector<16xf32>,
        %add3A_471 = arith.constant 16 : i32
        %add3A_472 = arith.addi %squeeze3A_456, %add3A_471 : i32
        %get3A_473 = arith.constant 0 : i32
        %get3A_474 = arith.constant 0 : i32
        %get3A_475 = arith.constant 0 : i32
        %get3A_476 = tpu.memref_slice %arg10[%get3A_473, %get3A_474, %get3A_475] : memref<2x128x128xf32, #tpu.memory_space<vmem>> -> memref<1x128x128xf32, #tpu.memory_space<vmem>>
        %get3A_477 = tpu.memref_squeeze %get3A_476 : memref<1x128x128xf32, #tpu.memory_space<vmem>> -> memref<128x128xf32, #tpu.memory_space<vmem>>
        %get3A_478 = arith.constant 0 : i32
        %get3A_479 = tpu.memref_slice %get3A_477[%add3A_460, %get3A_478] : memref<128x128xf32, #tpu.memory_space<vmem>> -> memref<1x128xf32, #tpu.memory_space<vmem>>
        %get3A_480 = tpu.memref_squeeze %get3A_479 : memref<1x128xf32, #tpu.memory_space<vmem>> -> memref<128xf32, #tpu.memory_space<vmem>>
        %get3A_481 = arith.index_cast %add3A_472 : i32 to index
        %get3A_482 = tpu.vector_load %get3A_480[%get3A_481] {strides = array<i32>} : memref<128xf32, #tpu.memory_space<vmem>>, vector<16xf32>,
        %broadcast_in_dim3A_483 = arith.constant 0 : i32
        %broadcast_in_dim3A_484 = vector.broadcast %broadcast_in_dim3A_483 : i32 to vector<16xi32>
        %add3A_485 = vector.broadcast %add3A_460 : i32 to vector<16xi32>
        %add3A_486 = arith.addi %broadcast_in_dim3A_484, %add3A_485 : vector<16xi32>
        %scatter3A_487 = arith.constant 0 : i32
        %scatter3A_488 = arith.constant 0 : i32
        %scatter3A_489 = arith.constant 0 : i32
        %scatter3A_490 = tpu.memref_slice %arg11[%scatter3A_487, %scatter3A_488, %scatter3A_489] : memref<2x32x128xf32, #tpu.memory_space<vmem>> -> memref<1x32x128xf32, #tpu.memory_space<vmem>>
        %scatter3A_491 = tpu.memref_squeeze %scatter3A_490 : memref<1x32x128xf32, #tpu.memory_space<vmem>> -> memref<32x128xf32, #tpu.memory_space<vmem>>
        tpu.vector_store_idx %scatter3A_491[%iota3A, %add3A_486], %get3A_470 : memref<32x128xf32, #tpu.memory_space<vmem>>[vector<16xi32>, vector<16xi32>], vector<16xf32>,
        %add3A_492 = arith.constant 16 : i32
        %add3A_493 = vector.broadcast %add3A_492 : i32 to vector<16xi32>
        %add3A_494 = arith.addi %iota3A, %add3A_493 : vector<16xi32>
        %scatter3A_495 = arith.constant 0 : i32
        %scatter3A_496 = arith.constant 0 : i32
        %scatter3A_497 = arith.constant 0 : i32
        %scatter3A_498 = tpu.memref_slice %arg11[%scatter3A_495, %scatter3A_496, %scatter3A_497] : memref<2x32x128xf32, #tpu.memory_space<vmem>> -> memref<1x32x128xf32, #tpu.memory_space<vmem>>
        %scatter3A_499 = tpu.memref_squeeze %scatter3A_498 : memref<1x32x128xf32, #tpu.memory_space<vmem>> -> memref<32x128xf32, #tpu.memory_space<vmem>>
        tpu.vector_store_idx %scatter3A_499[%add3A_494, %add3A_486], %get3A_482 : memref<32x128xf32, #tpu.memory_space<vmem>>[vector<16xi32>, vector<16xi32>], vector<16xf32>,
        %slice3A_500 = vector.extract_strided_slice %get3A_323 {offsets = [4], sizes = [1], strides = [1]} : vector<16xi32> to vector<1xi32>
        %squeeze3A_501 = vector.extract %slice3A_500[0] : i32 from vector<1xi32>
        %mul3A_502 = arith.constant 16 : i32
        %mul3A_503 = arith.muli %scan3A_317, %mul3A_502 : i32
        %add3A_504 = arith.constant 4 : i32
        %add3A_505 = arith.addi %mul3A_503, %add3A_504 : i32
        %get3A_506 = arith.constant 0 : i32
        %get3A_507 = arith.constant 0 : i32
        %get3A_508 = arith.constant 0 : i32
        %get3A_509 = tpu.memref_slice %arg10[%get3A_506, %get3A_507, %get3A_508] : memref<2x128x128xf32, #tpu.memory_space<vmem>> -> memref<1x128x128xf32, #tpu.memory_space<vmem>>
        %get3A_510 = tpu.memref_squeeze %get3A_509 : memref<1x128x128xf32, #tpu.memory_space<vmem>> -> memref<128x128xf32, #tpu.memory_space<vmem>>
        %get3A_511 = arith.constant 0 : i32
        %get3A_512 = tpu.memref_slice %get3A_510[%add3A_505, %get3A_511] : memref<128x128xf32, #tpu.memory_space<vmem>> -> memref<1x128xf32, #tpu.memory_space<vmem>>
        %get3A_513 = tpu.memref_squeeze %get3A_512 : memref<1x128xf32, #tpu.memory_space<vmem>> -> memref<128xf32, #tpu.memory_space<vmem>>
        %get3A_514 = arith.index_cast %squeeze3A_501 : i32 to index
        %get3A_515 = tpu.vector_load %get3A_513[%get3A_514] {strides = array<i32>} : memref<128xf32, #tpu.memory_space<vmem>>, vector<16xf32>,
        %add3A_516 = arith.constant 16 : i32
        %add3A_517 = arith.addi %squeeze3A_501, %add3A_516 : i32
        %get3A_518 = arith.constant 0 : i32
        %get3A_519 = arith.constant 0 : i32
        %get3A_520 = arith.constant 0 : i32
        %get3A_521 = tpu.memref_slice %arg10[%get3A_518, %get3A_519, %get3A_520] : memref<2x128x128xf32, #tpu.memory_space<vmem>> -> memref<1x128x128xf32, #tpu.memory_space<vmem>>
        %get3A_522 = tpu.memref_squeeze %get3A_521 : memref<1x128x128xf32, #tpu.memory_space<vmem>> -> memref<128x128xf32, #tpu.memory_space<vmem>>
        %get3A_523 = arith.constant 0 : i32
        %get3A_524 = tpu.memref_slice %get3A_522[%add3A_505, %get3A_523] : memref<128x128xf32, #tpu.memory_space<vmem>> -> memref<1x128xf32, #tpu.memory_space<vmem>>
        %get3A_525 = tpu.memref_squeeze %get3A_524 : memref<1x128xf32, #tpu.memory_space<vmem>> -> memref<128xf32, #tpu.memory_space<vmem>>
        %get3A_526 = arith.index_cast %add3A_517 : i32 to index
        %get3A_527 = tpu.vector_load %get3A_525[%get3A_526] {strides = array<i32>} : memref<128xf32, #tpu.memory_space<vmem>>, vector<16xf32>,
        %broadcast_in_dim3A_528 = arith.constant 0 : i32
        %broadcast_in_dim3A_529 = vector.broadcast %broadcast_in_dim3A_528 : i32 to vector<16xi32>
        %add3A_530 = vector.broadcast %add3A_505 : i32 to vector<16xi32>
        %add3A_531 = arith.addi %broadcast_in_dim3A_529, %add3A_530 : vector<16xi32>
        %scatter3A_532 = arith.constant 0 : i32
        %scatter3A_533 = arith.constant 0 : i32
        %scatter3A_534 = arith.constant 0 : i32
        %scatter3A_535 = tpu.memref_slice %arg11[%scatter3A_532, %scatter3A_533, %scatter3A_534] : memref<2x32x128xf32, #tpu.memory_space<vmem>> -> memref<1x32x128xf32, #tpu.memory_space<vmem>>
        %scatter3A_536 = tpu.memref_squeeze %scatter3A_535 : memref<1x32x128xf32, #tpu.memory_space<vmem>> -> memref<32x128xf32, #tpu.memory_space<vmem>>
        tpu.vector_store_idx %scatter3A_536[%iota3A, %add3A_531], %get3A_515 : memref<32x128xf32, #tpu.memory_space<vmem>>[vector<16xi32>, vector<16xi32>], vector<16xf32>,
        %add3A_537 = arith.constant 16 : i32
        %add3A_538 = vector.broadcast %add3A_537 : i32 to vector<16xi32>
        %add3A_539 = arith.addi %iota3A, %add3A_538 : vector<16xi32>
        %scatter3A_540 = arith.constant 0 : i32
        %scatter3A_541 = arith.constant 0 : i32
        %scatter3A_542 = arith.constant 0 : i32
        %scatter3A_543 = tpu.memref_slice %arg11[%scatter3A_540, %scatter3A_541, %scatter3A_542] : memref<2x32x128xf32, #tpu.memory_space<vmem>> -> memref<1x32x128xf32, #tpu.memory_space<vmem>>
        %scatter3A_544 = tpu.memref_squeeze %scatter3A_543 : memref<1x32x128xf32, #tpu.memory_space<vmem>> -> memref<32x128xf32, #tpu.memory_space<vmem>>
        tpu.vector_store_idx %scatter3A_544[%add3A_539, %add3A_531], %get3A_527 : memref<32x128xf32, #tpu.memory_space<vmem>>[vector<16xi32>, vector<16xi32>], vector<16xf32>,
        %slice3A_545 = vector.extract_strided_slice %get3A_323 {offsets = [5], sizes = [1], strides = [1]} : vector<16xi32> to vector<1xi32>
        %squeeze3A_546 = vector.extract %slice3A_545[0] : i32 from vector<1xi32>
        %mul3A_547 = arith.constant 16 : i32
        %mul3A_548 = arith.muli %scan3A_317, %mul3A_547 : i32
        %add3A_549 = arith.constant 5 : i32
        %add3A_550 = arith.addi %mul3A_548, %add3A_549 : i32
        %get3A_551 = arith.constant 0 : i32
        %get3A_552 = arith.constant 0 : i32
        %get3A_553 = arith.constant 0 : i32
        %get3A_554 = tpu.memref_slice %arg10[%get3A_551, %get3A_552, %get3A_553] : memref<2x128x128xf32, #tpu.memory_space<vmem>> -> memref<1x128x128xf32, #tpu.memory_space<vmem>>
        %get3A_555 = tpu.memref_squeeze %get3A_554 : memref<1x128x128xf32, #tpu.memory_space<vmem>> -> memref<128x128xf32, #tpu.memory_space<vmem>>
        %get3A_556 = arith.constant 0 : i32
        %get3A_557 = tpu.memref_slice %get3A_555[%add3A_550, %get3A_556] : memref<128x128xf32, #tpu.memory_space<vmem>> -> memref<1x128xf32, #tpu.memory_space<vmem>>
        %get3A_558 = tpu.memref_squeeze %get3A_557 : memref<1x128xf32, #tpu.memory_space<vmem>> -> memref<128xf32, #tpu.memory_space<vmem>>
        %get3A_559 = arith.index_cast %squeeze3A_546 : i32 to index
        %get3A_560 = tpu.vector_load %get3A_558[%get3A_559] {strides = array<i32>} : memref<128xf32, #tpu.memory_space<vmem>>, vector<16xf32>,
        %add3A_561 = arith.constant 16 : i32
        %add3A_562 = arith.addi %squeeze3A_546, %add3A_561 : i32
        %get3A_563 = arith.constant 0 : i32
        %get3A_564 = arith.constant 0 : i32
        %get3A_565 = arith.constant 0 : i32
        %get3A_566 = tpu.memref_slice %arg10[%get3A_563, %get3A_564, %get3A_565] : memref<2x128x128xf32, #tpu.memory_space<vmem>> -> memref<1x128x128xf32, #tpu.memory_space<vmem>>
        %get3A_567 = tpu.memref_squeeze %get3A_566 : memref<1x128x128xf32, #tpu.memory_space<vmem>> -> memref<128x128xf32, #tpu.memory_space<vmem>>
        %get3A_568 = arith.constant 0 : i32
        %get3A_569 = tpu.memref_slice %get3A_567[%add3A_550, %get3A_568] : memref<128x128xf32, #tpu.memory_space<vmem>> -> memref<1x128xf32, #tpu.memory_space<vmem>>
        %get3A_570 = tpu.memref_squeeze %get3A_569 : memref<1x128xf32, #tpu.memory_space<vmem>> -> memref<128xf32, #tpu.memory_space<vmem>>
        %get3A_571 = arith.index_cast %add3A_562 : i32 to index
        %get3A_572 = tpu.vector_load %get3A_570[%get3A_571] {strides = array<i32>} : memref<128xf32, #tpu.memory_space<vmem>>, vector<16xf32>,
        %broadcast_in_dim3A_573 = arith.constant 0 : i32
        %broadcast_in_dim3A_574 = vector.broadcast %broadcast_in_dim3A_573 : i32 to vector<16xi32>
        %add3A_575 = vector.broadcast %add3A_550 : i32 to vector<16xi32>
        %add3A_576 = arith.addi %broadcast_in_dim3A_574, %add3A_575 : vector<16xi32>
        %scatter3A_577 = arith.constant 0 : i32
        %scatter3A_578 = arith.constant 0 : i32
        %scatter3A_579 = arith.constant 0 : i32
        %scatter3A_580 = tpu.memref_slice %arg11[%scatter3A_577, %scatter3A_578, %scatter3A_579] : memref<2x32x128xf32, #tpu.memory_space<vmem>> -> memref<1x32x128xf32, #tpu.memory_space<vmem>>
        %scatter3A_581 = tpu.memref_squeeze %scatter3A_580 : memref<1x32x128xf32, #tpu.memory_space<vmem>> -> memref<32x128xf32, #tpu.memory_space<vmem>>
        tpu.vector_store_idx %scatter3A_581[%iota3A, %add3A_576], %get3A_560 : memref<32x128xf32, #tpu.memory_space<vmem>>[vector<16xi32>, vector<16xi32>], vector<16xf32>,
        %add3A_582 = arith.constant 16 : i32
        %add3A_583 = vector.broadcast %add3A_582 : i32 to vector<16xi32>
        %add3A_584 = arith.addi %iota3A, %add3A_583 : vector<16xi32>
        %scatter3A_585 = arith.constant 0 : i32
        %scatter3A_586 = arith.constant 0 : i32
        %scatter3A_587 = arith.constant 0 : i32
        %scatter3A_588 = tpu.memref_slice %arg11[%scatter3A_585, %scatter3A_586, %scatter3A_587] : memref<2x32x128xf32, #tpu.memory_space<vmem>> -> memref<1x32x128xf32, #tpu.memory_space<vmem>>
        %scatter3A_589 = tpu.memref_squeeze %scatter3A_588 : memref<1x32x128xf32, #tpu.memory_space<vmem>> -> memref<32x128xf32, #tpu.memory_space<vmem>>
        tpu.vector_store_idx %scatter3A_589[%add3A_584, %add3A_576], %get3A_572 : memref<32x128xf32, #tpu.memory_space<vmem>>[vector<16xi32>, vector<16xi32>], vector<16xf32>,
        %slice3A_590 = vector.extract_strided_slice %get3A_323 {offsets = [6], sizes = [1], strides = [1]} : vector<16xi32> to vector<1xi32>
        %squeeze3A_591 = vector.extract %slice3A_590[0] : i32 from vector<1xi32>
        %mul3A_592 = arith.constant 16 : i32
        %mul3A_593 = arith.muli %scan3A_317, %mul3A_592 : i32
        %add3A_594 = arith.constant 6 : i32
        %add3A_595 = arith.addi %mul3A_593, %add3A_594 : i32
        %get3A_596 = arith.constant 0 : i32
        %get3A_597 = arith.constant 0 : i32
        %get3A_598 = arith.constant 0 : i32
        %get3A_599 = tpu.memref_slice %arg10[%get3A_596, %get3A_597, %get3A_598] : memref<2x128x128xf32, #tpu.memory_space<vmem>> -> memref<1x128x128xf32, #tpu.memory_space<vmem>>
        %get3A_600 = tpu.memref_squeeze %get3A_599 : memref<1x128x128xf32, #tpu.memory_space<vmem>> -> memref<128x128xf32, #tpu.memory_space<vmem>>
        %get3A_601 = arith.constant 0 : i32
        %get3A_602 = tpu.memref_slice %get3A_600[%add3A_595, %get3A_601] : memref<128x128xf32, #tpu.memory_space<vmem>> -> memref<1x128xf32, #tpu.memory_space<vmem>>
        %get3A_603 = tpu.memref_squeeze %get3A_602 : memref<1x128xf32, #tpu.memory_space<vmem>> -> memref<128xf32, #tpu.memory_space<vmem>>
        %get3A_604 = arith.index_cast %squeeze3A_591 : i32 to index
        %get3A_605 = tpu.vector_load %get3A_603[%get3A_604] {strides = array<i32>} : memref<128xf32, #tpu.memory_space<vmem>>, vector<16xf32>,
        %add3A_606 = arith.constant 16 : i32
        %add3A_607 = arith.addi %squeeze3A_591, %add3A_606 : i32
        %get3A_608 = arith.constant 0 : i32
        %get3A_609 = arith.constant 0 : i32
        %get3A_610 = arith.constant 0 : i32
        %get3A_611 = tpu.memref_slice %arg10[%get3A_608, %get3A_609, %get3A_610] : memref<2x128x128xf32, #tpu.memory_space<vmem>> -> memref<1x128x128xf32, #tpu.memory_space<vmem>>
        %get3A_612 = tpu.memref_squeeze %get3A_611 : memref<1x128x128xf32, #tpu.memory_space<vmem>> -> memref<128x128xf32, #tpu.memory_space<vmem>>
        %get3A_613 = arith.constant 0 : i32
        %get3A_614 = tpu.memref_slice %get3A_612[%add3A_595, %get3A_613] : memref<128x128xf32, #tpu.memory_space<vmem>> -> memref<1x128xf32, #tpu.memory_space<vmem>>
        %get3A_615 = tpu.memref_squeeze %get3A_614 : memref<1x128xf32, #tpu.memory_space<vmem>> -> memref<128xf32, #tpu.memory_space<vmem>>
        %get3A_616 = arith.index_cast %add3A_607 : i32 to index
        %get3A_617 = tpu.vector_load %get3A_615[%get3A_616] {strides = array<i32>} : memref<128xf32, #tpu.memory_space<vmem>>, vector<16xf32>,
        %broadcast_in_dim3A_618 = arith.constant 0 : i32
        %broadcast_in_dim3A_619 = vector.broadcast %broadcast_in_dim3A_618 : i32 to vector<16xi32>
        %add3A_620 = vector.broadcast %add3A_595 : i32 to vector<16xi32>
        %add3A_621 = arith.addi %broadcast_in_dim3A_619, %add3A_620 : vector<16xi32>
        %scatter3A_622 = arith.constant 0 : i32
        %scatter3A_623 = arith.constant 0 : i32
        %scatter3A_624 = arith.constant 0 : i32
        %scatter3A_625 = tpu.memref_slice %arg11[%scatter3A_622, %scatter3A_623, %scatter3A_624] : memref<2x32x128xf32, #tpu.memory_space<vmem>> -> memref<1x32x128xf32, #tpu.memory_space<vmem>>
        %scatter3A_626 = tpu.memref_squeeze %scatter3A_625 : memref<1x32x128xf32, #tpu.memory_space<vmem>> -> memref<32x128xf32, #tpu.memory_space<vmem>>
        tpu.vector_store_idx %scatter3A_626[%iota3A, %add3A_621], %get3A_605 : memref<32x128xf32, #tpu.memory_space<vmem>>[vector<16xi32>, vector<16xi32>], vector<16xf32>,
        %add3A_627 = arith.constant 16 : i32
        %add3A_628 = vector.broadcast %add3A_627 : i32 to vector<16xi32>
        %add3A_629 = arith.addi %iota3A, %add3A_628 : vector<16xi32>
        %scatter3A_630 = arith.constant 0 : i32
        %scatter3A_631 = arith.constant 0 : i32
        %scatter3A_632 = arith.constant 0 : i32
        %scatter3A_633 = tpu.memref_slice %arg11[%scatter3A_630, %scatter3A_631, %scatter3A_632] : memref<2x32x128xf32, #tpu.memory_space<vmem>> -> memref<1x32x128xf32, #tpu.memory_space<vmem>>
        %scatter3A_634 = tpu.memref_squeeze %scatter3A_633 : memref<1x32x128xf32, #tpu.memory_space<vmem>> -> memref<32x128xf32, #tpu.memory_space<vmem>>
        tpu.vector_store_idx %scatter3A_634[%add3A_629, %add3A_621], %get3A_617 : memref<32x128xf32, #tpu.memory_space<vmem>>[vector<16xi32>, vector<16xi32>], vector<16xf32>,
        %slice3A_635 = vector.extract_strided_slice %get3A_323 {offsets = [7], sizes = [1], strides = [1]} : vector<16xi32> to vector<1xi32>
        %squeeze3A_636 = vector.extract %slice3A_635[0] : i32 from vector<1xi32>
        %mul3A_637 = arith.constant 16 : i32
        %mul3A_638 = arith.muli %scan3A_317, %mul3A_637 : i32
        %add3A_639 = arith.constant 7 : i32
        %add3A_640 = arith.addi %mul3A_638, %add3A_639 : i32
        %get3A_641 = arith.constant 0 : i32
        %get3A_642 = arith.constant 0 : i32
        %get3A_643 = arith.constant 0 : i32
        %get3A_644 = tpu.memref_slice %arg10[%get3A_641, %get3A_642, %get3A_643] : memref<2x128x128xf32, #tpu.memory_space<vmem>> -> memref<1x128x128xf32, #tpu.memory_space<vmem>>
        %get3A_645 = tpu.memref_squeeze %get3A_644 : memref<1x128x128xf32, #tpu.memory_space<vmem>> -> memref<128x128xf32, #tpu.memory_space<vmem>>
        %get3A_646 = arith.constant 0 : i32
        %get3A_647 = tpu.memref_slice %get3A_645[%add3A_640, %get3A_646] : memref<128x128xf32, #tpu.memory_space<vmem>> -> memref<1x128xf32, #tpu.memory_space<vmem>>
        %get3A_648 = tpu.memref_squeeze %get3A_647 : memref<1x128xf32, #tpu.memory_space<vmem>> -> memref<128xf32, #tpu.memory_space<vmem>>
        %get3A_649 = arith.index_cast %squeeze3A_636 : i32 to index
        %get3A_650 = tpu.vector_load %get3A_648[%get3A_649] {strides = array<i32>} : memref<128xf32, #tpu.memory_space<vmem>>, vector<16xf32>,
        %add3A_651 = arith.constant 16 : i32
        %add3A_652 = arith.addi %squeeze3A_636, %add3A_651 : i32
        %get3A_653 = arith.constant 0 : i32
        %get3A_654 = arith.constant 0 : i32
        %get3A_655 = arith.constant 0 : i32
        %get3A_656 = tpu.memref_slice %arg10[%get3A_653, %get3A_654, %get3A_655] : memref<2x128x128xf32, #tpu.memory_space<vmem>> -> memref<1x128x128xf32, #tpu.memory_space<vmem>>
        %get3A_657 = tpu.memref_squeeze %get3A_656 : memref<1x128x128xf32, #tpu.memory_space<vmem>> -> memref<128x128xf32, #tpu.memory_space<vmem>>
        %get3A_658 = arith.constant 0 : i32
        %get3A_659 = tpu.memref_slice %get3A_657[%add3A_640, %get3A_658] : memref<128x128xf32, #tpu.memory_space<vmem>> -> memref<1x128xf32, #tpu.memory_space<vmem>>
        %get3A_660 = tpu.memref_squeeze %get3A_659 : memref<1x128xf32, #tpu.memory_space<vmem>> -> memref<128xf32, #tpu.memory_space<vmem>>
        %get3A_661 = arith.index_cast %add3A_652 : i32 to index
        %get3A_662 = tpu.vector_load %get3A_660[%get3A_661] {strides = array<i32>} : memref<128xf32, #tpu.memory_space<vmem>>, vector<16xf32>,
        %broadcast_in_dim3A_663 = arith.constant 0 : i32
        %broadcast_in_dim3A_664 = vector.broadcast %broadcast_in_dim3A_663 : i32 to vector<16xi32>
        %add3A_665 = vector.broadcast %add3A_640 : i32 to vector<16xi32>
        %add3A_666 = arith.addi %broadcast_in_dim3A_664, %add3A_665 : vector<16xi32>
        %scatter3A_667 = arith.constant 0 : i32
        %scatter3A_668 = arith.constant 0 : i32
        %scatter3A_669 = arith.constant 0 : i32
        %scatter3A_670 = tpu.memref_slice %arg11[%scatter3A_667, %scatter3A_668, %scatter3A_669] : memref<2x32x128xf32, #tpu.memory_space<vmem>> -> memref<1x32x128xf32, #tpu.memory_space<vmem>>
        %scatter3A_671 = tpu.memref_squeeze %scatter3A_670 : memref<1x32x128xf32, #tpu.memory_space<vmem>> -> memref<32x128xf32, #tpu.memory_space<vmem>>
        tpu.vector_store_idx %scatter3A_671[%iota3A, %add3A_666], %get3A_650 : memref<32x128xf32, #tpu.memory_space<vmem>>[vector<16xi32>, vector<16xi32>], vector<16xf32>,
        %add3A_672 = arith.constant 16 : i32
        %add3A_673 = vector.broadcast %add3A_672 : i32 to vector<16xi32>
        %add3A_674 = arith.addi %iota3A, %add3A_673 : vector<16xi32>
        %scatter3A_675 = arith.constant 0 : i32
        %scatter3A_676 = arith.constant 0 : i32
        %scatter3A_677 = arith.constant 0 : i32
        %scatter3A_678 = tpu.memref_slice %arg11[%scatter3A_675, %scatter3A_676, %scatter3A_677] : memref<2x32x128xf32, #tpu.memory_space<vmem>> -> memref<1x32x128xf32, #tpu.memory_space<vmem>>
        %scatter3A_679 = tpu.memref_squeeze %scatter3A_678 : memref<1x32x128xf32, #tpu.memory_space<vmem>> -> memref<32x128xf32, #tpu.memory_space<vmem>>
        tpu.vector_store_idx %scatter3A_679[%add3A_674, %add3A_666], %get3A_662 : memref<32x128xf32, #tpu.memory_space<vmem>>[vector<16xi32>, vector<16xi32>], vector<16xf32>,
        %slice3A_680 = vector.extract_strided_slice %get3A_323 {offsets = [8], sizes = [1], strides = [1]} : vector<16xi32> to vector<1xi32>
        %squeeze3A_681 = vector.extract %slice3A_680[0] : i32 from vector<1xi32>
        %mul3A_682 = arith.constant 16 : i32
        %mul3A_683 = arith.muli %scan3A_317, %mul3A_682 : i32
        %add3A_684 = arith.constant 8 : i32
        %add3A_685 = arith.addi %mul3A_683, %add3A_684 : i32
        %get3A_686 = arith.constant 0 : i32
        %get3A_687 = arith.constant 0 : i32
        %get3A_688 = arith.constant 0 : i32
        %get3A_689 = tpu.memref_slice %arg10[%get3A_686, %get3A_687, %get3A_688] : memref<2x128x128xf32, #tpu.memory_space<vmem>> -> memref<1x128x128xf32, #tpu.memory_space<vmem>>
        %get3A_690 = tpu.memref_squeeze %get3A_689 : memref<1x128x128xf32, #tpu.memory_space<vmem>> -> memref<128x128xf32, #tpu.memory_space<vmem>>
        %get3A_691 = arith.constant 0 : i32
        %get3A_692 = tpu.memref_slice %get3A_690[%add3A_685, %get3A_691] : memref<128x128xf32, #tpu.memory_space<vmem>> -> memref<1x128xf32, #tpu.memory_space<vmem>>
        %get3A_693 = tpu.memref_squeeze %get3A_692 : memref<1x128xf32, #tpu.memory_space<vmem>> -> memref<128xf32, #tpu.memory_space<vmem>>
        %get3A_694 = arith.index_cast %squeeze3A_681 : i32 to index
        %get3A_695 = tpu.vector_load %get3A_693[%get3A_694] {strides = array<i32>} : memref<128xf32, #tpu.memory_space<vmem>>, vector<16xf32>,
        %add3A_696 = arith.constant 16 : i32
        %add3A_697 = arith.addi %squeeze3A_681, %add3A_696 : i32
        %get3A_698 = arith.constant 0 : i32
        %get3A_699 = arith.constant 0 : i32
        %get3A_700 = arith.constant 0 : i32
        %get3A_701 = tpu.memref_slice %arg10[%get3A_698, %get3A_699, %get3A_700] : memref<2x128x128xf32, #tpu.memory_space<vmem>> -> memref<1x128x128xf32, #tpu.memory_space<vmem>>
        %get3A_702 = tpu.memref_squeeze %get3A_701 : memref<1x128x128xf32, #tpu.memory_space<vmem>> -> memref<128x128xf32, #tpu.memory_space<vmem>>
        %get3A_703 = arith.constant 0 : i32
        %get3A_704 = tpu.memref_slice %get3A_702[%add3A_685, %get3A_703] : memref<128x128xf32, #tpu.memory_space<vmem>> -> memref<1x128xf32, #tpu.memory_space<vmem>>
        %get3A_705 = tpu.memref_squeeze %get3A_704 : memref<1x128xf32, #tpu.memory_space<vmem>> -> memref<128xf32, #tpu.memory_space<vmem>>
        %get3A_706 = arith.index_cast %add3A_697 : i32 to index
        %get3A_707 = tpu.vector_load %get3A_705[%get3A_706] {strides = array<i32>} : memref<128xf32, #tpu.memory_space<vmem>>, vector<16xf32>,
        %broadcast_in_dim3A_708 = arith.constant 0 : i32
        %broadcast_in_dim3A_709 = vector.broadcast %broadcast_in_dim3A_708 : i32 to vector<16xi32>
        %add3A_710 = vector.broadcast %add3A_685 : i32 to vector<16xi32>
        %add3A_711 = arith.addi %broadcast_in_dim3A_709, %add3A_710 : vector<16xi32>
        %scatter3A_712 = arith.constant 0 : i32
        %scatter3A_713 = arith.constant 0 : i32
        %scatter3A_714 = arith.constant 0 : i32
        %scatter3A_715 = tpu.memref_slice %arg11[%scatter3A_712, %scatter3A_713, %scatter3A_714] : memref<2x32x128xf32, #tpu.memory_space<vmem>> -> memref<1x32x128xf32, #tpu.memory_space<vmem>>
        %scatter3A_716 = tpu.memref_squeeze %scatter3A_715 : memref<1x32x128xf32, #tpu.memory_space<vmem>> -> memref<32x128xf32, #tpu.memory_space<vmem>>
        tpu.vector_store_idx %scatter3A_716[%iota3A, %add3A_711], %get3A_695 : memref<32x128xf32, #tpu.memory_space<vmem>>[vector<16xi32>, vector<16xi32>], vector<16xf32>,
        %add3A_717 = arith.constant 16 : i32
        %add3A_718 = vector.broadcast %add3A_717 : i32 to vector<16xi32>
        %add3A_719 = arith.addi %iota3A, %add3A_718 : vector<16xi32>
        %scatter3A_720 = arith.constant 0 : i32
        %scatter3A_721 = arith.constant 0 : i32
        %scatter3A_722 = arith.constant 0 : i32
        %scatter3A_723 = tpu.memref_slice %arg11[%scatter3A_720, %scatter3A_721, %scatter3A_722] : memref<2x32x128xf32, #tpu.memory_space<vmem>> -> memref<1x32x128xf32, #tpu.memory_space<vmem>>
        %scatter3A_724 = tpu.memref_squeeze %scatter3A_723 : memref<1x32x128xf32, #tpu.memory_space<vmem>> -> memref<32x128xf32, #tpu.memory_space<vmem>>
        tpu.vector_store_idx %scatter3A_724[%add3A_719, %add3A_711], %get3A_707 : memref<32x128xf32, #tpu.memory_space<vmem>>[vector<16xi32>, vector<16xi32>], vector<16xf32>,
        %slice3A_725 = vector.extract_strided_slice %get3A_323 {offsets = [9], sizes = [1], strides = [1]} : vector<16xi32> to vector<1xi32>
        %squeeze3A_726 = vector.extract %slice3A_725[0] : i32 from vector<1xi32>
        %mul3A_727 = arith.constant 16 : i32
        %mul3A_728 = arith.muli %scan3A_317, %mul3A_727 : i32
        %add3A_729 = arith.constant 9 : i32
        %add3A_730 = arith.addi %mul3A_728, %add3A_729 : i32
        %get3A_731 = arith.constant 0 : i32
        %get3A_732 = arith.constant 0 : i32
        %get3A_733 = arith.constant 0 : i32
        %get3A_734 = tpu.memref_slice %arg10[%get3A_731, %get3A_732, %get3A_733] : memref<2x128x128xf32, #tpu.memory_space<vmem>> -> memref<1x128x128xf32, #tpu.memory_space<vmem>>
        %get3A_735 = tpu.memref_squeeze %get3A_734 : memref<1x128x128xf32, #tpu.memory_space<vmem>> -> memref<128x128xf32, #tpu.memory_space<vmem>>
        %get3A_736 = arith.constant 0 : i32
        %get3A_737 = tpu.memref_slice %get3A_735[%add3A_730, %get3A_736] : memref<128x128xf32, #tpu.memory_space<vmem>> -> memref<1x128xf32, #tpu.memory_space<vmem>>
        %get3A_738 = tpu.memref_squeeze %get3A_737 : memref<1x128xf32, #tpu.memory_space<vmem>> -> memref<128xf32, #tpu.memory_space<vmem>>
        %get3A_739 = arith.index_cast %squeeze3A_726 : i32 to index
        %get3A_740 = tpu.vector_load %get3A_738[%get3A_739] {strides = array<i32>} : memref<128xf32, #tpu.memory_space<vmem>>, vector<16xf32>,
        %add3A_741 = arith.constant 16 : i32
        %add3A_742 = arith.addi %squeeze3A_726, %add3A_741 : i32
        %get3A_743 = arith.constant 0 : i32
        %get3A_744 = arith.constant 0 : i32
        %get3A_745 = arith.constant 0 : i32
        %get3A_746 = tpu.memref_slice %arg10[%get3A_743, %get3A_744, %get3A_745] : memref<2x128x128xf32, #tpu.memory_space<vmem>> -> memref<1x128x128xf32, #tpu.memory_space<vmem>>
        %get3A_747 = tpu.memref_squeeze %get3A_746 : memref<1x128x128xf32, #tpu.memory_space<vmem>> -> memref<128x128xf32, #tpu.memory_space<vmem>>
        %get3A_748 = arith.constant 0 : i32
        %get3A_749 = tpu.memref_slice %get3A_747[%add3A_730, %get3A_748] : memref<128x128xf32, #tpu.memory_space<vmem>> -> memref<1x128xf32, #tpu.memory_space<vmem>>
        %get3A_750 = tpu.memref_squeeze %get3A_749 : memref<1x128xf32, #tpu.memory_space<vmem>> -> memref<128xf32, #tpu.memory_space<vmem>>
        %get3A_751 = arith.index_cast %add3A_742 : i32 to index
        %get3A_752 = tpu.vector_load %get3A_750[%get3A_751] {strides = array<i32>} : memref<128xf32, #tpu.memory_space<vmem>>, vector<16xf32>,
        %broadcast_in_dim3A_753 = arith.constant 0 : i32
        %broadcast_in_dim3A_754 = vector.broadcast %broadcast_in_dim3A_753 : i32 to vector<16xi32>
        %add3A_755 = vector.broadcast %add3A_730 : i32 to vector<16xi32>
        %add3A_756 = arith.addi %broadcast_in_dim3A_754, %add3A_755 : vector<16xi32>
        %scatter3A_757 = arith.constant 0 : i32
        %scatter3A_758 = arith.constant 0 : i32
        %scatter3A_759 = arith.constant 0 : i32
        %scatter3A_760 = tpu.memref_slice %arg11[%scatter3A_757, %scatter3A_758, %scatter3A_759] : memref<2x32x128xf32, #tpu.memory_space<vmem>> -> memref<1x32x128xf32, #tpu.memory_space<vmem>>
        %scatter3A_761 = tpu.memref_squeeze %scatter3A_760 : memref<1x32x128xf32, #tpu.memory_space<vmem>> -> memref<32x128xf32, #tpu.memory_space<vmem>>
        tpu.vector_store_idx %scatter3A_761[%iota3A, %add3A_756], %get3A_740 : memref<32x128xf32, #tpu.memory_space<vmem>>[vector<16xi32>, vector<16xi32>], vector<16xf32>,
        %add3A_762 = arith.constant 16 : i32
        %add3A_763 = vector.broadcast %add3A_762 : i32 to vector<16xi32>
        %add3A_764 = arith.addi %iota3A, %add3A_763 : vector<16xi32>
        %scatter3A_765 = arith.constant 0 : i32
        %scatter3A_766 = arith.constant 0 : i32
        %scatter3A_767 = arith.constant 0 : i32
        %scatter3A_768 = tpu.memref_slice %arg11[%scatter3A_765, %scatter3A_766, %scatter3A_767] : memref<2x32x128xf32, #tpu.memory_space<vmem>> -> memref<1x32x128xf32, #tpu.memory_space<vmem>>
        %scatter3A_769 = tpu.memref_squeeze %scatter3A_768 : memref<1x32x128xf32, #tpu.memory_space<vmem>> -> memref<32x128xf32, #tpu.memory_space<vmem>>
        tpu.vector_store_idx %scatter3A_769[%add3A_764, %add3A_756], %get3A_752 : memref<32x128xf32, #tpu.memory_space<vmem>>[vector<16xi32>, vector<16xi32>], vector<16xf32>,
        %slice3A_770 = vector.extract_strided_slice %get3A_323 {offsets = [10], sizes = [1], strides = [1]} : vector<16xi32> to vector<1xi32>
        %squeeze3A_771 = vector.extract %slice3A_770[0] : i32 from vector<1xi32>
        %mul3A_772 = arith.constant 16 : i32
        %mul3A_773 = arith.muli %scan3A_317, %mul3A_772 : i32
        %add3A_774 = arith.constant 10 : i32
        %add3A_775 = arith.addi %mul3A_773, %add3A_774 : i32
        %get3A_776 = arith.constant 0 : i32
        %get3A_777 = arith.constant 0 : i32
        %get3A_778 = arith.constant 0 : i32
        %get3A_779 = tpu.memref_slice %arg10[%get3A_776, %get3A_777, %get3A_778] : memref<2x128x128xf32, #tpu.memory_space<vmem>> -> memref<1x128x128xf32, #tpu.memory_space<vmem>>
        %get3A_780 = tpu.memref_squeeze %get3A_779 : memref<1x128x128xf32, #tpu.memory_space<vmem>> -> memref<128x128xf32, #tpu.memory_space<vmem>>
        %get3A_781 = arith.constant 0 : i32
        %get3A_782 = tpu.memref_slice %get3A_780[%add3A_775, %get3A_781] : memref<128x128xf32, #tpu.memory_space<vmem>> -> memref<1x128xf32, #tpu.memory_space<vmem>>
        %get3A_783 = tpu.memref_squeeze %get3A_782 : memref<1x128xf32, #tpu.memory_space<vmem>> -> memref<128xf32, #tpu.memory_space<vmem>>
        %get3A_784 = arith.index_cast %squeeze3A_771 : i32 to index
        %get3A_785 = tpu.vector_load %get3A_783[%get3A_784] {strides = array<i32>} : memref<128xf32, #tpu.memory_space<vmem>>, vector<16xf32>,
        %add3A_786 = arith.constant 16 : i32
        %add3A_787 = arith.addi %squeeze3A_771, %add3A_786 : i32
        %get3A_788 = arith.constant 0 : i32
        %get3A_789 = arith.constant 0 : i32
        %get3A_790 = arith.constant 0 : i32
        %get3A_791 = tpu.memref_slice %arg10[%get3A_788, %get3A_789, %get3A_790] : memref<2x128x128xf32, #tpu.memory_space<vmem>> -> memref<1x128x128xf32, #tpu.memory_space<vmem>>
        %get3A_792 = tpu.memref_squeeze %get3A_791 : memref<1x128x128xf32, #tpu.memory_space<vmem>> -> memref<128x128xf32, #tpu.memory_space<vmem>>
        %get3A_793 = arith.constant 0 : i32
        %get3A_794 = tpu.memref_slice %get3A_792[%add3A_775, %get3A_793] : memref<128x128xf32, #tpu.memory_space<vmem>> -> memref<1x128xf32, #tpu.memory_space<vmem>>
        %get3A_795 = tpu.memref_squeeze %get3A_794 : memref<1x128xf32, #tpu.memory_space<vmem>> -> memref<128xf32, #tpu.memory_space<vmem>>
        %get3A_796 = arith.index_cast %add3A_787 : i32 to index
        %get3A_797 = tpu.vector_load %get3A_795[%get3A_796] {strides = array<i32>} : memref<128xf32, #tpu.memory_space<vmem>>, vector<16xf32>,
        %broadcast_in_dim3A_798 = arith.constant 0 : i32
        %broadcast_in_dim3A_799 = vector.broadcast %broadcast_in_dim3A_798 : i32 to vector<16xi32>
        %add3A_800 = vector.broadcast %add3A_775 : i32 to vector<16xi32>
        %add3A_801 = arith.addi %broadcast_in_dim3A_799, %add3A_800 : vector<16xi32>
        %scatter3A_802 = arith.constant 0 : i32
        %scatter3A_803 = arith.constant 0 : i32
        %scatter3A_804 = arith.constant 0 : i32
        %scatter3A_805 = tpu.memref_slice %arg11[%scatter3A_802, %scatter3A_803, %scatter3A_804] : memref<2x32x128xf32, #tpu.memory_space<vmem>> -> memref<1x32x128xf32, #tpu.memory_space<vmem>>
        %scatter3A_806 = tpu.memref_squeeze %scatter3A_805 : memref<1x32x128xf32, #tpu.memory_space<vmem>> -> memref<32x128xf32, #tpu.memory_space<vmem>>
        tpu.vector_store_idx %scatter3A_806[%iota3A, %add3A_801], %get3A_785 : memref<32x128xf32, #tpu.memory_space<vmem>>[vector<16xi32>, vector<16xi32>], vector<16xf32>,
        %add3A_807 = arith.constant 16 : i32
        %add3A_808 = vector.broadcast %add3A_807 : i32 to vector<16xi32>
        %add3A_809 = arith.addi %iota3A, %add3A_808 : vector<16xi32>
        %scatter3A_810 = arith.constant 0 : i32
        %scatter3A_811 = arith.constant 0 : i32
        %scatter3A_812 = arith.constant 0 : i32
        %scatter3A_813 = tpu.memref_slice %arg11[%scatter3A_810, %scatter3A_811, %scatter3A_812] : memref<2x32x128xf32, #tpu.memory_space<vmem>> -> memref<1x32x128xf32, #tpu.memory_space<vmem>>
        %scatter3A_814 = tpu.memref_squeeze %scatter3A_813 : memref<1x32x128xf32, #tpu.memory_space<vmem>> -> memref<32x128xf32, #tpu.memory_space<vmem>>
        tpu.vector_store_idx %scatter3A_814[%add3A_809, %add3A_801], %get3A_797 : memref<32x128xf32, #tpu.memory_space<vmem>>[vector<16xi32>, vector<16xi32>], vector<16xf32>,
        %slice3A_815 = vector.extract_strided_slice %get3A_323 {offsets = [11], sizes = [1], strides = [1]} : vector<16xi32> to vector<1xi32>
        %squeeze3A_816 = vector.extract %slice3A_815[0] : i32 from vector<1xi32>
        %mul3A_817 = arith.constant 16 : i32
        %mul3A_818 = arith.muli %scan3A_317, %mul3A_817 : i32
        %add3A_819 = arith.constant 11 : i32
        %add3A_820 = arith.addi %mul3A_818, %add3A_819 : i32
        %get3A_821 = arith.constant 0 : i32
        %get3A_822 = arith.constant 0 : i32
        %get3A_823 = arith.constant 0 : i32
        %get3A_824 = tpu.memref_slice %arg10[%get3A_821, %get3A_822, %get3A_823] : memref<2x128x128xf32, #tpu.memory_space<vmem>> -> memref<1x128x128xf32, #tpu.memory_space<vmem>>
        %get3A_825 = tpu.memref_squeeze %get3A_824 : memref<1x128x128xf32, #tpu.memory_space<vmem>> -> memref<128x128xf32, #tpu.memory_space<vmem>>
        %get3A_826 = arith.constant 0 : i32
        %get3A_827 = tpu.memref_slice %get3A_825[%add3A_820, %get3A_826] : memref<128x128xf32, #tpu.memory_space<vmem>> -> memref<1x128xf32, #tpu.memory_space<vmem>>
        %get3A_828 = tpu.memref_squeeze %get3A_827 : memref<1x128xf32, #tpu.memory_space<vmem>> -> memref<128xf32, #tpu.memory_space<vmem>>
        %get3A_829 = arith.index_cast %squeeze3A_816 : i32 to index
        %get3A_830 = tpu.vector_load %get3A_828[%get3A_829] {strides = array<i32>} : memref<128xf32, #tpu.memory_space<vmem>>, vector<16xf32>,
        %add3A_831 = arith.constant 16 : i32
        %add3A_832 = arith.addi %squeeze3A_816, %add3A_831 : i32
        %get3A_833 = arith.constant 0 : i32
        %get3A_834 = arith.constant 0 : i32
        %get3A_835 = arith.constant 0 : i32
        %get3A_836 = tpu.memref_slice %arg10[%get3A_833, %get3A_834, %get3A_835] : memref<2x128x128xf32, #tpu.memory_space<vmem>> -> memref<1x128x128xf32, #tpu.memory_space<vmem>>
        %get3A_837 = tpu.memref_squeeze %get3A_836 : memref<1x128x128xf32, #tpu.memory_space<vmem>> -> memref<128x128xf32, #tpu.memory_space<vmem>>
        %get3A_838 = arith.constant 0 : i32
        %get3A_839 = tpu.memref_slice %get3A_837[%add3A_820, %get3A_838] : memref<128x128xf32, #tpu.memory_space<vmem>> -> memref<1x128xf32, #tpu.memory_space<vmem>>
        %get3A_840 = tpu.memref_squeeze %get3A_839 : memref<1x128xf32, #tpu.memory_space<vmem>> -> memref<128xf32, #tpu.memory_space<vmem>>
        %get3A_841 = arith.index_cast %add3A_832 : i32 to index
        %get3A_842 = tpu.vector_load %get3A_840[%get3A_841] {strides = array<i32>} : memref<128xf32, #tpu.memory_space<vmem>>, vector<16xf32>,
        %broadcast_in_dim3A_843 = arith.constant 0 : i32
        %broadcast_in_dim3A_844 = vector.broadcast %broadcast_in_dim3A_843 : i32 to vector<16xi32>
        %add3A_845 = vector.broadcast %add3A_820 : i32 to vector<16xi32>
        %add3A_846 = arith.addi %broadcast_in_dim3A_844, %add3A_845 : vector<16xi32>
        %scatter3A_847 = arith.constant 0 : i32
        %scatter3A_848 = arith.constant 0 : i32
        %scatter3A_849 = arith.constant 0 : i32
        %scatter3A_850 = tpu.memref_slice %arg11[%scatter3A_847, %scatter3A_848, %scatter3A_849] : memref<2x32x128xf32, #tpu.memory_space<vmem>> -> memref<1x32x128xf32, #tpu.memory_space<vmem>>
        %scatter3A_851 = tpu.memref_squeeze %scatter3A_850 : memref<1x32x128xf32, #tpu.memory_space<vmem>> -> memref<32x128xf32, #tpu.memory_space<vmem>>
        tpu.vector_store_idx %scatter3A_851[%iota3A, %add3A_846], %get3A_830 : memref<32x128xf32, #tpu.memory_space<vmem>>[vector<16xi32>, vector<16xi32>], vector<16xf32>,
        %add3A_852 = arith.constant 16 : i32
        %add3A_853 = vector.broadcast %add3A_852 : i32 to vector<16xi32>
        %add3A_854 = arith.addi %iota3A, %add3A_853 : vector<16xi32>
        %scatter3A_855 = arith.constant 0 : i32
        %scatter3A_856 = arith.constant 0 : i32
        %scatter3A_857 = arith.constant 0 : i32
        %scatter3A_858 = tpu.memref_slice %arg11[%scatter3A_855, %scatter3A_856, %scatter3A_857] : memref<2x32x128xf32, #tpu.memory_space<vmem>> -> memref<1x32x128xf32, #tpu.memory_space<vmem>>
        %scatter3A_859 = tpu.memref_squeeze %scatter3A_858 : memref<1x32x128xf32, #tpu.memory_space<vmem>> -> memref<32x128xf32, #tpu.memory_space<vmem>>
        tpu.vector_store_idx %scatter3A_859[%add3A_854, %add3A_846], %get3A_842 : memref<32x128xf32, #tpu.memory_space<vmem>>[vector<16xi32>, vector<16xi32>], vector<16xf32>,
        %slice3A_860 = vector.extract_strided_slice %get3A_323 {offsets = [12], sizes = [1], strides = [1]} : vector<16xi32> to vector<1xi32>
        %squeeze3A_861 = vector.extract %slice3A_860[0] : i32 from vector<1xi32>
        %mul3A_862 = arith.constant 16 : i32
        %mul3A_863 = arith.muli %scan3A_317, %mul3A_862 : i32
        %add3A_864 = arith.constant 12 : i32
        %add3A_865 = arith.addi %mul3A_863, %add3A_864 : i32
        %get3A_866 = arith.constant 0 : i32
        %get3A_867 = arith.constant 0 : i32
        %get3A_868 = arith.constant 0 : i32
        %get3A_869 = tpu.memref_slice %arg10[%get3A_866, %get3A_867, %get3A_868] : memref<2x128x128xf32, #tpu.memory_space<vmem>> -> memref<1x128x128xf32, #tpu.memory_space<vmem>>
        %get3A_870 = tpu.memref_squeeze %get3A_869 : memref<1x128x128xf32, #tpu.memory_space<vmem>> -> memref<128x128xf32, #tpu.memory_space<vmem>>
        %get3A_871 = arith.constant 0 : i32
        %get3A_872 = tpu.memref_slice %get3A_870[%add3A_865, %get3A_871] : memref<128x128xf32, #tpu.memory_space<vmem>> -> memref<1x128xf32, #tpu.memory_space<vmem>>
        %get3A_873 = tpu.memref_squeeze %get3A_872 : memref<1x128xf32, #tpu.memory_space<vmem>> -> memref<128xf32, #tpu.memory_space<vmem>>
        %get3A_874 = arith.index_cast %squeeze3A_861 : i32 to index
        %get3A_875 = tpu.vector_load %get3A_873[%get3A_874] {strides = array<i32>} : memref<128xf32, #tpu.memory_space<vmem>>, vector<16xf32>,
        %add3A_876 = arith.constant 16 : i32
        %add3A_877 = arith.addi %squeeze3A_861, %add3A_876 : i32
        %get3A_878 = arith.constant 0 : i32
        %get3A_879 = arith.constant 0 : i32
        %get3A_880 = arith.constant 0 : i32
        %get3A_881 = tpu.memref_slice %arg10[%get3A_878, %get3A_879, %get3A_880] : memref<2x128x128xf32, #tpu.memory_space<vmem>> -> memref<1x128x128xf32, #tpu.memory_space<vmem>>
        %get3A_882 = tpu.memref_squeeze %get3A_881 : memref<1x128x128xf32, #tpu.memory_space<vmem>> -> memref<128x128xf32, #tpu.memory_space<vmem>>
        %get3A_883 = arith.constant 0 : i32
        %get3A_884 = tpu.memref_slice %get3A_882[%add3A_865, %get3A_883] : memref<128x128xf32, #tpu.memory_space<vmem>> -> memref<1x128xf32, #tpu.memory_space<vmem>>
        %get3A_885 = tpu.memref_squeeze %get3A_884 : memref<1x128xf32, #tpu.memory_space<vmem>> -> memref<128xf32, #tpu.memory_space<vmem>>
        %get3A_886 = arith.index_cast %add3A_877 : i32 to index
        %get3A_887 = tpu.vector_load %get3A_885[%get3A_886] {strides = array<i32>} : memref<128xf32, #tpu.memory_space<vmem>>, vector<16xf32>,
        %broadcast_in_dim3A_888 = arith.constant 0 : i32
        %broadcast_in_dim3A_889 = vector.broadcast %broadcast_in_dim3A_888 : i32 to vector<16xi32>
        %add3A_890 = vector.broadcast %add3A_865 : i32 to vector<16xi32>
        %add3A_891 = arith.addi %broadcast_in_dim3A_889, %add3A_890 : vector<16xi32>
        %scatter3A_892 = arith.constant 0 : i32
        %scatter3A_893 = arith.constant 0 : i32
        %scatter3A_894 = arith.constant 0 : i32
        %scatter3A_895 = tpu.memref_slice %arg11[%scatter3A_892, %scatter3A_893, %scatter3A_894] : memref<2x32x128xf32, #tpu.memory_space<vmem>> -> memref<1x32x128xf32, #tpu.memory_space<vmem>>
        %scatter3A_896 = tpu.memref_squeeze %scatter3A_895 : memref<1x32x128xf32, #tpu.memory_space<vmem>> -> memref<32x128xf32, #tpu.memory_space<vmem>>
        tpu.vector_store_idx %scatter3A_896[%iota3A, %add3A_891], %get3A_875 : memref<32x128xf32, #tpu.memory_space<vmem>>[vector<16xi32>, vector<16xi32>], vector<16xf32>,
        %add3A_897 = arith.constant 16 : i32
        %add3A_898 = vector.broadcast %add3A_897 : i32 to vector<16xi32>
        %add3A_899 = arith.addi %iota3A, %add3A_898 : vector<16xi32>
        %scatter3A_900 = arith.constant 0 : i32
        %scatter3A_901 = arith.constant 0 : i32
        %scatter3A_902 = arith.constant 0 : i32
        %scatter3A_903 = tpu.memref_slice %arg11[%scatter3A_900, %scatter3A_901, %scatter3A_902] : memref<2x32x128xf32, #tpu.memory_space<vmem>> -> memref<1x32x128xf32, #tpu.memory_space<vmem>>
        %scatter3A_904 = tpu.memref_squeeze %scatter3A_903 : memref<1x32x128xf32, #tpu.memory_space<vmem>> -> memref<32x128xf32, #tpu.memory_space<vmem>>
        tpu.vector_store_idx %scatter3A_904[%add3A_899, %add3A_891], %get3A_887 : memref<32x128xf32, #tpu.memory_space<vmem>>[vector<16xi32>, vector<16xi32>], vector<16xf32>,
        %slice3A_905 = vector.extract_strided_slice %get3A_323 {offsets = [13], sizes = [1], strides = [1]} : vector<16xi32> to vector<1xi32>
        %squeeze3A_906 = vector.extract %slice3A_905[0] : i32 from vector<1xi32>
        %mul3A_907 = arith.constant 16 : i32
        %mul3A_908 = arith.muli %scan3A_317, %mul3A_907 : i32
        %add3A_909 = arith.constant 13 : i32
        %add3A_910 = arith.addi %mul3A_908, %add3A_909 : i32
        %get3A_911 = arith.constant 0 : i32
        %get3A_912 = arith.constant 0 : i32
        %get3A_913 = arith.constant 0 : i32
        %get3A_914 = tpu.memref_slice %arg10[%get3A_911, %get3A_912, %get3A_913] : memref<2x128x128xf32, #tpu.memory_space<vmem>> -> memref<1x128x128xf32, #tpu.memory_space<vmem>>
        %get3A_915 = tpu.memref_squeeze %get3A_914 : memref<1x128x128xf32, #tpu.memory_space<vmem>> -> memref<128x128xf32, #tpu.memory_space<vmem>>
        %get3A_916 = arith.constant 0 : i32
        %get3A_917 = tpu.memref_slice %get3A_915[%add3A_910, %get3A_916] : memref<128x128xf32, #tpu.memory_space<vmem>> -> memref<1x128xf32, #tpu.memory_space<vmem>>
        %get3A_918 = tpu.memref_squeeze %get3A_917 : memref<1x128xf32, #tpu.memory_space<vmem>> -> memref<128xf32, #tpu.memory_space<vmem>>
        %get3A_919 = arith.index_cast %squeeze3A_906 : i32 to index
        %get3A_920 = tpu.vector_load %get3A_918[%get3A_919] {strides = array<i32>} : memref<128xf32, #tpu.memory_space<vmem>>, vector<16xf32>,
        %add3A_921 = arith.constant 16 : i32
        %add3A_922 = arith.addi %squeeze3A_906, %add3A_921 : i32
        %get3A_923 = arith.constant 0 : i32
        %get3A_924 = arith.constant 0 : i32
        %get3A_925 = arith.constant 0 : i32
        %get3A_926 = tpu.memref_slice %arg10[%get3A_923, %get3A_924, %get3A_925] : memref<2x128x128xf32, #tpu.memory_space<vmem>> -> memref<1x128x128xf32, #tpu.memory_space<vmem>>
        %get3A_927 = tpu.memref_squeeze %get3A_926 : memref<1x128x128xf32, #tpu.memory_space<vmem>> -> memref<128x128xf32, #tpu.memory_space<vmem>>
        %get3A_928 = arith.constant 0 : i32
        %get3A_929 = tpu.memref_slice %get3A_927[%add3A_910, %get3A_928] : memref<128x128xf32, #tpu.memory_space<vmem>> -> memref<1x128xf32, #tpu.memory_space<vmem>>
        %get3A_930 = tpu.memref_squeeze %get3A_929 : memref<1x128xf32, #tpu.memory_space<vmem>> -> memref<128xf32, #tpu.memory_space<vmem>>
        %get3A_931 = arith.index_cast %add3A_922 : i32 to index
        %get3A_932 = tpu.vector_load %get3A_930[%get3A_931] {strides = array<i32>} : memref<128xf32, #tpu.memory_space<vmem>>, vector<16xf32>,
        %broadcast_in_dim3A_933 = arith.constant 0 : i32
        %broadcast_in_dim3A_934 = vector.broadcast %broadcast_in_dim3A_933 : i32 to vector<16xi32>
        %add3A_935 = vector.broadcast %add3A_910 : i32 to vector<16xi32>
        %add3A_936 = arith.addi %broadcast_in_dim3A_934, %add3A_935 : vector<16xi32>
        %scatter3A_937 = arith.constant 0 : i32
        %scatter3A_938 = arith.constant 0 : i32
        %scatter3A_939 = arith.constant 0 : i32
        %scatter3A_940 = tpu.memref_slice %arg11[%scatter3A_937, %scatter3A_938, %scatter3A_939] : memref<2x32x128xf32, #tpu.memory_space<vmem>> -> memref<1x32x128xf32, #tpu.memory_space<vmem>>
        %scatter3A_941 = tpu.memref_squeeze %scatter3A_940 : memref<1x32x128xf32, #tpu.memory_space<vmem>> -> memref<32x128xf32, #tpu.memory_space<vmem>>
        tpu.vector_store_idx %scatter3A_941[%iota3A, %add3A_936], %get3A_920 : memref<32x128xf32, #tpu.memory_space<vmem>>[vector<16xi32>, vector<16xi32>], vector<16xf32>,
        %add3A_942 = arith.constant 16 : i32
        %add3A_943 = vector.broadcast %add3A_942 : i32 to vector<16xi32>
        %add3A_944 = arith.addi %iota3A, %add3A_943 : vector<16xi32>
        %scatter3A_945 = arith.constant 0 : i32
        %scatter3A_946 = arith.constant 0 : i32
        %scatter3A_947 = arith.constant 0 : i32
        %scatter3A_948 = tpu.memref_slice %arg11[%scatter3A_945, %scatter3A_946, %scatter3A_947] : memref<2x32x128xf32, #tpu.memory_space<vmem>> -> memref<1x32x128xf32, #tpu.memory_space<vmem>>
        %scatter3A_949 = tpu.memref_squeeze %scatter3A_948 : memref<1x32x128xf32, #tpu.memory_space<vmem>> -> memref<32x128xf32, #tpu.memory_space<vmem>>
        tpu.vector_store_idx %scatter3A_949[%add3A_944, %add3A_936], %get3A_932 : memref<32x128xf32, #tpu.memory_space<vmem>>[vector<16xi32>, vector<16xi32>], vector<16xf32>,
        %slice3A_950 = vector.extract_strided_slice %get3A_323 {offsets = [14], sizes = [1], strides = [1]} : vector<16xi32> to vector<1xi32>
        %squeeze3A_951 = vector.extract %slice3A_950[0] : i32 from vector<1xi32>
        %mul3A_952 = arith.constant 16 : i32
        %mul3A_953 = arith.muli %scan3A_317, %mul3A_952 : i32
        %add3A_954 = arith.constant 14 : i32
        %add3A_955 = arith.addi %mul3A_953, %add3A_954 : i32
        %get3A_956 = arith.constant 0 : i32
        %get3A_957 = arith.constant 0 : i32
        %get3A_958 = arith.constant 0 : i32
        %get3A_959 = tpu.memref_slice %arg10[%get3A_956, %get3A_957, %get3A_958] : memref<2x128x128xf32, #tpu.memory_space<vmem>> -> memref<1x128x128xf32, #tpu.memory_space<vmem>>
        %get3A_960 = tpu.memref_squeeze %get3A_959 : memref<1x128x128xf32, #tpu.memory_space<vmem>> -> memref<128x128xf32, #tpu.memory_space<vmem>>
        %get3A_961 = arith.constant 0 : i32
        %get3A_962 = tpu.memref_slice %get3A_960[%add3A_955, %get3A_961] : memref<128x128xf32, #tpu.memory_space<vmem>> -> memref<1x128xf32, #tpu.memory_space<vmem>>
        %get3A_963 = tpu.memref_squeeze %get3A_962 : memref<1x128xf32, #tpu.memory_space<vmem>> -> memref<128xf32, #tpu.memory_space<vmem>>
        %get3A_964 = arith.index_cast %squeeze3A_951 : i32 to index
        %get3A_965 = tpu.vector_load %get3A_963[%get3A_964] {strides = array<i32>} : memref<128xf32, #tpu.memory_space<vmem>>, vector<16xf32>,
        %add3A_966 = arith.constant 16 : i32
        %add3A_967 = arith.addi %squeeze3A_951, %add3A_966 : i32
        %get3A_968 = arith.constant 0 : i32
        %get3A_969 = arith.constant 0 : i32
        %get3A_970 = arith.constant 0 : i32
        %get3A_971 = tpu.memref_slice %arg10[%get3A_968, %get3A_969, %get3A_970] : memref<2x128x128xf32, #tpu.memory_space<vmem>> -> memref<1x128x128xf32, #tpu.memory_space<vmem>>
        %get3A_972 = tpu.memref_squeeze %get3A_971 : memref<1x128x128xf32, #tpu.memory_space<vmem>> -> memref<128x128xf32, #tpu.memory_space<vmem>>
        %get3A_973 = arith.constant 0 : i32
        %get3A_974 = tpu.memref_slice %get3A_972[%add3A_955, %get3A_973] : memref<128x128xf32, #tpu.memory_space<vmem>> -> memref<1x128xf32, #tpu.memory_space<vmem>>
        %get3A_975 = tpu.memref_squeeze %get3A_974 : memref<1x128xf32, #tpu.memory_space<vmem>> -> memref<128xf32, #tpu.memory_space<vmem>>
        %get3A_976 = arith.index_cast %add3A_967 : i32 to index
        %get3A_977 = tpu.vector_load %get3A_975[%get3A_976] {strides = array<i32>} : memref<128xf32, #tpu.memory_space<vmem>>, vector<16xf32>,
        %broadcast_in_dim3A_978 = arith.constant 0 : i32
        %broadcast_in_dim3A_979 = vector.broadcast %broadcast_in_dim3A_978 : i32 to vector<16xi32>
        %add3A_980 = vector.broadcast %add3A_955 : i32 to vector<16xi32>
        %add3A_981 = arith.addi %broadcast_in_dim3A_979, %add3A_980 : vector<16xi32>
        %scatter3A_982 = arith.constant 0 : i32
        %scatter3A_983 = arith.constant 0 : i32
        %scatter3A_984 = arith.constant 0 : i32
        %scatter3A_985 = tpu.memref_slice %arg11[%scatter3A_982, %scatter3A_983, %scatter3A_984] : memref<2x32x128xf32, #tpu.memory_space<vmem>> -> memref<1x32x128xf32, #tpu.memory_space<vmem>>
        %scatter3A_986 = tpu.memref_squeeze %scatter3A_985 : memref<1x32x128xf32, #tpu.memory_space<vmem>> -> memref<32x128xf32, #tpu.memory_space<vmem>>
        tpu.vector_store_idx %scatter3A_986[%iota3A, %add3A_981], %get3A_965 : memref<32x128xf32, #tpu.memory_space<vmem>>[vector<16xi32>, vector<16xi32>], vector<16xf32>,
        %add3A_987 = arith.constant 16 : i32
        %add3A_988 = vector.broadcast %add3A_987 : i32 to vector<16xi32>
        %add3A_989 = arith.addi %iota3A, %add3A_988 : vector<16xi32>
        %scatter3A_990 = arith.constant 0 : i32
        %scatter3A_991 = arith.constant 0 : i32
        %scatter3A_992 = arith.constant 0 : i32
        %scatter3A_993 = tpu.memref_slice %arg11[%scatter3A_990, %scatter3A_991, %scatter3A_992] : memref<2x32x128xf32, #tpu.memory_space<vmem>> -> memref<1x32x128xf32, #tpu.memory_space<vmem>>
        %scatter3A_994 = tpu.memref_squeeze %scatter3A_993 : memref<1x32x128xf32, #tpu.memory_space<vmem>> -> memref<32x128xf32, #tpu.memory_space<vmem>>
        tpu.vector_store_idx %scatter3A_994[%add3A_989, %add3A_981], %get3A_977 : memref<32x128xf32, #tpu.memory_space<vmem>>[vector<16xi32>, vector<16xi32>], vector<16xf32>,
        %slice3A_995 = vector.extract_strided_slice %get3A_323 {offsets = [15], sizes = [1], strides = [1]} : vector<16xi32> to vector<1xi32>
        %squeeze3A_996 = vector.extract %slice3A_995[0] : i32 from vector<1xi32>
        %mul3A_997 = arith.constant 16 : i32
        %mul3A_998 = arith.muli %scan3A_317, %mul3A_997 : i32
        %add3A_999 = arith.constant 15 : i32
        %add3A_1000 = arith.addi %mul3A_998, %add3A_999 : i32
        %get3A_1001 = arith.constant 0 : i32
        %get3A_1002 = arith.constant 0 : i32
        %get3A_1003 = arith.constant 0 : i32
        %get3A_1004 = tpu.memref_slice %arg10[%get3A_1001, %get3A_1002, %get3A_1003] : memref<2x128x128xf32, #tpu.memory_space<vmem>> -> memref<1x128x128xf32, #tpu.memory_space<vmem>>
        %get3A_1005 = tpu.memref_squeeze %get3A_1004 : memref<1x128x128xf32, #tpu.memory_space<vmem>> -> memref<128x128xf32, #tpu.memory_space<vmem>>
        %get3A_1006 = arith.constant 0 : i32
        %get3A_1007 = tpu.memref_slice %get3A_1005[%add3A_1000, %get3A_1006] : memref<128x128xf32, #tpu.memory_space<vmem>> -> memref<1x128xf32, #tpu.memory_space<vmem>>
        %get3A_1008 = tpu.memref_squeeze %get3A_1007 : memref<1x128xf32, #tpu.memory_space<vmem>> -> memref<128xf32, #tpu.memory_space<vmem>>
        %get3A_1009 = arith.index_cast %squeeze3A_996 : i32 to index
        %get3A_1010 = tpu.vector_load %get3A_1008[%get3A_1009] {strides = array<i32>} : memref<128xf32, #tpu.memory_space<vmem>>, vector<16xf32>,
        %add3A_1011 = arith.constant 16 : i32
        %add3A_1012 = arith.addi %squeeze3A_996, %add3A_1011 : i32
        %get3A_1013 = arith.constant 0 : i32
        %get3A_1014 = arith.constant 0 : i32
        %get3A_1015 = arith.constant 0 : i32
        %get3A_1016 = tpu.memref_slice %arg10[%get3A_1013, %get3A_1014, %get3A_1015] : memref<2x128x128xf32, #tpu.memory_space<vmem>> -> memref<1x128x128xf32, #tpu.memory_space<vmem>>
        %get3A_1017 = tpu.memref_squeeze %get3A_1016 : memref<1x128x128xf32, #tpu.memory_space<vmem>> -> memref<128x128xf32, #tpu.memory_space<vmem>>
        %get3A_1018 = arith.constant 0 : i32
        %get3A_1019 = tpu.memref_slice %get3A_1017[%add3A_1000, %get3A_1018] : memref<128x128xf32, #tpu.memory_space<vmem>> -> memref<1x128xf32, #tpu.memory_space<vmem>>
        %get3A_1020 = tpu.memref_squeeze %get3A_1019 : memref<1x128xf32, #tpu.memory_space<vmem>> -> memref<128xf32, #tpu.memory_space<vmem>>
        %get3A_1021 = arith.index_cast %add3A_1012 : i32 to index
        %get3A_1022 = tpu.vector_load %get3A_1020[%get3A_1021] {strides = array<i32>} : memref<128xf32, #tpu.memory_space<vmem>>, vector<16xf32>,
        %broadcast_in_dim3A_1023 = arith.constant 0 : i32
        %broadcast_in_dim3A_1024 = vector.broadcast %broadcast_in_dim3A_1023 : i32 to vector<16xi32>
        %add3A_1025 = vector.broadcast %add3A_1000 : i32 to vector<16xi32>
        %add3A_1026 = arith.addi %broadcast_in_dim3A_1024, %add3A_1025 : vector<16xi32>
        %scatter3A_1027 = arith.constant 0 : i32
        %scatter3A_1028 = arith.constant 0 : i32
        %scatter3A_1029 = arith.constant 0 : i32
        %scatter3A_1030 = tpu.memref_slice %arg11[%scatter3A_1027, %scatter3A_1028, %scatter3A_1029] : memref<2x32x128xf32, #tpu.memory_space<vmem>> -> memref<1x32x128xf32, #tpu.memory_space<vmem>>
        %scatter3A_1031 = tpu.memref_squeeze %scatter3A_1030 : memref<1x32x128xf32, #tpu.memory_space<vmem>> -> memref<32x128xf32, #tpu.memory_space<vmem>>
        tpu.vector_store_idx %scatter3A_1031[%iota3A, %add3A_1026], %get3A_1010 : memref<32x128xf32, #tpu.memory_space<vmem>>[vector<16xi32>, vector<16xi32>], vector<16xf32>,
        %add3A_1032 = arith.constant 16 : i32
        %add3A_1033 = vector.broadcast %add3A_1032 : i32 to vector<16xi32>
        %add3A_1034 = arith.addi %iota3A, %add3A_1033 : vector<16xi32>
        %scatter3A_1035 = arith.constant 0 : i32
        %scatter3A_1036 = arith.constant 0 : i32
        %scatter3A_1037 = arith.constant 0 : i32
        %scatter3A_1038 = tpu.memref_slice %arg11[%scatter3A_1035, %scatter3A_1036, %scatter3A_1037] : memref<2x32x128xf32, #tpu.memory_space<vmem>> -> memref<1x32x128xf32, #tpu.memory_space<vmem>>
        %scatter3A_1039 = tpu.memref_squeeze %scatter3A_1038 : memref<1x32x128xf32, #tpu.memory_space<vmem>> -> memref<32x128xf32, #tpu.memory_space<vmem>>
        tpu.vector_store_idx %scatter3A_1039[%add3A_1034, %add3A_1026], %get3A_1022 : memref<32x128xf32, #tpu.memory_space<vmem>>[vector<16xi32>, vector<16xi32>], vector<16xf32>,
      }
      %scan3A_235 = arith.constant 8 : i32
      %mul3A_236 = arith.constant 128 : i32
      %mul3A_237 = arith.muli %mul3A_83, %mul3A_236 : i32
      %add3A_238 = arith.addi %mul3A_2, %mul3A_237 : i32
      %and3A_239 = arith.constant 16383 : i32
      %and3A_240 = arith.andi %add3A_238, %and3A_239 : i32
      %multiple_of3A_241 = tpu.assume_multiple %and3A_240, 128 : i32
      %shift_right_arithmetic3A_242 = arith.constant 14 : i32
      %shift_right_arithmetic3A_243 = arith.shrsi %add3A_238, %shift_right_arithmetic3A_242 : i32
      %dma_start3A_244 = arith.constant 0 : i32
      %dma_start3A_245 = arith.constant 0 : i32
      %dma_start3A_246 = arith.constant 0 : i32
      %dma_start3A_247 = tpu.memref_slice %arg11[%dma_start3A_244, %dma_start3A_245, %dma_start3A_246] : memref<2x32x128xf32, #tpu.memory_space<vmem>> -> memref<1x32x128xf32, #tpu.memory_space<vmem>>
      %dma_start3A_248 = tpu.memref_squeeze %dma_start3A_247 : memref<1x32x128xf32, #tpu.memory_space<vmem>> -> memref<32x128xf32, #tpu.memory_space<vmem>>
      %dma_start3A_249 = arith.constant 0 : i32
      %dma_start3A_250 = arith.constant 0 : i32
      %dma_start3A_251 = tpu.memref_slice %arg5[%shift_right_arithmetic3A_243, %dma_start3A_249, %dma_start3A_250] : memref<26x32x16384xf32, #tpu.memory_space<hbm>> -> memref<1x32x16384xf32, #tpu.memory_space<hbm>>
      %dma_start3A_252 = tpu.memref_squeeze %dma_start3A_251 : memref<1x32x16384xf32, #tpu.memory_space<hbm>> -> memref<32x16384xf32, #tpu.memory_space<hbm>>
      %dma_start3A_253 = arith.constant 0 : i32
      %dma_start3A_254 = tpu.memref_slice %dma_start3A_252[%dma_start3A_253, %multiple_of3A_241] : memref<32x16384xf32, #tpu.memory_space<hbm>> -> memref<32x128xf32, #tpu.memory_space<hbm>>
      %dma_start3A_255 = arith.constant 0 : i32
      %dma_start3A_256 = arith.constant 0 : i32
      %dma_start3A_257 = tpu.memref_slice %arg5[%shift_right_arithmetic3A_243, %dma_start3A_255, %dma_start3A_256] : memref<26x32x16384xf32, #tpu.memory_space<hbm>> -> memref<1x32x16384xf32, #tpu.memory_space<hbm>>
      %dma_start3A_258 = tpu.memref_squeeze %dma_start3A_257 : memref<1x32x16384xf32, #tpu.memory_space<hbm>> -> memref<32x16384xf32, #tpu.memory_space<hbm>>
      %dma_start3A_259 = arith.constant 0 : i32
      %dma_start3A_260 = tpu.memref_slice %dma_start3A_258[%dma_start3A_259, %multiple_of3A_241] : memref<32x16384xf32, #tpu.memory_space<hbm>> -> memref<32x128xf32, #tpu.memory_space<hbm>>
      %dma_start3A_261 = arith.constant 0 : i32
      %dma_start3A_262 = arith.constant 0 : i32
      %dma_start3A_263 = tpu.memref_slice %arg11[%dma_start3A_244, %dma_start3A_261, %dma_start3A_262] : memref<2x32x128xf32, #tpu.memory_space<vmem>> -> memref<1x32x128xf32, #tpu.memory_space<vmem>>
      %dma_start3A_264 = tpu.memref_squeeze %dma_start3A_263 : memref<1x32x128xf32, #tpu.memory_space<vmem>> -> memref<32x128xf32, #tpu.memory_space<vmem>>
      tpu.enqueue_dma source(%dma_start3A_264 : memref<32x128xf32, #tpu.memory_space<vmem>>) target(%dma_start3A_260 : memref<32x128xf32, #tpu.memory_space<hbm>>) target_semaphore(%arg15 : memref<!tpu.dma_semaphore, #tpu.memory_space<semaphore_mem>>)
      %dma_wait3A_265 = arith.constant 1 : i32
      %dma_wait3A_266 = arith.constant 1 : i32
      %dma_wait3A_267 = arith.constant 0 : i32
      %dma_wait3A_268 = arith.constant 0 : i32
      %dma_wait3A_269 = tpu.memref_slice %arg10[%dma_wait3A_266, %dma_wait3A_267, %dma_wait3A_268] : memref<2x128x128xf32, #tpu.memory_space<vmem>> -> memref<1x128x128xf32, #tpu.memory_space<vmem>>
      %dma_wait3A_270 = tpu.memref_squeeze %dma_wait3A_269 : memref<1x128x128xf32, #tpu.memory_space<vmem>> -> memref<128x128xf32, #tpu.memory_space<vmem>>
      %dma_wait3A_271 = arith.constant 0 : i32
      %dma_wait3A_272 = tpu.memref_slice %arg7[%dma_wait3A_265, %dma_wait3A_271] : memref<2x128xi32, #tpu.memory_space<vmem>> -> memref<1x128xi32, #tpu.memory_space<vmem>>
      %dma_wait3A_273 = tpu.memref_squeeze %dma_wait3A_272 : memref<1x128xi32, #tpu.memory_space<vmem>> -> memref<128xi32, #tpu.memory_space<vmem>>
      %dma_wait3A_274 = arith.constant 0 : i32
      %dma_wait3A_275 = arith.constant 0 : i32
      %dma_wait3A_276 = tpu.memref_slice %arg3[%dma_wait3A_274, %dma_wait3A_275] : memref<651264x128xf32, #tpu.memory_space<hbm>> -> memref<651264x128xf32, #tpu.memory_space<hbm>>
      tpu.wait_indirect_dma semaphore(%arg14 : memref<!tpu.dma_semaphore, #tpu.memory_space<semaphore_mem>>) src(%dma_wait3A_276 : memref<651264x128xf32, #tpu.memory_space<hbm>>) dst(%dma_wait3A_270 : memref<128x128xf32, #tpu.memory_space<vmem>>)
      %gt3A_277 = arith.constant 0 : i32
      %gt3A_278 = arith.cmpi sgt, %scan3A_81, %gt3A_277 : i32
      %convert_element_type3A_279 = arith.extui %gt3A_278 : i1 to i32
      %cond3A_280 = arith.constant 0 : i32
      %cond3A_281 = arith.cmpi ne, %convert_element_type3A_279, %cond3A_280 : i32
      scf.if %cond3A_281 {
        %sub3A = arith.constant 2 : i32
        %sub3A_317 = arith.subi %add3A_85, %sub3A : i32
        %mul3A_318 = arith.constant 128 : i32
        %mul3A_319 = arith.muli %sub3A_317, %mul3A_318 : i32
        %add3A_320 = arith.addi %mul3A_2, %mul3A_319 : i32
        %and3A_321 = arith.constant 16383 : i32
        %and3A_322 = arith.andi %add3A_320, %and3A_321 : i32
        %multiple_of3A_323 = tpu.assume_multiple %and3A_322, 128 : i32
        %shift_right_arithmetic3A_324 = arith.constant 14 : i32
        %shift_right_arithmetic3A_325 = arith.shrsi %add3A_320, %shift_right_arithmetic3A_324 : i32
        %dma_wait3A_326 = arith.constant 1 : i32
        %dma_wait3A_327 = arith.constant 0 : i32
        %dma_wait3A_328 = arith.constant 0 : i32
        %dma_wait3A_329 = tpu.memref_slice %arg11[%dma_wait3A_326, %dma_wait3A_327, %dma_wait3A_328] : memref<2x32x128xf32, #tpu.memory_space<vmem>> -> memref<1x32x128xf32, #tpu.memory_space<vmem>>
        %dma_wait3A_330 = tpu.memref_squeeze %dma_wait3A_329 : memref<1x32x128xf32, #tpu.memory_space<vmem>> -> memref<32x128xf32, #tpu.memory_space<vmem>>
        %dma_wait3A_331 = arith.constant 0 : i32
        %dma_wait3A_332 = arith.constant 0 : i32
        %dma_wait3A_333 = tpu.memref_slice %arg5[%shift_right_arithmetic3A_325, %dma_wait3A_331, %dma_wait3A_332] : memref<26x32x16384xf32, #tpu.memory_space<hbm>> -> memref<1x32x16384xf32, #tpu.memory_space<hbm>>
        %dma_wait3A_334 = tpu.memref_squeeze %dma_wait3A_333 : memref<1x32x16384xf32, #tpu.memory_space<hbm>> -> memref<32x16384xf32, #tpu.memory_space<hbm>>
        %dma_wait3A_335 = arith.constant 0 : i32
        %dma_wait3A_336 = tpu.memref_slice %dma_wait3A_334[%dma_wait3A_335, %multiple_of3A_323] : memref<32x16384xf32, #tpu.memory_space<hbm>> -> memref<32x128xf32, #tpu.memory_space<hbm>>
        %dma_wait3A_337 = arith.constant 0 : i32
        %dma_wait3A_338 = arith.constant 0 : i32
        %dma_wait3A_339 = tpu.memref_slice %arg5[%shift_right_arithmetic3A_325, %dma_wait3A_337, %dma_wait3A_338] : memref<26x32x16384xf32, #tpu.memory_space<hbm>> -> memref<1x32x16384xf32, #tpu.memory_space<hbm>>
        %dma_wait3A_340 = tpu.memref_squeeze %dma_wait3A_339 : memref<1x32x16384xf32, #tpu.memory_space<hbm>> -> memref<32x16384xf32, #tpu.memory_space<hbm>>
        %dma_wait3A_341 = arith.constant 0 : i32
        %dma_wait3A_342 = tpu.memref_slice %dma_wait3A_340[%dma_wait3A_341, %multiple_of3A_323] : memref<32x16384xf32, #tpu.memory_space<hbm>> -> memref<32x128xf32, #tpu.memory_space<hbm>>
        %dma_wait3A_343 = arith.constant 0 : i32
        %dma_wait3A_344 = arith.constant 0 : i32
        %dma_wait3A_345 = tpu.memref_slice %arg11[%dma_wait3A_326, %dma_wait3A_343, %dma_wait3A_344] : memref<2x32x128xf32, #tpu.memory_space<vmem>> -> memref<1x32x128xf32, #tpu.memory_space<vmem>>
        %dma_wait3A_346 = tpu.memref_squeeze %dma_wait3A_345 : memref<1x32x128xf32, #tpu.memory_space<vmem>> -> memref<32x128xf32, #tpu.memory_space<vmem>>
        tpu.wait_dma2 semaphore(%arg16 : memref<!tpu.dma_semaphore, #tpu.memory_space<semaphore_mem>>) src(%dma_wait3A_346 : memref<32x128xf32, #tpu.memory_space<vmem>>) dst(%dma_wait3A_342 : memref<32x128xf32, #tpu.memory_space<hbm>>)
      } else {
      }
      %scan3A_282 = arith.constant 0 : i32
      %scan3A_283 = arith.constant 0 : i32
      %scan3A_284 = arith.constant 8 : i32
      %scan3A_285 = arith.addi %scan3A_283, %scan3A_284 : i32
      %scan3A_286 = arith.constant 1 : i32
      scf.for %scan3A_317 = %scan3A_283 to %scan3A_285 step %scan3A_286  : i32 {
        %mul3A_318 = arith.constant 16 : i32
        %mul3A_319 = arith.muli %scan3A_317, %mul3A_318 : i32
        %get3A_320 = arith.constant 1 : i32
        %get3A_321 = arith.index_cast %get3A_320 : i32 to index
        %get3A_322 = arith.index_cast %mul3A_319 : i32 to index
        %get3A_323 = tpu.vector_load %arg8[%get3A_321, %get3A_322] {strides = array<i32>} : memref<2x128xi32, #tpu.memory_space<vmem>>, vector<16xi32>,
        %slice3A = vector.extract_strided_slice %get3A_323 {offsets = [0], sizes = [1], strides = [1]} : vector<16xi32> to vector<1xi32>
        %squeeze3A = vector.extract %slice3A[0] : i32 from vector<1xi32>
        %mul3A_324 = arith.constant 16 : i32
        %mul3A_325 = arith.muli %scan3A_317, %mul3A_324 : i32
        %add3A_326 = arith.constant 0 : i32
        %add3A_327 = arith.addi %mul3A_325, %add3A_326 : i32
        %get3A_328 = arith.constant 1 : i32
        %get3A_329 = arith.constant 0 : i32
        %get3A_330 = arith.constant 0 : i32
        %get3A_331 = tpu.memref_slice %arg10[%get3A_328, %get3A_329, %get3A_330] : memref<2x128x128xf32, #tpu.memory_space<vmem>> -> memref<1x128x128xf32, #tpu.memory_space<vmem>>
        %get3A_332 = tpu.memref_squeeze %get3A_331 : memref<1x128x128xf32, #tpu.memory_space<vmem>> -> memref<128x128xf32, #tpu.memory_space<vmem>>
        %get3A_333 = arith.constant 0 : i32
        %get3A_334 = tpu.memref_slice %get3A_332[%add3A_327, %get3A_333] : memref<128x128xf32, #tpu.memory_space<vmem>> -> memref<1x128xf32, #tpu.memory_space<vmem>>
        %get3A_335 = tpu.memref_squeeze %get3A_334 : memref<1x128xf32, #tpu.memory_space<vmem>> -> memref<128xf32, #tpu.memory_space<vmem>>
        %get3A_336 = arith.index_cast %squeeze3A : i32 to index
        %get3A_337 = tpu.vector_load %get3A_335[%get3A_336] {strides = array<i32>} : memref<128xf32, #tpu.memory_space<vmem>>, vector<16xf32>,
        %add3A_338 = arith.constant 16 : i32
        %add3A_339 = arith.addi %squeeze3A, %add3A_338 : i32
        %get3A_340 = arith.constant 1 : i32
        %get3A_341 = arith.constant 0 : i32
        %get3A_342 = arith.constant 0 : i32
        %get3A_343 = tpu.memref_slice %arg10[%get3A_340, %get3A_341, %get3A_342] : memref<2x128x128xf32, #tpu.memory_space<vmem>> -> memref<1x128x128xf32, #tpu.memory_space<vmem>>
        %get3A_344 = tpu.memref_squeeze %get3A_343 : memref<1x128x128xf32, #tpu.memory_space<vmem>> -> memref<128x128xf32, #tpu.memory_space<vmem>>
        %get3A_345 = arith.constant 0 : i32
        %get3A_346 = tpu.memref_slice %get3A_344[%add3A_327, %get3A_345] : memref<128x128xf32, #tpu.memory_space<vmem>> -> memref<1x128xf32, #tpu.memory_space<vmem>>
        %get3A_347 = tpu.memref_squeeze %get3A_346 : memref<1x128xf32, #tpu.memory_space<vmem>> -> memref<128xf32, #tpu.memory_space<vmem>>
        %get3A_348 = arith.index_cast %add3A_339 : i32 to index
        %get3A_349 = tpu.vector_load %get3A_347[%get3A_348] {strides = array<i32>} : memref<128xf32, #tpu.memory_space<vmem>>, vector<16xf32>,
        %broadcast_in_dim3A = arith.constant 0 : i32
        %broadcast_in_dim3A_350 = vector.broadcast %broadcast_in_dim3A : i32 to vector<16xi32>
        %add3A_351 = vector.broadcast %add3A_327 : i32 to vector<16xi32>
        %add3A_352 = arith.addi %broadcast_in_dim3A_350, %add3A_351 : vector<16xi32>
        %scatter3A = arith.constant 1 : i32
        %scatter3A_353 = arith.constant 0 : i32
        %scatter3A_354 = arith.constant 0 : i32
        %scatter3A_355 = tpu.memref_slice %arg11[%scatter3A, %scatter3A_353, %scatter3A_354] : memref<2x32x128xf32, #tpu.memory_space<vmem>> -> memref<1x32x128xf32, #tpu.memory_space<vmem>>
        %scatter3A_356 = tpu.memref_squeeze %scatter3A_355 : memref<1x32x128xf32, #tpu.memory_space<vmem>> -> memref<32x128xf32, #tpu.memory_space<vmem>>
        tpu.vector_store_idx %scatter3A_356[%iota3A, %add3A_352], %get3A_337 : memref<32x128xf32, #tpu.memory_space<vmem>>[vector<16xi32>, vector<16xi32>], vector<16xf32>,
        %add3A_357 = arith.constant 16 : i32
        %add3A_358 = vector.broadcast %add3A_357 : i32 to vector<16xi32>
        %add3A_359 = arith.addi %iota3A, %add3A_358 : vector<16xi32>
        %scatter3A_360 = arith.constant 1 : i32
        %scatter3A_361 = arith.constant 0 : i32
        %scatter3A_362 = arith.constant 0 : i32
        %scatter3A_363 = tpu.memref_slice %arg11[%scatter3A_360, %scatter3A_361, %scatter3A_362] : memref<2x32x128xf32, #tpu.memory_space<vmem>> -> memref<1x32x128xf32, #tpu.memory_space<vmem>>
        %scatter3A_364 = tpu.memref_squeeze %scatter3A_363 : memref<1x32x128xf32, #tpu.memory_space<vmem>> -> memref<32x128xf32, #tpu.memory_space<vmem>>
        tpu.vector_store_idx %scatter3A_364[%add3A_359, %add3A_352], %get3A_349 : memref<32x128xf32, #tpu.memory_space<vmem>>[vector<16xi32>, vector<16xi32>], vector<16xf32>,
        %slice3A_365 = vector.extract_strided_slice %get3A_323 {offsets = [1], sizes = [1], strides = [1]} : vector<16xi32> to vector<1xi32>
        %squeeze3A_366 = vector.extract %slice3A_365[0] : i32 from vector<1xi32>
        %mul3A_367 = arith.constant 16 : i32
        %mul3A_368 = arith.muli %scan3A_317, %mul3A_367 : i32
        %add3A_369 = arith.constant 1 : i32
        %add3A_370 = arith.addi %mul3A_368, %add3A_369 : i32
        %get3A_371 = arith.constant 1 : i32
        %get3A_372 = arith.constant 0 : i32
        %get3A_373 = arith.constant 0 : i32
        %get3A_374 = tpu.memref_slice %arg10[%get3A_371, %get3A_372, %get3A_373] : memref<2x128x128xf32, #tpu.memory_space<vmem>> -> memref<1x128x128xf32, #tpu.memory_space<vmem>>
        %get3A_375 = tpu.memref_squeeze %get3A_374 : memref<1x128x128xf32, #tpu.memory_space<vmem>> -> memref<128x128xf32, #tpu.memory_space<vmem>>
        %get3A_376 = arith.constant 0 : i32
        %get3A_377 = tpu.memref_slice %get3A_375[%add3A_370, %get3A_376] : memref<128x128xf32, #tpu.memory_space<vmem>> -> memref<1x128xf32, #tpu.memory_space<vmem>>
        %get3A_378 = tpu.memref_squeeze %get3A_377 : memref<1x128xf32, #tpu.memory_space<vmem>> -> memref<128xf32, #tpu.memory_space<vmem>>
        %get3A_379 = arith.index_cast %squeeze3A_366 : i32 to index
        %get3A_380 = tpu.vector_load %get3A_378[%get3A_379] {strides = array<i32>} : memref<128xf32, #tpu.memory_space<vmem>>, vector<16xf32>,
        %add3A_381 = arith.constant 16 : i32
        %add3A_382 = arith.addi %squeeze3A_366, %add3A_381 : i32
        %get3A_383 = arith.constant 1 : i32
        %get3A_384 = arith.constant 0 : i32
        %get3A_385 = arith.constant 0 : i32
        %get3A_386 = tpu.memref_slice %arg10[%get3A_383, %get3A_384, %get3A_385] : memref<2x128x128xf32, #tpu.memory_space<vmem>> -> memref<1x128x128xf32, #tpu.memory_space<vmem>>
        %get3A_387 = tpu.memref_squeeze %get3A_386 : memref<1x128x128xf32, #tpu.memory_space<vmem>> -> memref<128x128xf32, #tpu.memory_space<vmem>>
        %get3A_388 = arith.constant 0 : i32
        %get3A_389 = tpu.memref_slice %get3A_387[%add3A_370, %get3A_388] : memref<128x128xf32, #tpu.memory_space<vmem>> -> memref<1x128xf32, #tpu.memory_space<vmem>>
        %get3A_390 = tpu.memref_squeeze %get3A_389 : memref<1x128xf32, #tpu.memory_space<vmem>> -> memref<128xf32, #tpu.memory_space<vmem>>
        %get3A_391 = arith.index_cast %add3A_382 : i32 to index
        %get3A_392 = tpu.vector_load %get3A_390[%get3A_391] {strides = array<i32>} : memref<128xf32, #tpu.memory_space<vmem>>, vector<16xf32>,
        %broadcast_in_dim3A_393 = arith.constant 0 : i32
        %broadcast_in_dim3A_394 = vector.broadcast %broadcast_in_dim3A_393 : i32 to vector<16xi32>
        %add3A_395 = vector.broadcast %add3A_370 : i32 to vector<16xi32>
        %add3A_396 = arith.addi %broadcast_in_dim3A_394, %add3A_395 : vector<16xi32>
        %scatter3A_397 = arith.constant 1 : i32
        %scatter3A_398 = arith.constant 0 : i32
        %scatter3A_399 = arith.constant 0 : i32
        %scatter3A_400 = tpu.memref_slice %arg11[%scatter3A_397, %scatter3A_398, %scatter3A_399] : memref<2x32x128xf32, #tpu.memory_space<vmem>> -> memref<1x32x128xf32, #tpu.memory_space<vmem>>
        %scatter3A_401 = tpu.memref_squeeze %scatter3A_400 : memref<1x32x128xf32, #tpu.memory_space<vmem>> -> memref<32x128xf32, #tpu.memory_space<vmem>>
        tpu.vector_store_idx %scatter3A_401[%iota3A, %add3A_396], %get3A_380 : memref<32x128xf32, #tpu.memory_space<vmem>>[vector<16xi32>, vector<16xi32>], vector<16xf32>,
        %add3A_402 = arith.constant 16 : i32
        %add3A_403 = vector.broadcast %add3A_402 : i32 to vector<16xi32>
        %add3A_404 = arith.addi %iota3A, %add3A_403 : vector<16xi32>
        %scatter3A_405 = arith.constant 1 : i32
        %scatter3A_406 = arith.constant 0 : i32
        %scatter3A_407 = arith.constant 0 : i32
        %scatter3A_408 = tpu.memref_slice %arg11[%scatter3A_405, %scatter3A_406, %scatter3A_407] : memref<2x32x128xf32, #tpu.memory_space<vmem>> -> memref<1x32x128xf32, #tpu.memory_space<vmem>>
        %scatter3A_409 = tpu.memref_squeeze %scatter3A_408 : memref<1x32x128xf32, #tpu.memory_space<vmem>> -> memref<32x128xf32, #tpu.memory_space<vmem>>
        tpu.vector_store_idx %scatter3A_409[%add3A_404, %add3A_396], %get3A_392 : memref<32x128xf32, #tpu.memory_space<vmem>>[vector<16xi32>, vector<16xi32>], vector<16xf32>,
        %slice3A_410 = vector.extract_strided_slice %get3A_323 {offsets = [2], sizes = [1], strides = [1]} : vector<16xi32> to vector<1xi32>
        %squeeze3A_411 = vector.extract %slice3A_410[0] : i32 from vector<1xi32>
        %mul3A_412 = arith.constant 16 : i32
        %mul3A_413 = arith.muli %scan3A_317, %mul3A_412 : i32
        %add3A_414 = arith.constant 2 : i32
        %add3A_415 = arith.addi %mul3A_413, %add3A_414 : i32
        %get3A_416 = arith.constant 1 : i32
        %get3A_417 = arith.constant 0 : i32
        %get3A_418 = arith.constant 0 : i32
        %get3A_419 = tpu.memref_slice %arg10[%get3A_416, %get3A_417, %get3A_418] : memref<2x128x128xf32, #tpu.memory_space<vmem>> -> memref<1x128x128xf32, #tpu.memory_space<vmem>>
        %get3A_420 = tpu.memref_squeeze %get3A_419 : memref<1x128x128xf32, #tpu.memory_space<vmem>> -> memref<128x128xf32, #tpu.memory_space<vmem>>
        %get3A_421 = arith.constant 0 : i32
        %get3A_422 = tpu.memref_slice %get3A_420[%add3A_415, %get3A_421] : memref<128x128xf32, #tpu.memory_space<vmem>> -> memref<1x128xf32, #tpu.memory_space<vmem>>
        %get3A_423 = tpu.memref_squeeze %get3A_422 : memref<1x128xf32, #tpu.memory_space<vmem>> -> memref<128xf32, #tpu.memory_space<vmem>>
        %get3A_424 = arith.index_cast %squeeze3A_411 : i32 to index
        %get3A_425 = tpu.vector_load %get3A_423[%get3A_424] {strides = array<i32>} : memref<128xf32, #tpu.memory_space<vmem>>, vector<16xf32>,
        %add3A_426 = arith.constant 16 : i32
        %add3A_427 = arith.addi %squeeze3A_411, %add3A_426 : i32
        %get3A_428 = arith.constant 1 : i32
        %get3A_429 = arith.constant 0 : i32
        %get3A_430 = arith.constant 0 : i32
        %get3A_431 = tpu.memref_slice %arg10[%get3A_428, %get3A_429, %get3A_430] : memref<2x128x128xf32, #tpu.memory_space<vmem>> -> memref<1x128x128xf32, #tpu.memory_space<vmem>>
        %get3A_432 = tpu.memref_squeeze %get3A_431 : memref<1x128x128xf32, #tpu.memory_space<vmem>> -> memref<128x128xf32, #tpu.memory_space<vmem>>
        %get3A_433 = arith.constant 0 : i32
        %get3A_434 = tpu.memref_slice %get3A_432[%add3A_415, %get3A_433] : memref<128x128xf32, #tpu.memory_space<vmem>> -> memref<1x128xf32, #tpu.memory_space<vmem>>
        %get3A_435 = tpu.memref_squeeze %get3A_434 : memref<1x128xf32, #tpu.memory_space<vmem>> -> memref<128xf32, #tpu.memory_space<vmem>>
        %get3A_436 = arith.index_cast %add3A_427 : i32 to index
        %get3A_437 = tpu.vector_load %get3A_435[%get3A_436] {strides = array<i32>} : memref<128xf32, #tpu.memory_space<vmem>>, vector<16xf32>,
        %broadcast_in_dim3A_438 = arith.constant 0 : i32
        %broadcast_in_dim3A_439 = vector.broadcast %broadcast_in_dim3A_438 : i32 to vector<16xi32>
        %add3A_440 = vector.broadcast %add3A_415 : i32 to vector<16xi32>
        %add3A_441 = arith.addi %broadcast_in_dim3A_439, %add3A_440 : vector<16xi32>
        %scatter3A_442 = arith.constant 1 : i32
        %scatter3A_443 = arith.constant 0 : i32
        %scatter3A_444 = arith.constant 0 : i32
        %scatter3A_445 = tpu.memref_slice %arg11[%scatter3A_442, %scatter3A_443, %scatter3A_444] : memref<2x32x128xf32, #tpu.memory_space<vmem>> -> memref<1x32x128xf32, #tpu.memory_space<vmem>>
        %scatter3A_446 = tpu.memref_squeeze %scatter3A_445 : memref<1x32x128xf32, #tpu.memory_space<vmem>> -> memref<32x128xf32, #tpu.memory_space<vmem>>
        tpu.vector_store_idx %scatter3A_446[%iota3A, %add3A_441], %get3A_425 : memref<32x128xf32, #tpu.memory_space<vmem>>[vector<16xi32>, vector<16xi32>], vector<16xf32>,
        %add3A_447 = arith.constant 16 : i32
        %add3A_448 = vector.broadcast %add3A_447 : i32 to vector<16xi32>
        %add3A_449 = arith.addi %iota3A, %add3A_448 : vector<16xi32>
        %scatter3A_450 = arith.constant 1 : i32
        %scatter3A_451 = arith.constant 0 : i32
        %scatter3A_452 = arith.constant 0 : i32
        %scatter3A_453 = tpu.memref_slice %arg11[%scatter3A_450, %scatter3A_451, %scatter3A_452] : memref<2x32x128xf32, #tpu.memory_space<vmem>> -> memref<1x32x128xf32, #tpu.memory_space<vmem>>
        %scatter3A_454 = tpu.memref_squeeze %scatter3A_453 : memref<1x32x128xf32, #tpu.memory_space<vmem>> -> memref<32x128xf32, #tpu.memory_space<vmem>>
        tpu.vector_store_idx %scatter3A_454[%add3A_449, %add3A_441], %get3A_437 : memref<32x128xf32, #tpu.memory_space<vmem>>[vector<16xi32>, vector<16xi32>], vector<16xf32>,
        %slice3A_455 = vector.extract_strided_slice %get3A_323 {offsets = [3], sizes = [1], strides = [1]} : vector<16xi32> to vector<1xi32>
        %squeeze3A_456 = vector.extract %slice3A_455[0] : i32 from vector<1xi32>
        %mul3A_457 = arith.constant 16 : i32
        %mul3A_458 = arith.muli %scan3A_317, %mul3A_457 : i32
        %add3A_459 = arith.constant 3 : i32
        %add3A_460 = arith.addi %mul3A_458, %add3A_459 : i32
        %get3A_461 = arith.constant 1 : i32
        %get3A_462 = arith.constant 0 : i32
        %get3A_463 = arith.constant 0 : i32
        %get3A_464 = tpu.memref_slice %arg10[%get3A_461, %get3A_462, %get3A_463] : memref<2x128x128xf32, #tpu.memory_space<vmem>> -> memref<1x128x128xf32, #tpu.memory_space<vmem>>
        %get3A_465 = tpu.memref_squeeze %get3A_464 : memref<1x128x128xf32, #tpu.memory_space<vmem>> -> memref<128x128xf32, #tpu.memory_space<vmem>>
        %get3A_466 = arith.constant 0 : i32
        %get3A_467 = tpu.memref_slice %get3A_465[%add3A_460, %get3A_466] : memref<128x128xf32, #tpu.memory_space<vmem>> -> memref<1x128xf32, #tpu.memory_space<vmem>>
        %get3A_468 = tpu.memref_squeeze %get3A_467 : memref<1x128xf32, #tpu.memory_space<vmem>> -> memref<128xf32, #tpu.memory_space<vmem>>
        %get3A_469 = arith.index_cast %squeeze3A_456 : i32 to index
        %get3A_470 = tpu.vector_load %get3A_468[%get3A_469] {strides = array<i32>} : memref<128xf32, #tpu.memory_space<vmem>>, vector<16xf32>,
        %add3A_471 = arith.constant 16 : i32
        %add3A_472 = arith.addi %squeeze3A_456, %add3A_471 : i32
        %get3A_473 = arith.constant 1 : i32
        %get3A_474 = arith.constant 0 : i32
        %get3A_475 = arith.constant 0 : i32
        %get3A_476 = tpu.memref_slice %arg10[%get3A_473, %get3A_474, %get3A_475] : memref<2x128x128xf32, #tpu.memory_space<vmem>> -> memref<1x128x128xf32, #tpu.memory_space<vmem>>
        %get3A_477 = tpu.memref_squeeze %get3A_476 : memref<1x128x128xf32, #tpu.memory_space<vmem>> -> memref<128x128xf32, #tpu.memory_space<vmem>>
        %get3A_478 = arith.constant 0 : i32
        %get3A_479 = tpu.memref_slice %get3A_477[%add3A_460, %get3A_478] : memref<128x128xf32, #tpu.memory_space<vmem>> -> memref<1x128xf32, #tpu.memory_space<vmem>>
        %get3A_480 = tpu.memref_squeeze %get3A_479 : memref<1x128xf32, #tpu.memory_space<vmem>> -> memref<128xf32, #tpu.memory_space<vmem>>
        %get3A_481 = arith.index_cast %add3A_472 : i32 to index
        %get3A_482 = tpu.vector_load %get3A_480[%get3A_481] {strides = array<i32>} : memref<128xf32, #tpu.memory_space<vmem>>, vector<16xf32>,
        %broadcast_in_dim3A_483 = arith.constant 0 : i32
        %broadcast_in_dim3A_484 = vector.broadcast %broadcast_in_dim3A_483 : i32 to vector<16xi32>
        %add3A_485 = vector.broadcast %add3A_460 : i32 to vector<16xi32>
        %add3A_486 = arith.addi %broadcast_in_dim3A_484, %add3A_485 : vector<16xi32>
        %scatter3A_487 = arith.constant 1 : i32
        %scatter3A_488 = arith.constant 0 : i32
        %scatter3A_489 = arith.constant 0 : i32
        %scatter3A_490 = tpu.memref_slice %arg11[%scatter3A_487, %scatter3A_488, %scatter3A_489] : memref<2x32x128xf32, #tpu.memory_space<vmem>> -> memref<1x32x128xf32, #tpu.memory_space<vmem>>
        %scatter3A_491 = tpu.memref_squeeze %scatter3A_490 : memref<1x32x128xf32, #tpu.memory_space<vmem>> -> memref<32x128xf32, #tpu.memory_space<vmem>>
        tpu.vector_store_idx %scatter3A_491[%iota3A, %add3A_486], %get3A_470 : memref<32x128xf32, #tpu.memory_space<vmem>>[vector<16xi32>, vector<16xi32>], vector<16xf32>,
        %add3A_492 = arith.constant 16 : i32
        %add3A_493 = vector.broadcast %add3A_492 : i32 to vector<16xi32>
        %add3A_494 = arith.addi %iota3A, %add3A_493 : vector<16xi32>
        %scatter3A_495 = arith.constant 1 : i32
        %scatter3A_496 = arith.constant 0 : i32
        %scatter3A_497 = arith.constant 0 : i32
        %scatter3A_498 = tpu.memref_slice %arg11[%scatter3A_495, %scatter3A_496, %scatter3A_497] : memref<2x32x128xf32, #tpu.memory_space<vmem>> -> memref<1x32x128xf32, #tpu.memory_space<vmem>>
        %scatter3A_499 = tpu.memref_squeeze %scatter3A_498 : memref<1x32x128xf32, #tpu.memory_space<vmem>> -> memref<32x128xf32, #tpu.memory_space<vmem>>
        tpu.vector_store_idx %scatter3A_499[%add3A_494, %add3A_486], %get3A_482 : memref<32x128xf32, #tpu.memory_space<vmem>>[vector<16xi32>, vector<16xi32>], vector<16xf32>,
        %slice3A_500 = vector.extract_strided_slice %get3A_323 {offsets = [4], sizes = [1], strides = [1]} : vector<16xi32> to vector<1xi32>
        %squeeze3A_501 = vector.extract %slice3A_500[0] : i32 from vector<1xi32>
        %mul3A_502 = arith.constant 16 : i32
        %mul3A_503 = arith.muli %scan3A_317, %mul3A_502 : i32
        %add3A_504 = arith.constant 4 : i32
        %add3A_505 = arith.addi %mul3A_503, %add3A_504 : i32
        %get3A_506 = arith.constant 1 : i32
        %get3A_507 = arith.constant 0 : i32
        %get3A_508 = arith.constant 0 : i32
        %get3A_509 = tpu.memref_slice %arg10[%get3A_506, %get3A_507, %get3A_508] : memref<2x128x128xf32, #tpu.memory_space<vmem>> -> memref<1x128x128xf32, #tpu.memory_space<vmem>>
        %get3A_510 = tpu.memref_squeeze %get3A_509 : memref<1x128x128xf32, #tpu.memory_space<vmem>> -> memref<128x128xf32, #tpu.memory_space<vmem>>
        %get3A_511 = arith.constant 0 : i32
        %get3A_512 = tpu.memref_slice %get3A_510[%add3A_505, %get3A_511] : memref<128x128xf32, #tpu.memory_space<vmem>> -> memref<1x128xf32, #tpu.memory_space<vmem>>
        %get3A_513 = tpu.memref_squeeze %get3A_512 : memref<1x128xf32, #tpu.memory_space<vmem>> -> memref<128xf32, #tpu.memory_space<vmem>>
        %get3A_514 = arith.index_cast %squeeze3A_501 : i32 to index
        %get3A_515 = tpu.vector_load %get3A_513[%get3A_514] {strides = array<i32>} : memref<128xf32, #tpu.memory_space<vmem>>, vector<16xf32>,
        %add3A_516 = arith.constant 16 : i32
        %add3A_517 = arith.addi %squeeze3A_501, %add3A_516 : i32
        %get3A_518 = arith.constant 1 : i32
        %get3A_519 = arith.constant 0 : i32
        %get3A_520 = arith.constant 0 : i32
        %get3A_521 = tpu.memref_slice %arg10[%get3A_518, %get3A_519, %get3A_520] : memref<2x128x128xf32, #tpu.memory_space<vmem>> -> memref<1x128x128xf32, #tpu.memory_space<vmem>>
        %get3A_522 = tpu.memref_squeeze %get3A_521 : memref<1x128x128xf32, #tpu.memory_space<vmem>> -> memref<128x128xf32, #tpu.memory_space<vmem>>
        %get3A_523 = arith.constant 0 : i32
        %get3A_524 = tpu.memref_slice %get3A_522[%add3A_505, %get3A_523] : memref<128x128xf32, #tpu.memory_space<vmem>> -> memref<1x128xf32, #tpu.memory_space<vmem>>
        %get3A_525 = tpu.memref_squeeze %get3A_524 : memref<1x128xf32, #tpu.memory_space<vmem>> -> memref<128xf32, #tpu.memory_space<vmem>>
        %get3A_526 = arith.index_cast %add3A_517 : i32 to index
        %get3A_527 = tpu.vector_load %get3A_525[%get3A_526] {strides = array<i32>} : memref<128xf32, #tpu.memory_space<vmem>>, vector<16xf32>,
        %broadcast_in_dim3A_528 = arith.constant 0 : i32
        %broadcast_in_dim3A_529 = vector.broadcast %broadcast_in_dim3A_528 : i32 to vector<16xi32>
        %add3A_530 = vector.broadcast %add3A_505 : i32 to vector<16xi32>
        %add3A_531 = arith.addi %broadcast_in_dim3A_529, %add3A_530 : vector<16xi32>
        %scatter3A_532 = arith.constant 1 : i32
        %scatter3A_533 = arith.constant 0 : i32
        %scatter3A_534 = arith.constant 0 : i32
        %scatter3A_535 = tpu.memref_slice %arg11[%scatter3A_532, %scatter3A_533, %scatter3A_534] : memref<2x32x128xf32, #tpu.memory_space<vmem>> -> memref<1x32x128xf32, #tpu.memory_space<vmem>>
        %scatter3A_536 = tpu.memref_squeeze %scatter3A_535 : memref<1x32x128xf32, #tpu.memory_space<vmem>> -> memref<32x128xf32, #tpu.memory_space<vmem>>
        tpu.vector_store_idx %scatter3A_536[%iota3A, %add3A_531], %get3A_515 : memref<32x128xf32, #tpu.memory_space<vmem>>[vector<16xi32>, vector<16xi32>], vector<16xf32>,
        %add3A_537 = arith.constant 16 : i32
        %add3A_538 = vector.broadcast %add3A_537 : i32 to vector<16xi32>
        %add3A_539 = arith.addi %iota3A, %add3A_538 : vector<16xi32>
        %scatter3A_540 = arith.constant 1 : i32
        %scatter3A_541 = arith.constant 0 : i32
        %scatter3A_542 = arith.constant 0 : i32
        %scatter3A_543 = tpu.memref_slice %arg11[%scatter3A_540, %scatter3A_541, %scatter3A_542] : memref<2x32x128xf32, #tpu.memory_space<vmem>> -> memref<1x32x128xf32, #tpu.memory_space<vmem>>
        %scatter3A_544 = tpu.memref_squeeze %scatter3A_543 : memref<1x32x128xf32, #tpu.memory_space<vmem>> -> memref<32x128xf32, #tpu.memory_space<vmem>>
        tpu.vector_store_idx %scatter3A_544[%add3A_539, %add3A_531], %get3A_527 : memref<32x128xf32, #tpu.memory_space<vmem>>[vector<16xi32>, vector<16xi32>], vector<16xf32>,
        %slice3A_545 = vector.extract_strided_slice %get3A_323 {offsets = [5], sizes = [1], strides = [1]} : vector<16xi32> to vector<1xi32>
        %squeeze3A_546 = vector.extract %slice3A_545[0] : i32 from vector<1xi32>
        %mul3A_547 = arith.constant 16 : i32
        %mul3A_548 = arith.muli %scan3A_317, %mul3A_547 : i32
        %add3A_549 = arith.constant 5 : i32
        %add3A_550 = arith.addi %mul3A_548, %add3A_549 : i32
        %get3A_551 = arith.constant 1 : i32
        %get3A_552 = arith.constant 0 : i32
        %get3A_553 = arith.constant 0 : i32
        %get3A_554 = tpu.memref_slice %arg10[%get3A_551, %get3A_552, %get3A_553] : memref<2x128x128xf32, #tpu.memory_space<vmem>> -> memref<1x128x128xf32, #tpu.memory_space<vmem>>
        %get3A_555 = tpu.memref_squeeze %get3A_554 : memref<1x128x128xf32, #tpu.memory_space<vmem>> -> memref<128x128xf32, #tpu.memory_space<vmem>>
        %get3A_556 = arith.constant 0 : i32
        %get3A_557 = tpu.memref_slice %get3A_555[%add3A_550, %get3A_556] : memref<128x128xf32, #tpu.memory_space<vmem>> -> memref<1x128xf32, #tpu.memory_space<vmem>>
        %get3A_558 = tpu.memref_squeeze %get3A_557 : memref<1x128xf32, #tpu.memory_space<vmem>> -> memref<128xf32, #tpu.memory_space<vmem>>
        %get3A_559 = arith.index_cast %squeeze3A_546 : i32 to index
        %get3A_560 = tpu.vector_load %get3A_558[%get3A_559] {strides = array<i32>} : memref<128xf32, #tpu.memory_space<vmem>>, vector<16xf32>,
        %add3A_561 = arith.constant 16 : i32
        %add3A_562 = arith.addi %squeeze3A_546, %add3A_561 : i32
        %get3A_563 = arith.constant 1 : i32
        %get3A_564 = arith.constant 0 : i32
        %get3A_565 = arith.constant 0 : i32
        %get3A_566 = tpu.memref_slice %arg10[%get3A_563, %get3A_564, %get3A_565] : memref<2x128x128xf32, #tpu.memory_space<vmem>> -> memref<1x128x128xf32, #tpu.memory_space<vmem>>
        %get3A_567 = tpu.memref_squeeze %get3A_566 : memref<1x128x128xf32, #tpu.memory_space<vmem>> -> memref<128x128xf32, #tpu.memory_space<vmem>>
        %get3A_568 = arith.constant 0 : i32
        %get3A_569 = tpu.memref_slice %get3A_567[%add3A_550, %get3A_568] : memref<128x128xf32, #tpu.memory_space<vmem>> -> memref<1x128xf32, #tpu.memory_space<vmem>>
        %get3A_570 = tpu.memref_squeeze %get3A_569 : memref<1x128xf32, #tpu.memory_space<vmem>> -> memref<128xf32, #tpu.memory_space<vmem>>
        %get3A_571 = arith.index_cast %add3A_562 : i32 to index
        %get3A_572 = tpu.vector_load %get3A_570[%get3A_571] {strides = array<i32>} : memref<128xf32, #tpu.memory_space<vmem>>, vector<16xf32>,
        %broadcast_in_dim3A_573 = arith.constant 0 : i32
        %broadcast_in_dim3A_574 = vector.broadcast %broadcast_in_dim3A_573 : i32 to vector<16xi32>
        %add3A_575 = vector.broadcast %add3A_550 : i32 to vector<16xi32>
        %add3A_576 = arith.addi %broadcast_in_dim3A_574, %add3A_575 : vector<16xi32>
        %scatter3A_577 = arith.constant 1 : i32
        %scatter3A_578 = arith.constant 0 : i32
        %scatter3A_579 = arith.constant 0 : i32
        %scatter3A_580 = tpu.memref_slice %arg11[%scatter3A_577, %scatter3A_578, %scatter3A_579] : memref<2x32x128xf32, #tpu.memory_space<vmem>> -> memref<1x32x128xf32, #tpu.memory_space<vmem>>
        %scatter3A_581 = tpu.memref_squeeze %scatter3A_580 : memref<1x32x128xf32, #tpu.memory_space<vmem>> -> memref<32x128xf32, #tpu.memory_space<vmem>>
        tpu.vector_store_idx %scatter3A_581[%iota3A, %add3A_576], %get3A_560 : memref<32x128xf32, #tpu.memory_space<vmem>>[vector<16xi32>, vector<16xi32>], vector<16xf32>,
        %add3A_582 = arith.constant 16 : i32
        %add3A_583 = vector.broadcast %add3A_582 : i32 to vector<16xi32>
        %add3A_584 = arith.addi %iota3A, %add3A_583 : vector<16xi32>
        %scatter3A_585 = arith.constant 1 : i32
        %scatter3A_586 = arith.constant 0 : i32
        %scatter3A_587 = arith.constant 0 : i32
        %scatter3A_588 = tpu.memref_slice %arg11[%scatter3A_585, %scatter3A_586, %scatter3A_587] : memref<2x32x128xf32, #tpu.memory_space<vmem>> -> memref<1x32x128xf32, #tpu.memory_space<vmem>>
        %scatter3A_589 = tpu.memref_squeeze %scatter3A_588 : memref<1x32x128xf32, #tpu.memory_space<vmem>> -> memref<32x128xf32, #tpu.memory_space<vmem>>
        tpu.vector_store_idx %scatter3A_589[%add3A_584, %add3A_576], %get3A_572 : memref<32x128xf32, #tpu.memory_space<vmem>>[vector<16xi32>, vector<16xi32>], vector<16xf32>,
        %slice3A_590 = vector.extract_strided_slice %get3A_323 {offsets = [6], sizes = [1], strides = [1]} : vector<16xi32> to vector<1xi32>
        %squeeze3A_591 = vector.extract %slice3A_590[0] : i32 from vector<1xi32>
        %mul3A_592 = arith.constant 16 : i32
        %mul3A_593 = arith.muli %scan3A_317, %mul3A_592 : i32
        %add3A_594 = arith.constant 6 : i32
        %add3A_595 = arith.addi %mul3A_593, %add3A_594 : i32
        %get3A_596 = arith.constant 1 : i32
        %get3A_597 = arith.constant 0 : i32
        %get3A_598 = arith.constant 0 : i32
        %get3A_599 = tpu.memref_slice %arg10[%get3A_596, %get3A_597, %get3A_598] : memref<2x128x128xf32, #tpu.memory_space<vmem>> -> memref<1x128x128xf32, #tpu.memory_space<vmem>>
        %get3A_600 = tpu.memref_squeeze %get3A_599 : memref<1x128x128xf32, #tpu.memory_space<vmem>> -> memref<128x128xf32, #tpu.memory_space<vmem>>
        %get3A_601 = arith.constant 0 : i32
        %get3A_602 = tpu.memref_slice %get3A_600[%add3A_595, %get3A_601] : memref<128x128xf32, #tpu.memory_space<vmem>> -> memref<1x128xf32, #tpu.memory_space<vmem>>
        %get3A_603 = tpu.memref_squeeze %get3A_602 : memref<1x128xf32, #tpu.memory_space<vmem>> -> memref<128xf32, #tpu.memory_space<vmem>>
        %get3A_604 = arith.index_cast %squeeze3A_591 : i32 to index
        %get3A_605 = tpu.vector_load %get3A_603[%get3A_604] {strides = array<i32>} : memref<128xf32, #tpu.memory_space<vmem>>, vector<16xf32>,
        %add3A_606 = arith.constant 16 : i32
        %add3A_607 = arith.addi %squeeze3A_591, %add3A_606 : i32
        %get3A_608 = arith.constant 1 : i32
        %get3A_609 = arith.constant 0 : i32
        %get3A_610 = arith.constant 0 : i32
        %get3A_611 = tpu.memref_slice %arg10[%get3A_608, %get3A_609, %get3A_610] : memref<2x128x128xf32, #tpu.memory_space<vmem>> -> memref<1x128x128xf32, #tpu.memory_space<vmem>>
        %get3A_612 = tpu.memref_squeeze %get3A_611 : memref<1x128x128xf32, #tpu.memory_space<vmem>> -> memref<128x128xf32, #tpu.memory_space<vmem>>
        %get3A_613 = arith.constant 0 : i32
        %get3A_614 = tpu.memref_slice %get3A_612[%add3A_595, %get3A_613] : memref<128x128xf32, #tpu.memory_space<vmem>> -> memref<1x128xf32, #tpu.memory_space<vmem>>
        %get3A_615 = tpu.memref_squeeze %get3A_614 : memref<1x128xf32, #tpu.memory_space<vmem>> -> memref<128xf32, #tpu.memory_space<vmem>>
        %get3A_616 = arith.index_cast %add3A_607 : i32 to index
        %get3A_617 = tpu.vector_load %get3A_615[%get3A_616] {strides = array<i32>} : memref<128xf32, #tpu.memory_space<vmem>>, vector<16xf32>,
        %broadcast_in_dim3A_618 = arith.constant 0 : i32
        %broadcast_in_dim3A_619 = vector.broadcast %broadcast_in_dim3A_618 : i32 to vector<16xi32>
        %add3A_620 = vector.broadcast %add3A_595 : i32 to vector<16xi32>
        %add3A_621 = arith.addi %broadcast_in_dim3A_619, %add3A_620 : vector<16xi32>
        %scatter3A_622 = arith.constant 1 : i32
        %scatter3A_623 = arith.constant 0 : i32
        %scatter3A_624 = arith.constant 0 : i32
        %scatter3A_625 = tpu.memref_slice %arg11[%scatter3A_622, %scatter3A_623, %scatter3A_624] : memref<2x32x128xf32, #tpu.memory_space<vmem>> -> memref<1x32x128xf32, #tpu.memory_space<vmem>>
        %scatter3A_626 = tpu.memref_squeeze %scatter3A_625 : memref<1x32x128xf32, #tpu.memory_space<vmem>> -> memref<32x128xf32, #tpu.memory_space<vmem>>
        tpu.vector_store_idx %scatter3A_626[%iota3A, %add3A_621], %get3A_605 : memref<32x128xf32, #tpu.memory_space<vmem>>[vector<16xi32>, vector<16xi32>], vector<16xf32>,
        %add3A_627 = arith.constant 16 : i32
        %add3A_628 = vector.broadcast %add3A_627 : i32 to vector<16xi32>
        %add3A_629 = arith.addi %iota3A, %add3A_628 : vector<16xi32>
        %scatter3A_630 = arith.constant 1 : i32
        %scatter3A_631 = arith.constant 0 : i32
        %scatter3A_632 = arith.constant 0 : i32
        %scatter3A_633 = tpu.memref_slice %arg11[%scatter3A_630, %scatter3A_631, %scatter3A_632] : memref<2x32x128xf32, #tpu.memory_space<vmem>> -> memref<1x32x128xf32, #tpu.memory_space<vmem>>
        %scatter3A_634 = tpu.memref_squeeze %scatter3A_633 : memref<1x32x128xf32, #tpu.memory_space<vmem>> -> memref<32x128xf32, #tpu.memory_space<vmem>>
        tpu.vector_store_idx %scatter3A_634[%add3A_629, %add3A_621], %get3A_617 : memref<32x128xf32, #tpu.memory_space<vmem>>[vector<16xi32>, vector<16xi32>], vector<16xf32>,
        %slice3A_635 = vector.extract_strided_slice %get3A_323 {offsets = [7], sizes = [1], strides = [1]} : vector<16xi32> to vector<1xi32>
        %squeeze3A_636 = vector.extract %slice3A_635[0] : i32 from vector<1xi32>
        %mul3A_637 = arith.constant 16 : i32
        %mul3A_638 = arith.muli %scan3A_317, %mul3A_637 : i32
        %add3A_639 = arith.constant 7 : i32
        %add3A_640 = arith.addi %mul3A_638, %add3A_639 : i32
        %get3A_641 = arith.constant 1 : i32
        %get3A_642 = arith.constant 0 : i32
        %get3A_643 = arith.constant 0 : i32
        %get3A_644 = tpu.memref_slice %arg10[%get3A_641, %get3A_642, %get3A_643] : memref<2x128x128xf32, #tpu.memory_space<vmem>> -> memref<1x128x128xf32, #tpu.memory_space<vmem>>
        %get3A_645 = tpu.memref_squeeze %get3A_644 : memref<1x128x128xf32, #tpu.memory_space<vmem>> -> memref<128x128xf32, #tpu.memory_space<vmem>>
        %get3A_646 = arith.constant 0 : i32
        %get3A_647 = tpu.memref_slice %get3A_645[%add3A_640, %get3A_646] : memref<128x128xf32, #tpu.memory_space<vmem>> -> memref<1x128xf32, #tpu.memory_space<vmem>>
        %get3A_648 = tpu.memref_squeeze %get3A_647 : memref<1x128xf32, #tpu.memory_space<vmem>> -> memref<128xf32, #tpu.memory_space<vmem>>
        %get3A_649 = arith.index_cast %squeeze3A_636 : i32 to index
        %get3A_650 = tpu.vector_load %get3A_648[%get3A_649] {strides = array<i32>} : memref<128xf32, #tpu.memory_space<vmem>>, vector<16xf32>,
        %add3A_651 = arith.constant 16 : i32
        %add3A_652 = arith.addi %squeeze3A_636, %add3A_651 : i32
        %get3A_653 = arith.constant 1 : i32
        %get3A_654 = arith.constant 0 : i32
        %get3A_655 = arith.constant 0 : i32
        %get3A_656 = tpu.memref_slice %arg10[%get3A_653, %get3A_654, %get3A_655] : memref<2x128x128xf32, #tpu.memory_space<vmem>> -> memref<1x128x128xf32, #tpu.memory_space<vmem>>
        %get3A_657 = tpu.memref_squeeze %get3A_656 : memref<1x128x128xf32, #tpu.memory_space<vmem>> -> memref<128x128xf32, #tpu.memory_space<vmem>>
        %get3A_658 = arith.constant 0 : i32
        %get3A_659 = tpu.memref_slice %get3A_657[%add3A_640, %get3A_658] : memref<128x128xf32, #tpu.memory_space<vmem>> -> memref<1x128xf32, #tpu.memory_space<vmem>>
        %get3A_660 = tpu.memref_squeeze %get3A_659 : memref<1x128xf32, #tpu.memory_space<vmem>> -> memref<128xf32, #tpu.memory_space<vmem>>
        %get3A_661 = arith.index_cast %add3A_652 : i32 to index
        %get3A_662 = tpu.vector_load %get3A_660[%get3A_661] {strides = array<i32>} : memref<128xf32, #tpu.memory_space<vmem>>, vector<16xf32>,
        %broadcast_in_dim3A_663 = arith.constant 0 : i32
        %broadcast_in_dim3A_664 = vector.broadcast %broadcast_in_dim3A_663 : i32 to vector<16xi32>
        %add3A_665 = vector.broadcast %add3A_640 : i32 to vector<16xi32>
        %add3A_666 = arith.addi %broadcast_in_dim3A_664, %add3A_665 : vector<16xi32>
        %scatter3A_667 = arith.constant 1 : i32
        %scatter3A_668 = arith.constant 0 : i32
        %scatter3A_669 = arith.constant 0 : i32
        %scatter3A_670 = tpu.memref_slice %arg11[%scatter3A_667, %scatter3A_668, %scatter3A_669] : memref<2x32x128xf32, #tpu.memory_space<vmem>> -> memref<1x32x128xf32, #tpu.memory_space<vmem>>
        %scatter3A_671 = tpu.memref_squeeze %scatter3A_670 : memref<1x32x128xf32, #tpu.memory_space<vmem>> -> memref<32x128xf32, #tpu.memory_space<vmem>>
        tpu.vector_store_idx %scatter3A_671[%iota3A, %add3A_666], %get3A_650 : memref<32x128xf32, #tpu.memory_space<vmem>>[vector<16xi32>, vector<16xi32>], vector<16xf32>,
        %add3A_672 = arith.constant 16 : i32
        %add3A_673 = vector.broadcast %add3A_672 : i32 to vector<16xi32>
        %add3A_674 = arith.addi %iota3A, %add3A_673 : vector<16xi32>
        %scatter3A_675 = arith.constant 1 : i32
        %scatter3A_676 = arith.constant 0 : i32
        %scatter3A_677 = arith.constant 0 : i32
        %scatter3A_678 = tpu.memref_slice %arg11[%scatter3A_675, %scatter3A_676, %scatter3A_677] : memref<2x32x128xf32, #tpu.memory_space<vmem>> -> memref<1x32x128xf32, #tpu.memory_space<vmem>>
        %scatter3A_679 = tpu.memref_squeeze %scatter3A_678 : memref<1x32x128xf32, #tpu.memory_space<vmem>> -> memref<32x128xf32, #tpu.memory_space<vmem>>
        tpu.vector_store_idx %scatter3A_679[%add3A_674, %add3A_666], %get3A_662 : memref<32x128xf32, #tpu.memory_space<vmem>>[vector<16xi32>, vector<16xi32>], vector<16xf32>,
        %slice3A_680 = vector.extract_strided_slice %get3A_323 {offsets = [8], sizes = [1], strides = [1]} : vector<16xi32> to vector<1xi32>
        %squeeze3A_681 = vector.extract %slice3A_680[0] : i32 from vector<1xi32>
        %mul3A_682 = arith.constant 16 : i32
        %mul3A_683 = arith.muli %scan3A_317, %mul3A_682 : i32
        %add3A_684 = arith.constant 8 : i32
        %add3A_685 = arith.addi %mul3A_683, %add3A_684 : i32
        %get3A_686 = arith.constant 1 : i32
        %get3A_687 = arith.constant 0 : i32
        %get3A_688 = arith.constant 0 : i32
        %get3A_689 = tpu.memref_slice %arg10[%get3A_686, %get3A_687, %get3A_688] : memref<2x128x128xf32, #tpu.memory_space<vmem>> -> memref<1x128x128xf32, #tpu.memory_space<vmem>>
        %get3A_690 = tpu.memref_squeeze %get3A_689 : memref<1x128x128xf32, #tpu.memory_space<vmem>> -> memref<128x128xf32, #tpu.memory_space<vmem>>
        %get3A_691 = arith.constant 0 : i32
        %get3A_692 = tpu.memref_slice %get3A_690[%add3A_685, %get3A_691] : memref<128x128xf32, #tpu.memory_space<vmem>> -> memref<1x128xf32, #tpu.memory_space<vmem>>
        %get3A_693 = tpu.memref_squeeze %get3A_692 : memref<1x128xf32, #tpu.memory_space<vmem>> -> memref<128xf32, #tpu.memory_space<vmem>>
        %get3A_694 = arith.index_cast %squeeze3A_681 : i32 to index
        %get3A_695 = tpu.vector_load %get3A_693[%get3A_694] {strides = array<i32>} : memref<128xf32, #tpu.memory_space<vmem>>, vector<16xf32>,
        %add3A_696 = arith.constant 16 : i32
        %add3A_697 = arith.addi %squeeze3A_681, %add3A_696 : i32
        %get3A_698 = arith.constant 1 : i32
        %get3A_699 = arith.constant 0 : i32
        %get3A_700 = arith.constant 0 : i32
        %get3A_701 = tpu.memref_slice %arg10[%get3A_698, %get3A_699, %get3A_700] : memref<2x128x128xf32, #tpu.memory_space<vmem>> -> memref<1x128x128xf32, #tpu.memory_space<vmem>>
        %get3A_702 = tpu.memref_squeeze %get3A_701 : memref<1x128x128xf32, #tpu.memory_space<vmem>> -> memref<128x128xf32, #tpu.memory_space<vmem>>
        %get3A_703 = arith.constant 0 : i32
        %get3A_704 = tpu.memref_slice %get3A_702[%add3A_685, %get3A_703] : memref<128x128xf32, #tpu.memory_space<vmem>> -> memref<1x128xf32, #tpu.memory_space<vmem>>
        %get3A_705 = tpu.memref_squeeze %get3A_704 : memref<1x128xf32, #tpu.memory_space<vmem>> -> memref<128xf32, #tpu.memory_space<vmem>>
        %get3A_706 = arith.index_cast %add3A_697 : i32 to index
        %get3A_707 = tpu.vector_load %get3A_705[%get3A_706] {strides = array<i32>} : memref<128xf32, #tpu.memory_space<vmem>>, vector<16xf32>,
        %broadcast_in_dim3A_708 = arith.constant 0 : i32
        %broadcast_in_dim3A_709 = vector.broadcast %broadcast_in_dim3A_708 : i32 to vector<16xi32>
        %add3A_710 = vector.broadcast %add3A_685 : i32 to vector<16xi32>
        %add3A_711 = arith.addi %broadcast_in_dim3A_709, %add3A_710 : vector<16xi32>
        %scatter3A_712 = arith.constant 1 : i32
        %scatter3A_713 = arith.constant 0 : i32
        %scatter3A_714 = arith.constant 0 : i32
        %scatter3A_715 = tpu.memref_slice %arg11[%scatter3A_712, %scatter3A_713, %scatter3A_714] : memref<2x32x128xf32, #tpu.memory_space<vmem>> -> memref<1x32x128xf32, #tpu.memory_space<vmem>>
        %scatter3A_716 = tpu.memref_squeeze %scatter3A_715 : memref<1x32x128xf32, #tpu.memory_space<vmem>> -> memref<32x128xf32, #tpu.memory_space<vmem>>
        tpu.vector_store_idx %scatter3A_716[%iota3A, %add3A_711], %get3A_695 : memref<32x128xf32, #tpu.memory_space<vmem>>[vector<16xi32>, vector<16xi32>], vector<16xf32>,
        %add3A_717 = arith.constant 16 : i32
        %add3A_718 = vector.broadcast %add3A_717 : i32 to vector<16xi32>
        %add3A_719 = arith.addi %iota3A, %add3A_718 : vector<16xi32>
        %scatter3A_720 = arith.constant 1 : i32
        %scatter3A_721 = arith.constant 0 : i32
        %scatter3A_722 = arith.constant 0 : i32
        %scatter3A_723 = tpu.memref_slice %arg11[%scatter3A_720, %scatter3A_721, %scatter3A_722] : memref<2x32x128xf32, #tpu.memory_space<vmem>> -> memref<1x32x128xf32, #tpu.memory_space<vmem>>
        %scatter3A_724 = tpu.memref_squeeze %scatter3A_723 : memref<1x32x128xf32, #tpu.memory_space<vmem>> -> memref<32x128xf32, #tpu.memory_space<vmem>>
        tpu.vector_store_idx %scatter3A_724[%add3A_719, %add3A_711], %get3A_707 : memref<32x128xf32, #tpu.memory_space<vmem>>[vector<16xi32>, vector<16xi32>], vector<16xf32>,
        %slice3A_725 = vector.extract_strided_slice %get3A_323 {offsets = [9], sizes = [1], strides = [1]} : vector<16xi32> to vector<1xi32>
        %squeeze3A_726 = vector.extract %slice3A_725[0] : i32 from vector<1xi32>
        %mul3A_727 = arith.constant 16 : i32
        %mul3A_728 = arith.muli %scan3A_317, %mul3A_727 : i32
        %add3A_729 = arith.constant 9 : i32
        %add3A_730 = arith.addi %mul3A_728, %add3A_729 : i32
        %get3A_731 = arith.constant 1 : i32
        %get3A_732 = arith.constant 0 : i32
        %get3A_733 = arith.constant 0 : i32
        %get3A_734 = tpu.memref_slice %arg10[%get3A_731, %get3A_732, %get3A_733] : memref<2x128x128xf32, #tpu.memory_space<vmem>> -> memref<1x128x128xf32, #tpu.memory_space<vmem>>
        %get3A_735 = tpu.memref_squeeze %get3A_734 : memref<1x128x128xf32, #tpu.memory_space<vmem>> -> memref<128x128xf32, #tpu.memory_space<vmem>>
        %get3A_736 = arith.constant 0 : i32
        %get3A_737 = tpu.memref_slice %get3A_735[%add3A_730, %get3A_736] : memref<128x128xf32, #tpu.memory_space<vmem>> -> memref<1x128xf32, #tpu.memory_space<vmem>>
        %get3A_738 = tpu.memref_squeeze %get3A_737 : memref<1x128xf32, #tpu.memory_space<vmem>> -> memref<128xf32, #tpu.memory_space<vmem>>
        %get3A_739 = arith.index_cast %squeeze3A_726 : i32 to index
        %get3A_740 = tpu.vector_load %get3A_738[%get3A_739] {strides = array<i32>} : memref<128xf32, #tpu.memory_space<vmem>>, vector<16xf32>,
        %add3A_741 = arith.constant 16 : i32
        %add3A_742 = arith.addi %squeeze3A_726, %add3A_741 : i32
        %get3A_743 = arith.constant 1 : i32
        %get3A_744 = arith.constant 0 : i32
        %get3A_745 = arith.constant 0 : i32
        %get3A_746 = tpu.memref_slice %arg10[%get3A_743, %get3A_744, %get3A_745] : memref<2x128x128xf32, #tpu.memory_space<vmem>> -> memref<1x128x128xf32, #tpu.memory_space<vmem>>
        %get3A_747 = tpu.memref_squeeze %get3A_746 : memref<1x128x128xf32, #tpu.memory_space<vmem>> -> memref<128x128xf32, #tpu.memory_space<vmem>>
        %get3A_748 = arith.constant 0 : i32
        %get3A_749 = tpu.memref_slice %get3A_747[%add3A_730, %get3A_748] : memref<128x128xf32, #tpu.memory_space<vmem>> -> memref<1x128xf32, #tpu.memory_space<vmem>>
        %get3A_750 = tpu.memref_squeeze %get3A_749 : memref<1x128xf32, #tpu.memory_space<vmem>> -> memref<128xf32, #tpu.memory_space<vmem>>
        %get3A_751 = arith.index_cast %add3A_742 : i32 to index
        %get3A_752 = tpu.vector_load %get3A_750[%get3A_751] {strides = array<i32>} : memref<128xf32, #tpu.memory_space<vmem>>, vector<16xf32>,
        %broadcast_in_dim3A_753 = arith.constant 0 : i32
        %broadcast_in_dim3A_754 = vector.broadcast %broadcast_in_dim3A_753 : i32 to vector<16xi32>
        %add3A_755 = vector.broadcast %add3A_730 : i32 to vector<16xi32>
        %add3A_756 = arith.addi %broadcast_in_dim3A_754, %add3A_755 : vector<16xi32>
        %scatter3A_757 = arith.constant 1 : i32
        %scatter3A_758 = arith.constant 0 : i32
        %scatter3A_759 = arith.constant 0 : i32
        %scatter3A_760 = tpu.memref_slice %arg11[%scatter3A_757, %scatter3A_758, %scatter3A_759] : memref<2x32x128xf32, #tpu.memory_space<vmem>> -> memref<1x32x128xf32, #tpu.memory_space<vmem>>
        %scatter3A_761 = tpu.memref_squeeze %scatter3A_760 : memref<1x32x128xf32, #tpu.memory_space<vmem>> -> memref<32x128xf32, #tpu.memory_space<vmem>>
        tpu.vector_store_idx %scatter3A_761[%iota3A, %add3A_756], %get3A_740 : memref<32x128xf32, #tpu.memory_space<vmem>>[vector<16xi32>, vector<16xi32>], vector<16xf32>,
        %add3A_762 = arith.constant 16 : i32
        %add3A_763 = vector.broadcast %add3A_762 : i32 to vector<16xi32>
        %add3A_764 = arith.addi %iota3A, %add3A_763 : vector<16xi32>
        %scatter3A_765 = arith.constant 1 : i32
        %scatter3A_766 = arith.constant 0 : i32
        %scatter3A_767 = arith.constant 0 : i32
        %scatter3A_768 = tpu.memref_slice %arg11[%scatter3A_765, %scatter3A_766, %scatter3A_767] : memref<2x32x128xf32, #tpu.memory_space<vmem>> -> memref<1x32x128xf32, #tpu.memory_space<vmem>>
        %scatter3A_769 = tpu.memref_squeeze %scatter3A_768 : memref<1x32x128xf32, #tpu.memory_space<vmem>> -> memref<32x128xf32, #tpu.memory_space<vmem>>
        tpu.vector_store_idx %scatter3A_769[%add3A_764, %add3A_756], %get3A_752 : memref<32x128xf32, #tpu.memory_space<vmem>>[vector<16xi32>, vector<16xi32>], vector<16xf32>,
        %slice3A_770 = vector.extract_strided_slice %get3A_323 {offsets = [10], sizes = [1], strides = [1]} : vector<16xi32> to vector<1xi32>
        %squeeze3A_771 = vector.extract %slice3A_770[0] : i32 from vector<1xi32>
        %mul3A_772 = arith.constant 16 : i32
        %mul3A_773 = arith.muli %scan3A_317, %mul3A_772 : i32
        %add3A_774 = arith.constant 10 : i32
        %add3A_775 = arith.addi %mul3A_773, %add3A_774 : i32
        %get3A_776 = arith.constant 1 : i32
        %get3A_777 = arith.constant 0 : i32
        %get3A_778 = arith.constant 0 : i32
        %get3A_779 = tpu.memref_slice %arg10[%get3A_776, %get3A_777, %get3A_778] : memref<2x128x128xf32, #tpu.memory_space<vmem>> -> memref<1x128x128xf32, #tpu.memory_space<vmem>>
        %get3A_780 = tpu.memref_squeeze %get3A_779 : memref<1x128x128xf32, #tpu.memory_space<vmem>> -> memref<128x128xf32, #tpu.memory_space<vmem>>
        %get3A_781 = arith.constant 0 : i32
        %get3A_782 = tpu.memref_slice %get3A_780[%add3A_775, %get3A_781] : memref<128x128xf32, #tpu.memory_space<vmem>> -> memref<1x128xf32, #tpu.memory_space<vmem>>
        %get3A_783 = tpu.memref_squeeze %get3A_782 : memref<1x128xf32, #tpu.memory_space<vmem>> -> memref<128xf32, #tpu.memory_space<vmem>>
        %get3A_784 = arith.index_cast %squeeze3A_771 : i32 to index
        %get3A_785 = tpu.vector_load %get3A_783[%get3A_784] {strides = array<i32>} : memref<128xf32, #tpu.memory_space<vmem>>, vector<16xf32>,
        %add3A_786 = arith.constant 16 : i32
        %add3A_787 = arith.addi %squeeze3A_771, %add3A_786 : i32
        %get3A_788 = arith.constant 1 : i32
        %get3A_789 = arith.constant 0 : i32
        %get3A_790 = arith.constant 0 : i32
        %get3A_791 = tpu.memref_slice %arg10[%get3A_788, %get3A_789, %get3A_790] : memref<2x128x128xf32, #tpu.memory_space<vmem>> -> memref<1x128x128xf32, #tpu.memory_space<vmem>>
        %get3A_792 = tpu.memref_squeeze %get3A_791 : memref<1x128x128xf32, #tpu.memory_space<vmem>> -> memref<128x128xf32, #tpu.memory_space<vmem>>
        %get3A_793 = arith.constant 0 : i32
        %get3A_794 = tpu.memref_slice %get3A_792[%add3A_775, %get3A_793] : memref<128x128xf32, #tpu.memory_space<vmem>> -> memref<1x128xf32, #tpu.memory_space<vmem>>
        %get3A_795 = tpu.memref_squeeze %get3A_794 : memref<1x128xf32, #tpu.memory_space<vmem>> -> memref<128xf32, #tpu.memory_space<vmem>>
        %get3A_796 = arith.index_cast %add3A_787 : i32 to index
        %get3A_797 = tpu.vector_load %get3A_795[%get3A_796] {strides = array<i32>} : memref<128xf32, #tpu.memory_space<vmem>>, vector<16xf32>,
        %broadcast_in_dim3A_798 = arith.constant 0 : i32
        %broadcast_in_dim3A_799 = vector.broadcast %broadcast_in_dim3A_798 : i32 to vector<16xi32>
        %add3A_800 = vector.broadcast %add3A_775 : i32 to vector<16xi32>
        %add3A_801 = arith.addi %broadcast_in_dim3A_799, %add3A_800 : vector<16xi32>
        %scatter3A_802 = arith.constant 1 : i32
        %scatter3A_803 = arith.constant 0 : i32
        %scatter3A_804 = arith.constant 0 : i32
        %scatter3A_805 = tpu.memref_slice %arg11[%scatter3A_802, %scatter3A_803, %scatter3A_804] : memref<2x32x128xf32, #tpu.memory_space<vmem>> -> memref<1x32x128xf32, #tpu.memory_space<vmem>>
        %scatter3A_806 = tpu.memref_squeeze %scatter3A_805 : memref<1x32x128xf32, #tpu.memory_space<vmem>> -> memref<32x128xf32, #tpu.memory_space<vmem>>
        tpu.vector_store_idx %scatter3A_806[%iota3A, %add3A_801], %get3A_785 : memref<32x128xf32, #tpu.memory_space<vmem>>[vector<16xi32>, vector<16xi32>], vector<16xf32>,
        %add3A_807 = arith.constant 16 : i32
        %add3A_808 = vector.broadcast %add3A_807 : i32 to vector<16xi32>
        %add3A_809 = arith.addi %iota3A, %add3A_808 : vector<16xi32>
        %scatter3A_810 = arith.constant 1 : i32
        %scatter3A_811 = arith.constant 0 : i32
        %scatter3A_812 = arith.constant 0 : i32
        %scatter3A_813 = tpu.memref_slice %arg11[%scatter3A_810, %scatter3A_811, %scatter3A_812] : memref<2x32x128xf32, #tpu.memory_space<vmem>> -> memref<1x32x128xf32, #tpu.memory_space<vmem>>
        %scatter3A_814 = tpu.memref_squeeze %scatter3A_813 : memref<1x32x128xf32, #tpu.memory_space<vmem>> -> memref<32x128xf32, #tpu.memory_space<vmem>>
        tpu.vector_store_idx %scatter3A_814[%add3A_809, %add3A_801], %get3A_797 : memref<32x128xf32, #tpu.memory_space<vmem>>[vector<16xi32>, vector<16xi32>], vector<16xf32>,
        %slice3A_815 = vector.extract_strided_slice %get3A_323 {offsets = [11], sizes = [1], strides = [1]} : vector<16xi32> to vector<1xi32>
        %squeeze3A_816 = vector.extract %slice3A_815[0] : i32 from vector<1xi32>
        %mul3A_817 = arith.constant 16 : i32
        %mul3A_818 = arith.muli %scan3A_317, %mul3A_817 : i32
        %add3A_819 = arith.constant 11 : i32
        %add3A_820 = arith.addi %mul3A_818, %add3A_819 : i32
        %get3A_821 = arith.constant 1 : i32
        %get3A_822 = arith.constant 0 : i32
        %get3A_823 = arith.constant 0 : i32
        %get3A_824 = tpu.memref_slice %arg10[%get3A_821, %get3A_822, %get3A_823] : memref<2x128x128xf32, #tpu.memory_space<vmem>> -> memref<1x128x128xf32, #tpu.memory_space<vmem>>
        %get3A_825 = tpu.memref_squeeze %get3A_824 : memref<1x128x128xf32, #tpu.memory_space<vmem>> -> memref<128x128xf32, #tpu.memory_space<vmem>>
        %get3A_826 = arith.constant 0 : i32
        %get3A_827 = tpu.memref_slice %get3A_825[%add3A_820, %get3A_826] : memref<128x128xf32, #tpu.memory_space<vmem>> -> memref<1x128xf32, #tpu.memory_space<vmem>>
        %get3A_828 = tpu.memref_squeeze %get3A_827 : memref<1x128xf32, #tpu.memory_space<vmem>> -> memref<128xf32, #tpu.memory_space<vmem>>
        %get3A_829 = arith.index_cast %squeeze3A_816 : i32 to index
        %get3A_830 = tpu.vector_load %get3A_828[%get3A_829] {strides = array<i32>} : memref<128xf32, #tpu.memory_space<vmem>>, vector<16xf32>,
        %add3A_831 = arith.constant 16 : i32
        %add3A_832 = arith.addi %squeeze3A_816, %add3A_831 : i32
        %get3A_833 = arith.constant 1 : i32
        %get3A_834 = arith.constant 0 : i32
        %get3A_835 = arith.constant 0 : i32
        %get3A_836 = tpu.memref_slice %arg10[%get3A_833, %get3A_834, %get3A_835] : memref<2x128x128xf32, #tpu.memory_space<vmem>> -> memref<1x128x128xf32, #tpu.memory_space<vmem>>
        %get3A_837 = tpu.memref_squeeze %get3A_836 : memref<1x128x128xf32, #tpu.memory_space<vmem>> -> memref<128x128xf32, #tpu.memory_space<vmem>>
        %get3A_838 = arith.constant 0 : i32
        %get3A_839 = tpu.memref_slice %get3A_837[%add3A_820, %get3A_838] : memref<128x128xf32, #tpu.memory_space<vmem>> -> memref<1x128xf32, #tpu.memory_space<vmem>>
        %get3A_840 = tpu.memref_squeeze %get3A_839 : memref<1x128xf32, #tpu.memory_space<vmem>> -> memref<128xf32, #tpu.memory_space<vmem>>
        %get3A_841 = arith.index_cast %add3A_832 : i32 to index
        %get3A_842 = tpu.vector_load %get3A_840[%get3A_841] {strides = array<i32>} : memref<128xf32, #tpu.memory_space<vmem>>, vector<16xf32>,
        %broadcast_in_dim3A_843 = arith.constant 0 : i32
        %broadcast_in_dim3A_844 = vector.broadcast %broadcast_in_dim3A_843 : i32 to vector<16xi32>
        %add3A_845 = vector.broadcast %add3A_820 : i32 to vector<16xi32>
        %add3A_846 = arith.addi %broadcast_in_dim3A_844, %add3A_845 : vector<16xi32>
        %scatter3A_847 = arith.constant 1 : i32
        %scatter3A_848 = arith.constant 0 : i32
        %scatter3A_849 = arith.constant 0 : i32
        %scatter3A_850 = tpu.memref_slice %arg11[%scatter3A_847, %scatter3A_848, %scatter3A_849] : memref<2x32x128xf32, #tpu.memory_space<vmem>> -> memref<1x32x128xf32, #tpu.memory_space<vmem>>
        %scatter3A_851 = tpu.memref_squeeze %scatter3A_850 : memref<1x32x128xf32, #tpu.memory_space<vmem>> -> memref<32x128xf32, #tpu.memory_space<vmem>>
        tpu.vector_store_idx %scatter3A_851[%iota3A, %add3A_846], %get3A_830 : memref<32x128xf32, #tpu.memory_space<vmem>>[vector<16xi32>, vector<16xi32>], vector<16xf32>,
        %add3A_852 = arith.constant 16 : i32
        %add3A_853 = vector.broadcast %add3A_852 : i32 to vector<16xi32>
        %add3A_854 = arith.addi %iota3A, %add3A_853 : vector<16xi32>
        %scatter3A_855 = arith.constant 1 : i32
        %scatter3A_856 = arith.constant 0 : i32
        %scatter3A_857 = arith.constant 0 : i32
        %scatter3A_858 = tpu.memref_slice %arg11[%scatter3A_855, %scatter3A_856, %scatter3A_857] : memref<2x32x128xf32, #tpu.memory_space<vmem>> -> memref<1x32x128xf32, #tpu.memory_space<vmem>>
        %scatter3A_859 = tpu.memref_squeeze %scatter3A_858 : memref<1x32x128xf32, #tpu.memory_space<vmem>> -> memref<32x128xf32, #tpu.memory_space<vmem>>
        tpu.vector_store_idx %scatter3A_859[%add3A_854, %add3A_846], %get3A_842 : memref<32x128xf32, #tpu.memory_space<vmem>>[vector<16xi32>, vector<16xi32>], vector<16xf32>,
        %slice3A_860 = vector.extract_strided_slice %get3A_323 {offsets = [12], sizes = [1], strides = [1]} : vector<16xi32> to vector<1xi32>
        %squeeze3A_861 = vector.extract %slice3A_860[0] : i32 from vector<1xi32>
        %mul3A_862 = arith.constant 16 : i32
        %mul3A_863 = arith.muli %scan3A_317, %mul3A_862 : i32
        %add3A_864 = arith.constant 12 : i32
        %add3A_865 = arith.addi %mul3A_863, %add3A_864 : i32
        %get3A_866 = arith.constant 1 : i32
        %get3A_867 = arith.constant 0 : i32
        %get3A_868 = arith.constant 0 : i32
        %get3A_869 = tpu.memref_slice %arg10[%get3A_866, %get3A_867, %get3A_868] : memref<2x128x128xf32, #tpu.memory_space<vmem>> -> memref<1x128x128xf32, #tpu.memory_space<vmem>>
        %get3A_870 = tpu.memref_squeeze %get3A_869 : memref<1x128x128xf32, #tpu.memory_space<vmem>> -> memref<128x128xf32, #tpu.memory_space<vmem>>
        %get3A_871 = arith.constant 0 : i32
        %get3A_872 = tpu.memref_slice %get3A_870[%add3A_865, %get3A_871] : memref<128x128xf32, #tpu.memory_space<vmem>> -> memref<1x128xf32, #tpu.memory_space<vmem>>
        %get3A_873 = tpu.memref_squeeze %get3A_872 : memref<1x128xf32, #tpu.memory_space<vmem>> -> memref<128xf32, #tpu.memory_space<vmem>>
        %get3A_874 = arith.index_cast %squeeze3A_861 : i32 to index
        %get3A_875 = tpu.vector_load %get3A_873[%get3A_874] {strides = array<i32>} : memref<128xf32, #tpu.memory_space<vmem>>, vector<16xf32>,
        %add3A_876 = arith.constant 16 : i32
        %add3A_877 = arith.addi %squeeze3A_861, %add3A_876 : i32
        %get3A_878 = arith.constant 1 : i32
        %get3A_879 = arith.constant 0 : i32
        %get3A_880 = arith.constant 0 : i32
        %get3A_881 = tpu.memref_slice %arg10[%get3A_878, %get3A_879, %get3A_880] : memref<2x128x128xf32, #tpu.memory_space<vmem>> -> memref<1x128x128xf32, #tpu.memory_space<vmem>>
        %get3A_882 = tpu.memref_squeeze %get3A_881 : memref<1x128x128xf32, #tpu.memory_space<vmem>> -> memref<128x128xf32, #tpu.memory_space<vmem>>
        %get3A_883 = arith.constant 0 : i32
        %get3A_884 = tpu.memref_slice %get3A_882[%add3A_865, %get3A_883] : memref<128x128xf32, #tpu.memory_space<vmem>> -> memref<1x128xf32, #tpu.memory_space<vmem>>
        %get3A_885 = tpu.memref_squeeze %get3A_884 : memref<1x128xf32, #tpu.memory_space<vmem>> -> memref<128xf32, #tpu.memory_space<vmem>>
        %get3A_886 = arith.index_cast %add3A_877 : i32 to index
        %get3A_887 = tpu.vector_load %get3A_885[%get3A_886] {strides = array<i32>} : memref<128xf32, #tpu.memory_space<vmem>>, vector<16xf32>,
        %broadcast_in_dim3A_888 = arith.constant 0 : i32
        %broadcast_in_dim3A_889 = vector.broadcast %broadcast_in_dim3A_888 : i32 to vector<16xi32>
        %add3A_890 = vector.broadcast %add3A_865 : i32 to vector<16xi32>
        %add3A_891 = arith.addi %broadcast_in_dim3A_889, %add3A_890 : vector<16xi32>
        %scatter3A_892 = arith.constant 1 : i32
        %scatter3A_893 = arith.constant 0 : i32
        %scatter3A_894 = arith.constant 0 : i32
        %scatter3A_895 = tpu.memref_slice %arg11[%scatter3A_892, %scatter3A_893, %scatter3A_894] : memref<2x32x128xf32, #tpu.memory_space<vmem>> -> memref<1x32x128xf32, #tpu.memory_space<vmem>>
        %scatter3A_896 = tpu.memref_squeeze %scatter3A_895 : memref<1x32x128xf32, #tpu.memory_space<vmem>> -> memref<32x128xf32, #tpu.memory_space<vmem>>
        tpu.vector_store_idx %scatter3A_896[%iota3A, %add3A_891], %get3A_875 : memref<32x128xf32, #tpu.memory_space<vmem>>[vector<16xi32>, vector<16xi32>], vector<16xf32>,
        %add3A_897 = arith.constant 16 : i32
        %add3A_898 = vector.broadcast %add3A_897 : i32 to vector<16xi32>
        %add3A_899 = arith.addi %iota3A, %add3A_898 : vector<16xi32>
        %scatter3A_900 = arith.constant 1 : i32
        %scatter3A_901 = arith.constant 0 : i32
        %scatter3A_902 = arith.constant 0 : i32
        %scatter3A_903 = tpu.memref_slice %arg11[%scatter3A_900, %scatter3A_901, %scatter3A_902] : memref<2x32x128xf32, #tpu.memory_space<vmem>> -> memref<1x32x128xf32, #tpu.memory_space<vmem>>
        %scatter3A_904 = tpu.memref_squeeze %scatter3A_903 : memref<1x32x128xf32, #tpu.memory_space<vmem>> -> memref<32x128xf32, #tpu.memory_space<vmem>>
        tpu.vector_store_idx %scatter3A_904[%add3A_899, %add3A_891], %get3A_887 : memref<32x128xf32, #tpu.memory_space<vmem>>[vector<16xi32>, vector<16xi32>], vector<16xf32>,
        %slice3A_905 = vector.extract_strided_slice %get3A_323 {offsets = [13], sizes = [1], strides = [1]} : vector<16xi32> to vector<1xi32>
        %squeeze3A_906 = vector.extract %slice3A_905[0] : i32 from vector<1xi32>
        %mul3A_907 = arith.constant 16 : i32
        %mul3A_908 = arith.muli %scan3A_317, %mul3A_907 : i32
        %add3A_909 = arith.constant 13 : i32
        %add3A_910 = arith.addi %mul3A_908, %add3A_909 : i32
        %get3A_911 = arith.constant 1 : i32
        %get3A_912 = arith.constant 0 : i32
        %get3A_913 = arith.constant 0 : i32
        %get3A_914 = tpu.memref_slice %arg10[%get3A_911, %get3A_912, %get3A_913] : memref<2x128x128xf32, #tpu.memory_space<vmem>> -> memref<1x128x128xf32, #tpu.memory_space<vmem>>
        %get3A_915 = tpu.memref_squeeze %get3A_914 : memref<1x128x128xf32, #tpu.memory_space<vmem>> -> memref<128x128xf32, #tpu.memory_space<vmem>>
        %get3A_916 = arith.constant 0 : i32
        %get3A_917 = tpu.memref_slice %get3A_915[%add3A_910, %get3A_916] : memref<128x128xf32, #tpu.memory_space<vmem>> -> memref<1x128xf32, #tpu.memory_space<vmem>>
        %get3A_918 = tpu.memref_squeeze %get3A_917 : memref<1x128xf32, #tpu.memory_space<vmem>> -> memref<128xf32, #tpu.memory_space<vmem>>
        %get3A_919 = arith.index_cast %squeeze3A_906 : i32 to index
        %get3A_920 = tpu.vector_load %get3A_918[%get3A_919] {strides = array<i32>} : memref<128xf32, #tpu.memory_space<vmem>>, vector<16xf32>,
        %add3A_921 = arith.constant 16 : i32
        %add3A_922 = arith.addi %squeeze3A_906, %add3A_921 : i32
        %get3A_923 = arith.constant 1 : i32
        %get3A_924 = arith.constant 0 : i32
        %get3A_925 = arith.constant 0 : i32
        %get3A_926 = tpu.memref_slice %arg10[%get3A_923, %get3A_924, %get3A_925] : memref<2x128x128xf32, #tpu.memory_space<vmem>> -> memref<1x128x128xf32, #tpu.memory_space<vmem>>
        %get3A_927 = tpu.memref_squeeze %get3A_926 : memref<1x128x128xf32, #tpu.memory_space<vmem>> -> memref<128x128xf32, #tpu.memory_space<vmem>>
        %get3A_928 = arith.constant 0 : i32
        %get3A_929 = tpu.memref_slice %get3A_927[%add3A_910, %get3A_928] : memref<128x128xf32, #tpu.memory_space<vmem>> -> memref<1x128xf32, #tpu.memory_space<vmem>>
        %get3A_930 = tpu.memref_squeeze %get3A_929 : memref<1x128xf32, #tpu.memory_space<vmem>> -> memref<128xf32, #tpu.memory_space<vmem>>
        %get3A_931 = arith.index_cast %add3A_922 : i32 to index
        %get3A_932 = tpu.vector_load %get3A_930[%get3A_931] {strides = array<i32>} : memref<128xf32, #tpu.memory_space<vmem>>, vector<16xf32>,
        %broadcast_in_dim3A_933 = arith.constant 0 : i32
        %broadcast_in_dim3A_934 = vector.broadcast %broadcast_in_dim3A_933 : i32 to vector<16xi32>
        %add3A_935 = vector.broadcast %add3A_910 : i32 to vector<16xi32>
        %add3A_936 = arith.addi %broadcast_in_dim3A_934, %add3A_935 : vector<16xi32>
        %scatter3A_937 = arith.constant 1 : i32
        %scatter3A_938 = arith.constant 0 : i32
        %scatter3A_939 = arith.constant 0 : i32
        %scatter3A_940 = tpu.memref_slice %arg11[%scatter3A_937, %scatter3A_938, %scatter3A_939] : memref<2x32x128xf32, #tpu.memory_space<vmem>> -> memref<1x32x128xf32, #tpu.memory_space<vmem>>
        %scatter3A_941 = tpu.memref_squeeze %scatter3A_940 : memref<1x32x128xf32, #tpu.memory_space<vmem>> -> memref<32x128xf32, #tpu.memory_space<vmem>>
        tpu.vector_store_idx %scatter3A_941[%iota3A, %add3A_936], %get3A_920 : memref<32x128xf32, #tpu.memory_space<vmem>>[vector<16xi32>, vector<16xi32>], vector<16xf32>,
        %add3A_942 = arith.constant 16 : i32
        %add3A_943 = vector.broadcast %add3A_942 : i32 to vector<16xi32>
        %add3A_944 = arith.addi %iota3A, %add3A_943 : vector<16xi32>
        %scatter3A_945 = arith.constant 1 : i32
        %scatter3A_946 = arith.constant 0 : i32
        %scatter3A_947 = arith.constant 0 : i32
        %scatter3A_948 = tpu.memref_slice %arg11[%scatter3A_945, %scatter3A_946, %scatter3A_947] : memref<2x32x128xf32, #tpu.memory_space<vmem>> -> memref<1x32x128xf32, #tpu.memory_space<vmem>>
        %scatter3A_949 = tpu.memref_squeeze %scatter3A_948 : memref<1x32x128xf32, #tpu.memory_space<vmem>> -> memref<32x128xf32, #tpu.memory_space<vmem>>
        tpu.vector_store_idx %scatter3A_949[%add3A_944, %add3A_936], %get3A_932 : memref<32x128xf32, #tpu.memory_space<vmem>>[vector<16xi32>, vector<16xi32>], vector<16xf32>,
        %slice3A_950 = vector.extract_strided_slice %get3A_323 {offsets = [14], sizes = [1], strides = [1]} : vector<16xi32> to vector<1xi32>
        %squeeze3A_951 = vector.extract %slice3A_950[0] : i32 from vector<1xi32>
        %mul3A_952 = arith.constant 16 : i32
        %mul3A_953 = arith.muli %scan3A_317, %mul3A_952 : i32
        %add3A_954 = arith.constant 14 : i32
        %add3A_955 = arith.addi %mul3A_953, %add3A_954 : i32
        %get3A_956 = arith.constant 1 : i32
        %get3A_957 = arith.constant 0 : i32
        %get3A_958 = arith.constant 0 : i32
        %get3A_959 = tpu.memref_slice %arg10[%get3A_956, %get3A_957, %get3A_958] : memref<2x128x128xf32, #tpu.memory_space<vmem>> -> memref<1x128x128xf32, #tpu.memory_space<vmem>>
        %get3A_960 = tpu.memref_squeeze %get3A_959 : memref<1x128x128xf32, #tpu.memory_space<vmem>> -> memref<128x128xf32, #tpu.memory_space<vmem>>
        %get3A_961 = arith.constant 0 : i32
        %get3A_962 = tpu.memref_slice %get3A_960[%add3A_955, %get3A_961] : memref<128x128xf32, #tpu.memory_space<vmem>> -> memref<1x128xf32, #tpu.memory_space<vmem>>
        %get3A_963 = tpu.memref_squeeze %get3A_962 : memref<1x128xf32, #tpu.memory_space<vmem>> -> memref<128xf32, #tpu.memory_space<vmem>>
        %get3A_964 = arith.index_cast %squeeze3A_951 : i32 to index
        %get3A_965 = tpu.vector_load %get3A_963[%get3A_964] {strides = array<i32>} : memref<128xf32, #tpu.memory_space<vmem>>, vector<16xf32>,
        %add3A_966 = arith.constant 16 : i32
        %add3A_967 = arith.addi %squeeze3A_951, %add3A_966 : i32
        %get3A_968 = arith.constant 1 : i32
        %get3A_969 = arith.constant 0 : i32
        %get3A_970 = arith.constant 0 : i32
        %get3A_971 = tpu.memref_slice %arg10[%get3A_968, %get3A_969, %get3A_970] : memref<2x128x128xf32, #tpu.memory_space<vmem>> -> memref<1x128x128xf32, #tpu.memory_space<vmem>>
        %get3A_972 = tpu.memref_squeeze %get3A_971 : memref<1x128x128xf32, #tpu.memory_space<vmem>> -> memref<128x128xf32, #tpu.memory_space<vmem>>
        %get3A_973 = arith.constant 0 : i32
        %get3A_974 = tpu.memref_slice %get3A_972[%add3A_955, %get3A_973] : memref<128x128xf32, #tpu.memory_space<vmem>> -> memref<1x128xf32, #tpu.memory_space<vmem>>
        %get3A_975 = tpu.memref_squeeze %get3A_974 : memref<1x128xf32, #tpu.memory_space<vmem>> -> memref<128xf32, #tpu.memory_space<vmem>>
        %get3A_976 = arith.index_cast %add3A_967 : i32 to index
        %get3A_977 = tpu.vector_load %get3A_975[%get3A_976] {strides = array<i32>} : memref<128xf32, #tpu.memory_space<vmem>>, vector<16xf32>,
        %broadcast_in_dim3A_978 = arith.constant 0 : i32
        %broadcast_in_dim3A_979 = vector.broadcast %broadcast_in_dim3A_978 : i32 to vector<16xi32>
        %add3A_980 = vector.broadcast %add3A_955 : i32 to vector<16xi32>
        %add3A_981 = arith.addi %broadcast_in_dim3A_979, %add3A_980 : vector<16xi32>
        %scatter3A_982 = arith.constant 1 : i32
        %scatter3A_983 = arith.constant 0 : i32
        %scatter3A_984 = arith.constant 0 : i32
        %scatter3A_985 = tpu.memref_slice %arg11[%scatter3A_982, %scatter3A_983, %scatter3A_984] : memref<2x32x128xf32, #tpu.memory_space<vmem>> -> memref<1x32x128xf32, #tpu.memory_space<vmem>>
        %scatter3A_986 = tpu.memref_squeeze %scatter3A_985 : memref<1x32x128xf32, #tpu.memory_space<vmem>> -> memref<32x128xf32, #tpu.memory_space<vmem>>
        tpu.vector_store_idx %scatter3A_986[%iota3A, %add3A_981], %get3A_965 : memref<32x128xf32, #tpu.memory_space<vmem>>[vector<16xi32>, vector<16xi32>], vector<16xf32>,
        %add3A_987 = arith.constant 16 : i32
        %add3A_988 = vector.broadcast %add3A_987 : i32 to vector<16xi32>
        %add3A_989 = arith.addi %iota3A, %add3A_988 : vector<16xi32>
        %scatter3A_990 = arith.constant 1 : i32
        %scatter3A_991 = arith.constant 0 : i32
        %scatter3A_992 = arith.constant 0 : i32
        %scatter3A_993 = tpu.memref_slice %arg11[%scatter3A_990, %scatter3A_991, %scatter3A_992] : memref<2x32x128xf32, #tpu.memory_space<vmem>> -> memref<1x32x128xf32, #tpu.memory_space<vmem>>
        %scatter3A_994 = tpu.memref_squeeze %scatter3A_993 : memref<1x32x128xf32, #tpu.memory_space<vmem>> -> memref<32x128xf32, #tpu.memory_space<vmem>>
        tpu.vector_store_idx %scatter3A_994[%add3A_989, %add3A_981], %get3A_977 : memref<32x128xf32, #tpu.memory_space<vmem>>[vector<16xi32>, vector<16xi32>], vector<16xf32>,
        %slice3A_995 = vector.extract_strided_slice %get3A_323 {offsets = [15], sizes = [1], strides = [1]} : vector<16xi32> to vector<1xi32>
        %squeeze3A_996 = vector.extract %slice3A_995[0] : i32 from vector<1xi32>
        %mul3A_997 = arith.constant 16 : i32
        %mul3A_998 = arith.muli %scan3A_317, %mul3A_997 : i32
        %add3A_999 = arith.constant 15 : i32
        %add3A_1000 = arith.addi %mul3A_998, %add3A_999 : i32
        %get3A_1001 = arith.constant 1 : i32
        %get3A_1002 = arith.constant 0 : i32
        %get3A_1003 = arith.constant 0 : i32
        %get3A_1004 = tpu.memref_slice %arg10[%get3A_1001, %get3A_1002, %get3A_1003] : memref<2x128x128xf32, #tpu.memory_space<vmem>> -> memref<1x128x128xf32, #tpu.memory_space<vmem>>
        %get3A_1005 = tpu.memref_squeeze %get3A_1004 : memref<1x128x128xf32, #tpu.memory_space<vmem>> -> memref<128x128xf32, #tpu.memory_space<vmem>>
        %get3A_1006 = arith.constant 0 : i32
        %get3A_1007 = tpu.memref_slice %get3A_1005[%add3A_1000, %get3A_1006] : memref<128x128xf32, #tpu.memory_space<vmem>> -> memref<1x128xf32, #tpu.memory_space<vmem>>
        %get3A_1008 = tpu.memref_squeeze %get3A_1007 : memref<1x128xf32, #tpu.memory_space<vmem>> -> memref<128xf32, #tpu.memory_space<vmem>>
        %get3A_1009 = arith.index_cast %squeeze3A_996 : i32 to index
        %get3A_1010 = tpu.vector_load %get3A_1008[%get3A_1009] {strides = array<i32>} : memref<128xf32, #tpu.memory_space<vmem>>, vector<16xf32>,
        %add3A_1011 = arith.constant 16 : i32
        %add3A_1012 = arith.addi %squeeze3A_996, %add3A_1011 : i32
        %get3A_1013 = arith.constant 1 : i32
        %get3A_1014 = arith.constant 0 : i32
        %get3A_1015 = arith.constant 0 : i32
        %get3A_1016 = tpu.memref_slice %arg10[%get3A_1013, %get3A_1014, %get3A_1015] : memref<2x128x128xf32, #tpu.memory_space<vmem>> -> memref<1x128x128xf32, #tpu.memory_space<vmem>>
        %get3A_1017 = tpu.memref_squeeze %get3A_1016 : memref<1x128x128xf32, #tpu.memory_space<vmem>> -> memref<128x128xf32, #tpu.memory_space<vmem>>
        %get3A_1018 = arith.constant 0 : i32
        %get3A_1019 = tpu.memref_slice %get3A_1017[%add3A_1000, %get3A_1018] : memref<128x128xf32, #tpu.memory_space<vmem>> -> memref<1x128xf32, #tpu.memory_space<vmem>>
        %get3A_1020 = tpu.memref_squeeze %get3A_1019 : memref<1x128xf32, #tpu.memory_space<vmem>> -> memref<128xf32, #tpu.memory_space<vmem>>
        %get3A_1021 = arith.index_cast %add3A_1012 : i32 to index
        %get3A_1022 = tpu.vector_load %get3A_1020[%get3A_1021] {strides = array<i32>} : memref<128xf32, #tpu.memory_space<vmem>>, vector<16xf32>,
        %broadcast_in_dim3A_1023 = arith.constant 0 : i32
        %broadcast_in_dim3A_1024 = vector.broadcast %broadcast_in_dim3A_1023 : i32 to vector<16xi32>
        %add3A_1025 = vector.broadcast %add3A_1000 : i32 to vector<16xi32>
        %add3A_1026 = arith.addi %broadcast_in_dim3A_1024, %add3A_1025 : vector<16xi32>
        %scatter3A_1027 = arith.constant 1 : i32
        %scatter3A_1028 = arith.constant 0 : i32
        %scatter3A_1029 = arith.constant 0 : i32
        %scatter3A_1030 = tpu.memref_slice %arg11[%scatter3A_1027, %scatter3A_1028, %scatter3A_1029] : memref<2x32x128xf32, #tpu.memory_space<vmem>> -> memref<1x32x128xf32, #tpu.memory_space<vmem>>
        %scatter3A_1031 = tpu.memref_squeeze %scatter3A_1030 : memref<1x32x128xf32, #tpu.memory_space<vmem>> -> memref<32x128xf32, #tpu.memory_space<vmem>>
        tpu.vector_store_idx %scatter3A_1031[%iota3A, %add3A_1026], %get3A_1010 : memref<32x128xf32, #tpu.memory_space<vmem>>[vector<16xi32>, vector<16xi32>], vector<16xf32>,
        %add3A_1032 = arith.constant 16 : i32
        %add3A_1033 = vector.broadcast %add3A_1032 : i32 to vector<16xi32>
        %add3A_1034 = arith.addi %iota3A, %add3A_1033 : vector<16xi32>
        %scatter3A_1035 = arith.constant 1 : i32
        %scatter3A_1036 = arith.constant 0 : i32
        %scatter3A_1037 = arith.constant 0 : i32
        %scatter3A_1038 = tpu.memref_slice %arg11[%scatter3A_1035, %scatter3A_1036, %scatter3A_1037] : memref<2x32x128xf32, #tpu.memory_space<vmem>> -> memref<1x32x128xf32, #tpu.memory_space<vmem>>
        %scatter3A_1039 = tpu.memref_squeeze %scatter3A_1038 : memref<1x32x128xf32, #tpu.memory_space<vmem>> -> memref<32x128xf32, #tpu.memory_space<vmem>>
        tpu.vector_store_idx %scatter3A_1039[%add3A_1034, %add3A_1026], %get3A_1022 : memref<32x128xf32, #tpu.memory_space<vmem>>[vector<16xi32>, vector<16xi32>], vector<16xf32>,
      }
      %scan3A_287 = arith.constant 8 : i32
      %mul3A_288 = arith.constant 128 : i32
      %mul3A_289 = arith.muli %add3A_85, %mul3A_288 : i32
      %add3A_290 = arith.addi %mul3A_2, %mul3A_289 : i32
      %and3A_291 = arith.constant 16383 : i32
      %and3A_292 = arith.andi %add3A_290, %and3A_291 : i32
      %multiple_of3A_293 = tpu.assume_multiple %and3A_292, 128 : i32
      %shift_right_arithmetic3A_294 = arith.constant 14 : i32
      %shift_right_arithmetic3A_295 = arith.shrsi %add3A_290, %shift_right_arithmetic3A_294 : i32
      %dma_start3A_296 = arith.constant 1 : i32
      %dma_start3A_297 = arith.constant 0 : i32
      %dma_start3A_298 = arith.constant 0 : i32
      %dma_start3A_299 = tpu.memref_slice %arg11[%dma_start3A_296, %dma_start3A_297, %dma_start3A_298] : memref<2x32x128xf32, #tpu.memory_space<vmem>> -> memref<1x32x128xf32, #tpu.memory_space<vmem>>
      %dma_start3A_300 = tpu.memref_squeeze %dma_start3A_299 : memref<1x32x128xf32, #tpu.memory_space<vmem>> -> memref<32x128xf32, #tpu.memory_space<vmem>>
      %dma_start3A_301 = arith.constant 0 : i32
      %dma_start3A_302 = arith.constant 0 : i32
      %dma_start3A_303 = tpu.memref_slice %arg5[%shift_right_arithmetic3A_295, %dma_start3A_301, %dma_start3A_302] : memref<26x32x16384xf32, #tpu.memory_space<hbm>> -> memref<1x32x16384xf32, #tpu.memory_space<hbm>>
      %dma_start3A_304 = tpu.memref_squeeze %dma_start3A_303 : memref<1x32x16384xf32, #tpu.memory_space<hbm>> -> memref<32x16384xf32, #tpu.memory_space<hbm>>
      %dma_start3A_305 = arith.constant 0 : i32
      %dma_start3A_306 = tpu.memref_slice %dma_start3A_304[%dma_start3A_305, %multiple_of3A_293] : memref<32x16384xf32, #tpu.memory_space<hbm>> -> memref<32x128xf32, #tpu.memory_space<hbm>>
      %dma_start3A_307 = arith.constant 0 : i32
      %dma_start3A_308 = arith.constant 0 : i32
      %dma_start3A_309 = tpu.memref_slice %arg5[%shift_right_arithmetic3A_295, %dma_start3A_307, %dma_start3A_308] : memref<26x32x16384xf32, #tpu.memory_space<hbm>> -> memref<1x32x16384xf32, #tpu.memory_space<hbm>>
      %dma_start3A_310 = tpu.memref_squeeze %dma_start3A_309 : memref<1x32x16384xf32, #tpu.memory_space<hbm>> -> memref<32x16384xf32, #tpu.memory_space<hbm>>
      %dma_start3A_311 = arith.constant 0 : i32
      %dma_start3A_312 = tpu.memref_slice %dma_start3A_310[%dma_start3A_311, %multiple_of3A_293] : memref<32x16384xf32, #tpu.memory_space<hbm>> -> memref<32x128xf32, #tpu.memory_space<hbm>>
      %dma_start3A_313 = arith.constant 0 : i32
      %dma_start3A_314 = arith.constant 0 : i32
      %dma_start3A_315 = tpu.memref_slice %arg11[%dma_start3A_296, %dma_start3A_313, %dma_start3A_314] : memref<2x32x128xf32, #tpu.memory_space<vmem>> -> memref<1x32x128xf32, #tpu.memory_space<vmem>>
      %dma_start3A_316 = tpu.memref_squeeze %dma_start3A_315 : memref<1x32x128xf32, #tpu.memory_space<vmem>> -> memref<32x128xf32, #tpu.memory_space<vmem>>
      tpu.enqueue_dma source(%dma_start3A_316 : memref<32x128xf32, #tpu.memory_space<vmem>>) target(%dma_start3A_312 : memref<32x128xf32, #tpu.memory_space<hbm>>) target_semaphore(%arg16 : memref<!tpu.dma_semaphore, #tpu.memory_space<semaphore_mem>>)
    }
    %scan3A_25 = arith.constant 52 : i32
    %add3A_26 = arith.constant 13056 : i32
    %add3A_27 = arith.addi %mul3A_2, %add3A_26 : i32
    %and3A_28 = arith.constant 16383 : i32
    %and3A_29 = arith.andi %add3A_27, %and3A_28 : i32
    %multiple_of3A_30 = tpu.assume_multiple %and3A_29, 128 : i32
    %shift_right_arithmetic3A_31 = arith.constant 14 : i32
    %shift_right_arithmetic3A_32 = arith.shrsi %add3A_27, %shift_right_arithmetic3A_31 : i32
    %dma_wait3A = arith.constant 0 : i32
    %dma_wait3A_33 = arith.constant 0 : i32
    %dma_wait3A_34 = arith.constant 0 : i32
    %dma_wait3A_35 = tpu.memref_slice %arg11[%dma_wait3A, %dma_wait3A_33, %dma_wait3A_34] : memref<2x32x128xf32, #tpu.memory_space<vmem>> -> memref<1x32x128xf32, #tpu.memory_space<vmem>>
    %dma_wait3A_36 = tpu.memref_squeeze %dma_wait3A_35 : memref<1x32x128xf32, #tpu.memory_space<vmem>> -> memref<32x128xf32, #tpu.memory_space<vmem>>
    %dma_wait3A_37 = arith.constant 0 : i32
    %dma_wait3A_38 = arith.constant 0 : i32
    %dma_wait3A_39 = tpu.memref_slice %arg5[%shift_right_arithmetic3A_32, %dma_wait3A_37, %dma_wait3A_38] : memref<26x32x16384xf32, #tpu.memory_space<hbm>> -> memref<1x32x16384xf32, #tpu.memory_space<hbm>>
    %dma_wait3A_40 = tpu.memref_squeeze %dma_wait3A_39 : memref<1x32x16384xf32, #tpu.memory_space<hbm>> -> memref<32x16384xf32, #tpu.memory_space<hbm>>
    %dma_wait3A_41 = arith.constant 0 : i32
    %dma_wait3A_42 = tpu.memref_slice %dma_wait3A_40[%dma_wait3A_41, %multiple_of3A_30] : memref<32x16384xf32, #tpu.memory_space<hbm>> -> memref<32x128xf32, #tpu.memory_space<hbm>>
    %dma_wait3A_43 = arith.constant 0 : i32
    %dma_wait3A_44 = arith.constant 0 : i32
    %dma_wait3A_45 = tpu.memref_slice %arg5[%shift_right_arithmetic3A_32, %dma_wait3A_43, %dma_wait3A_44] : memref<26x32x16384xf32, #tpu.memory_space<hbm>> -> memref<1x32x16384xf32, #tpu.memory_space<hbm>>
    %dma_wait3A_46 = tpu.memref_squeeze %dma_wait3A_45 : memref<1x32x16384xf32, #tpu.memory_space<hbm>> -> memref<32x16384xf32, #tpu.memory_space<hbm>>
    %dma_wait3A_47 = arith.constant 0 : i32
    %dma_wait3A_48 = tpu.memref_slice %dma_wait3A_46[%dma_wait3A_47, %multiple_of3A_30] : memref<32x16384xf32, #tpu.memory_space<hbm>> -> memref<32x128xf32, #tpu.memory_space<hbm>>
    %dma_wait3A_49 = arith.constant 0 : i32
    %dma_wait3A_50 = arith.constant 0 : i32
    %dma_wait3A_51 = tpu.memref_slice %arg11[%dma_wait3A, %dma_wait3A_49, %dma_wait3A_50] : memref<2x32x128xf32, #tpu.memory_space<vmem>> -> memref<1x32x128xf32, #tpu.memory_space<vmem>>
    %dma_wait3A_52 = tpu.memref_squeeze %dma_wait3A_51 : memref<1x32x128xf32, #tpu.memory_space<vmem>> -> memref<32x128xf32, #tpu.memory_space<vmem>>
    tpu.wait_dma2 semaphore(%arg15 : memref<!tpu.dma_semaphore, #tpu.memory_space<semaphore_mem>>) src(%dma_wait3A_52 : memref<32x128xf32, #tpu.memory_space<vmem>>) dst(%dma_wait3A_48 : memref<32x128xf32, #tpu.memory_space<hbm>>)
    %add3A_53 = arith.constant 13184 : i32
    %add3A_54 = arith.addi %mul3A_2, %add3A_53 : i32
    %and3A_55 = arith.constant 16383 : i32
    %and3A_56 = arith.andi %add3A_54, %and3A_55 : i32
    %multiple_of3A_57 = tpu.assume_multiple %and3A_56, 128 : i32
    %shift_right_arithmetic3A_58 = arith.constant 14 : i32
    %shift_right_arithmetic3A_59 = arith.shrsi %add3A_54, %shift_right_arithmetic3A_58 : i32
    %dma_wait3A_60 = arith.constant 1 : i32
    %dma_wait3A_61 = arith.constant 0 : i32
    %dma_wait3A_62 = arith.constant 0 : i32
    %dma_wait3A_63 = tpu.memref_slice %arg11[%dma_wait3A_60, %dma_wait3A_61, %dma_wait3A_62] : memref<2x32x128xf32, #tpu.memory_space<vmem>> -> memref<1x32x128xf32, #tpu.memory_space<vmem>>
    %dma_wait3A_64 = tpu.memref_squeeze %dma_wait3A_63 : memref<1x32x128xf32, #tpu.memory_space<vmem>> -> memref<32x128xf32, #tpu.memory_space<vmem>>
    %dma_wait3A_65 = arith.constant 0 : i32
    %dma_wait3A_66 = arith.constant 0 : i32
    %dma_wait3A_67 = tpu.memref_slice %arg5[%shift_right_arithmetic3A_59, %dma_wait3A_65, %dma_wait3A_66] : memref<26x32x16384xf32, #tpu.memory_space<hbm>> -> memref<1x32x16384xf32, #tpu.memory_space<hbm>>
    %dma_wait3A_68 = tpu.memref_squeeze %dma_wait3A_67 : memref<1x32x16384xf32, #tpu.memory_space<hbm>> -> memref<32x16384xf32, #tpu.memory_space<hbm>>
    %dma_wait3A_69 = arith.constant 0 : i32
    %dma_wait3A_70 = tpu.memref_slice %dma_wait3A_68[%dma_wait3A_69, %multiple_of3A_57] : memref<32x16384xf32, #tpu.memory_space<hbm>> -> memref<32x128xf32, #tpu.memory_space<hbm>>
    %dma_wait3A_71 = arith.constant 0 : i32
    %dma_wait3A_72 = arith.constant 0 : i32
    %dma_wait3A_73 = tpu.memref_slice %arg5[%shift_right_arithmetic3A_59, %dma_wait3A_71, %dma_wait3A_72] : memref<26x32x16384xf32, #tpu.memory_space<hbm>> -> memref<1x32x16384xf32, #tpu.memory_space<hbm>>
    %dma_wait3A_74 = tpu.memref_squeeze %dma_wait3A_73 : memref<1x32x16384xf32, #tpu.memory_space<hbm>> -> memref<32x16384xf32, #tpu.memory_space<hbm>>
    %dma_wait3A_75 = arith.constant 0 : i32
    %dma_wait3A_76 = tpu.memref_slice %dma_wait3A_74[%dma_wait3A_75, %multiple_of3A_57] : memref<32x16384xf32, #tpu.memory_space<hbm>> -> memref<32x128xf32, #tpu.memory_space<hbm>>
    %dma_wait3A_77 = arith.constant 0 : i32
    %dma_wait3A_78 = arith.constant 0 : i32
    %dma_wait3A_79 = tpu.memref_slice %arg11[%dma_wait3A_60, %dma_wait3A_77, %dma_wait3A_78] : memref<2x32x128xf32, #tpu.memory_space<vmem>> -> memref<1x32x128xf32, #tpu.memory_space<vmem>>
    %dma_wait3A_80 = tpu.memref_squeeze %dma_wait3A_79 : memref<1x32x128xf32, #tpu.memory_space<vmem>> -> memref<32x128xf32, #tpu.memory_space<vmem>>
    tpu.wait_dma2 semaphore(%arg16 : memref<!tpu.dma_semaphore, #tpu.memory_space<semaphore_mem>>) src(%dma_wait3A_80 : memref<32x128xf32, #tpu.memory_space<vmem>>) dst(%dma_wait3A_76 : memref<32x128xf32, #tpu.memory_space<hbm>>)
    return
  }
}

module attributes {stable_mosaic.version = 14 : i64} {
  func.func @_transpose_body(%arg0: i32, %arg1: memref<32x8192xf32, #tpu.memory_space<vmem>>, %arg2: memref<32x512xf32, #tpu.memory_space<vmem>>, %arg3: memref<2048x128xf32, #tpu.memory_space<vmem>>) attributes {dimension_semantics = [#tpu.dimension_semantics<arbitrary>], iteration_bounds = array<i64: 318>, scalar_prefetch = 0 : i64, scratch_operands = 0 : i64, tpu.core_type = #tpu.core_type<tc>, window_params = [{transform_indices = @transform_0, window_bounds = array<i64: 32, 8192>}, {pipeline_mode = #tpu.pipeline_mode<synchronous>, transform_indices = @transform_1, window_bounds = array<i64: 32, 512>}, {transform_indices = @transform_2, window_bounds = array<i64: 2048, 128>}]} {
    %get3A = arith.constant 0 : index
    %get3A_0 = arith.constant 0 : index
    %get3A_1 = vector.load %arg1[%get3A, %get3A_0] : memref<32x8192xf32, #tpu.memory_space<vmem>>, vector<32x8192xf32>
    %get3A_2 = arith.constant 0 : index
    %get3A_3 = arith.constant 0 : index
    %get3A_4 = vector.load %arg2[%get3A_2, %get3A_3] : memref<32x512xf32, #tpu.memory_space<vmem>>, vector<32x512xf32>
    %broadcast_in_dim3A = arith.constant 0.000000e+00 : f32
    %broadcast_in_dim3A_5 = vector.broadcast %broadcast_in_dim3A : f32 to vector<2048x128xf32>
    %slice3A = vector.extract_strided_slice %get3A_1 {offsets = [0, 0], sizes = [32, 2048], strides = [1, 1]} : vector<32x8192xf32> to vector<32x2048xf32>
    %slice3A_6 = vector.extract_strided_slice %get3A_4 {offsets = [0, 0], sizes = [32, 128], strides = [1, 1]} : vector<32x512xf32> to vector<32x128xf32>
    %dot_general3A = arith.constant dense<0.000000e+00> : vector<2048x128xf32>
    %dot_general3A_7 = tpu.matmul %slice3A, %slice3A_6, %dot_general3A {dimension_numbers = #tpu.dot_dimension_numbers<[0], [0], [1], [1], [0, 1, 1, 1], [], []>, precision = #tpu.contract_precision<fp32>, transpose_lhs_hint = false} : vector<32x2048xf32>, vector<32x128xf32>, vector<2048x128xf32> -> vector<2048x128xf32>
    %add3A = arith.addf %broadcast_in_dim3A_5, %dot_general3A_7 : vector<2048x128xf32>
    %slice3A_8 = vector.extract_strided_slice %get3A_1 {offsets = [0, 2048], sizes = [32, 2048], strides = [1, 1]} : vector<32x8192xf32> to vector<32x2048xf32>
    %slice3A_9 = vector.extract_strided_slice %get3A_4 {offsets = [0, 128], sizes = [32, 128], strides = [1, 1]} : vector<32x512xf32> to vector<32x128xf32>
    %dot_general3A_10 = arith.constant dense<0.000000e+00> : vector<2048x128xf32>
    %dot_general3A_11 = tpu.matmul %slice3A_8, %slice3A_9, %dot_general3A_10 {dimension_numbers = #tpu.dot_dimension_numbers<[0], [0], [1], [1], [0, 1, 1, 1], [], []>, precision = #tpu.contract_precision<fp32>, transpose_lhs_hint = false} : vector<32x2048xf32>, vector<32x128xf32>, vector<2048x128xf32> -> vector<2048x128xf32>
    %add3A_12 = arith.addf %add3A, %dot_general3A_11 : vector<2048x128xf32>
    %slice3A_13 = vector.extract_strided_slice %get3A_1 {offsets = [0, 4096], sizes = [32, 2048], strides = [1, 1]} : vector<32x8192xf32> to vector<32x2048xf32>
    %slice3A_14 = vector.extract_strided_slice %get3A_4 {offsets = [0, 256], sizes = [32, 128], strides = [1, 1]} : vector<32x512xf32> to vector<32x128xf32>
    %dot_general3A_15 = arith.constant dense<0.000000e+00> : vector<2048x128xf32>
    %dot_general3A_16 = tpu.matmul %slice3A_13, %slice3A_14, %dot_general3A_15 {dimension_numbers = #tpu.dot_dimension_numbers<[0], [0], [1], [1], [0, 1, 1, 1], [], []>, precision = #tpu.contract_precision<fp32>, transpose_lhs_hint = false} : vector<32x2048xf32>, vector<32x128xf32>, vector<2048x128xf32> -> vector<2048x128xf32>
    %add3A_17 = arith.addf %add3A_12, %dot_general3A_16 : vector<2048x128xf32>
    %slice3A_18 = vector.extract_strided_slice %get3A_1 {offsets = [0, 6144], sizes = [32, 2048], strides = [1, 1]} : vector<32x8192xf32> to vector<32x2048xf32>
    %slice3A_19 = vector.extract_strided_slice %get3A_4 {offsets = [0, 384], sizes = [32, 128], strides = [1, 1]} : vector<32x512xf32> to vector<32x128xf32>
    %dot_general3A_20 = arith.constant dense<0.000000e+00> : vector<2048x128xf32>
    %dot_general3A_21 = tpu.matmul %slice3A_18, %slice3A_19, %dot_general3A_20 {dimension_numbers = #tpu.dot_dimension_numbers<[0], [0], [1], [1], [0, 1, 1, 1], [], []>, precision = #tpu.contract_precision<fp32>, transpose_lhs_hint = false} : vector<32x2048xf32>, vector<32x128xf32>, vector<2048x128xf32> -> vector<2048x128xf32>
    %add3A_22 = arith.addf %add3A_17, %dot_general3A_21 : vector<2048x128xf32>
    %swap3A = arith.constant 0 : index
    %swap3A_23 = arith.constant 0 : index
    %swap3A_24 = vector.load %arg3[%swap3A, %swap3A_23] : memref<2048x128xf32, #tpu.memory_space<vmem>>, vector<2048x128xf32>
    tpu.vector_store %arg3[%swap3A, %swap3A_23], %add3A_22 {strides = array<i32>} : memref<2048x128xf32, #tpu.memory_space<vmem>>, vector<2048x128xf32>,
    return
  }
  func.func @transform_0(%arg0: i32) -> (i32, i32) {
    %c0_i32 = arith.constant 0 : i32
    %c0_i32_0 = arith.constant 0 : i32
    return %c0_i32, %arg0 : i32, i32
  }
  func.func @transform_1(%arg0: i32) -> (i32, i32) {
    %c0_i32 = arith.constant 0 : i32
    %c0_i32_0 = arith.constant 0 : i32
    %c0_i32_1 = arith.constant 0 : i32
    return %c0_i32, %c0_i32_0 : i32, i32
  }
  func.func @transform_2(%arg0: i32) -> (i32, i32) {
    %c0_i32 = arith.constant 0 : i32
    %c0_i32_0 = arith.constant 0 : i32
    return %arg0, %c0_i32 : i32, i32
  }
}

</mosaic_0001>

<sc_bundles>
// kernel: kernel.4.cloned.1.call-start
scs
__scs_entry_jumppad:
0x0: {  	(pc) =	sbr.rel $0x88, $3  }
0x1: {  	(tag) =	ssettag $0x0;
	lr =	simm.s32 $0x1  }
0x2: {  	[smem:$0x3F9E] =	sst lr;
	_ =	strace $0xD0000000  }
0x3: {  	_ = 	snop  }
0x4: {  	_ = 	snop  }
0x5: {  	_ = 	snop  }
0x6: {  	_ = 	snop  }
0x7: {  	_ = 	snop  }
__scs_overlays_trampoline_lowered:
0x8: {  	[smem:$0x3FAD] =	sst s0  }
0x9: {  	[smem:$0x3FAE] =	sst s1  }
0xa: {  	[smem:$0x3FAF] =	sst s2  }
0xb: {  	[smem:$0x3FB0] =	sst s3  }
0xc: {  	[smem:$0x3FB1] =	sst s4  }
0xd: {  	[smem:$0x3FB2] =	sst s5  }
0xe: {  	[smem:$0x3FB3] =	sst s6  }
0xf: {  	[smem:$0x3FB4] =	sst s7  }
0x10: {  	[smem:$0x3FB5] =	sst s8  }
0x11: {  	[smem:$0x3FB6] =	sst s9;
	s0 =	simm.s32 @!p0 $0x0  }
0x12: {  	s1 =	sld [smem:$0x3F9C];
	s0 =	simm.s32 @p0 $0x1  }
0x13: {  	[smem:$0x3FB7] =	sst s0;
	s0 =	simm.s32 @!p1 $0x0  }
0x14: {  	s2 =	sld [smem:$0x3F9B];
	s0 =	simm.s32 @p1 $0x1  }
0x15: {  	[smem:$0x3FB8] =	sst s0;
	s0 =	simm.s32 @!p2 $0x0  }
0x16: {  	s3 =	sld [smem:$0x3FDB];
	s0 =	simm.s32 @p2 $0x1  }
0x17: {  	s4 =	simm.s32 $0x1BF5;
	[smem:$0x3FBA] =	sst s0  }
0x18: {  	s0 =	sld [smem:$0x3F9D];
	_ =	swait.ge [sflag:s4], $0x0  }
0x19: {  	s7 =	sld [smem:$0x3F9E]  }
0x1a: {  	s8 =	sadd.s32 $0xFFFFE003, lr  }
0x1b: {  	s9 =	sadd.s32 $0xFFFFFEF7, lr;
	s5 =	simm.s32 $0xFFFFFFFF;
	p2 =	slt.u32 s8, $0xFFFFF086  }
0x1c: {  	p1 =	slt.u32 s9, $0xF7A;
	s5 =	simm.s32 @!p2 $0x0  }
0x1d: {  	s5 =	simm.s32 @p1 $0x1;
	p0 =	seq.s32 s7, s2  }
0x1e: {  	s7 =	smul.u32 @!p0 $0xF7A, s2;
	p2 =	seq.s32 @!p0 s5, $0x0  }
0x1f: {  	s9 =	smul.u32 $0xF7A, s1;
	s8 =	simm.s32 @!p0 $0x1BF5;
	p2 =	por !p2, p0  }
0x20: {  	[sflag:s8] =	ssyncset.s32 @!p0 $0xFFFFF086;
	s6 =	sadd.s32 @!p0 s3, s7;
	s7 =	simm.s32 @!p0 $0x108  }
0x21: {  	s3 =	sadd.s32 s3, s9;
	s6 =	sadd.s32 @!p0 $0x88, s6;
	s7 =	simm.s32 @p2 $0x1082  }
0x22: {  	[simem:s7], [sflag:s8] =	dma.local @!p0 [hbm:s6], $0xF7A  }
0x23: {  	s9 =	sor.u32 $0xD0000000, s2;
	s6 =	simm.s32 $0x108;
	_ =	swait.ge @!p0 [sflag:s8], $0x0  }
0x24: {  	s3 =	sadd.s32 $0x88, s3;
	s6 =	simm.s32 @!p1 $0x1082;
	[sflag:s4] =	ssyncset.s32 $0xFFFFF086  }
0x25: {  	[simem:s6], [sflag:s4] =	dma.local [hbm:s3], $0xF7A  }
0x26: {  	[smem:$0x3F9E] =	sst s1;
	(tag) =	ssettag s2;
	_ =	strace s9  }
0x27: {  	s1 =	sld [smem:$0x3FAE]  }
0x28: {  	s2 =	sld [smem:$0x3FAF]  }
0x29: {  	s4 =	sld [smem:$0x3FB1]  }
0x2a: {  	p0 =	seq.s32 s5, $0x0;
	s5 =	sld [smem:$0x3FB2]  }
0x2b: {  	s6 =	sld [smem:$0x3FB3]  }
0x2c: {  	s7 =	sld [smem:$0x3FB4]  }
0x2d: {  	s3 =	simm.s32 $0x108;
	s8 =	sld [smem:$0x3FB5]  }
0x2e: {  	s3 =	simm.s32 @!p0 $0x1082;
	s9 =	sld [smem:$0x3FB6]  }
0x2f: {  	lr =	sadd.s32 s0, s3;
	s0 =	sld [smem:$0x3FAD]  }
0x30: {  	s3 =	sld [smem:$0x3FB0]  }
0x31: {  	[smem:$0x3FB9] =	sst s10  }
0x32: {  	s10 =	sld [smem:$0x3FB7];
	_ =	sdelay $0x3  }
0x33: {  	p0 =	seq.s32 s10, $0x1;
	s10 =	sld [smem:$0x3FB9];
	_ =	sdelay $0x3  }
0x34: {  	[smem:$0x3FB9] =	sst s10  }
0x35: {  	s10 =	sld [smem:$0x3FB8];
	_ =	sdelay $0x3  }
0x36: {  	p1 =	seq.s32 s10, $0x1;
	s10 =	sld [smem:$0x3FB9];
	_ =	sdelay $0x3  }
0x37: {  	[smem:$0x3FB9] =	sst s10  }
0x38: {  	s10 =	sld [smem:$0x3FBA]  }
0x39: {  	_ = 	snop;
	(pc) =	sbr.ind lr, $3  }
0x3a: {  	_ = 	snop  }
0x3b: {  	_ = 	snop  }
0x3c: {  	p2 =	seq.s32 s10, $0x1;
	s10 =	sld [smem:$0x3FB9]  }
0x3d: {  	_ =	shalt  }
0x3e: {  	_ =	shalt  }
0x3f: {  	_ =	shalt  }
0x40: {  	_ =	shalt  }
0x41: {  	_ =	shalt  }
0x42: {  	_ =	shalt  }
0x43: {  	_ =	shalt  }
0x44: {  	_ =	shalt  }
0x45: {  	_ =	shalt  }
0x46: {  	_ =	shalt  }
0x47: {  	_ =	shalt  }
0x48: {  	_ =	shalt  }
0x49: {  	_ =	shalt  }
0x4a: {  	_ =	shalt  }
0x4b: {  	_ =	shalt  }
0x4c: {  	_ =	shalt  }
0x4d: {  	_ =	shalt  }
0x4e: {  	_ =	shalt  }
0x4f: {  	_ =	shalt  }
0x50: {  	_ =	shalt  }
0x51: {  	_ =	shalt  }
0x52: {  	_ =	shalt  }
0x53: {  	_ =	shalt  }
0x54: {  	_ =	shalt  }
0x55: {  	_ =	shalt  }
0x56: {  	_ =	shalt  }
0x57: {  	_ =	shalt  }
0x58: {  	_ =	shalt  }
0x59: {  	_ =	shalt  }
0x5a: {  	_ =	shalt  }
0x5b: {  	_ =	shalt  }
0x5c: {  	_ =	shalt  }
0x5d: {  	_ =	shalt  }
0x5e: {  	_ =	shalt  }
0x5f: {  	_ =	shalt  }
0x60: {  	_ =	shalt  }
0x61: {  	_ =	shalt  }
0x62: {  	_ =	shalt  }
0x63: {  	_ =	shalt  }
0x64: {  	_ =	shalt  }
0x65: {  	_ =	shalt  }
0x66: {  	_ =	shalt  }
0x67: {  	_ =	shalt  }
0x68: {  	_ =	shalt  }
0x69: {  	_ =	shalt  }
0x6a: {  	_ =	shalt  }
0x6b: {  	_ =	shalt  }
0x6c: {  	_ =	shalt  }
0x6d: {  	_ =	shalt  }
0x6e: {  	_ =	shalt  }
0x6f: {  	_ =	shalt  }
0x70: {  	_ =	shalt  }
0x71: {  	_ =	shalt  }
0x72: {  	_ =	shalt  }
0x73: {  	_ =	shalt  }
0x74: {  	_ =	shalt  }
0x75: {  	_ =	shalt  }
0x76: {  	_ =	shalt  }
0x77: {  	_ =	shalt  }
0x78: {  	_ =	shalt  }
0x79: {  	_ =	shalt  }
0x7a: {  	_ =	shalt  }
0x7b: {  	_ =	shalt  }
0x7c: {  	_ =	shalt  }
0x7d: {  	_ =	shalt  }
0x7e: {  	_ =	shalt  }
0x7f: {  	_ =	shalt  }
0x80: {  	_ =	shalt  }
0x81: {  	_ =	shalt  }
0x82: {  	_ =	shalt  }
0x83: {  	_ =	shalt  }
0x84: {  	_ =	shalt  }
0x85: {  	_ =	shalt  }
0x86: {  	_ =	shalt  }
0x87: {  	_ =	shalt  }
.Lfunc_end0:
.L_simem_size_0:
called_computation_lowered:
.L_overlay_start_0:
0x88: {  	s2 =	sld [smem:$0x3FD9]  }
0x89: {  	s3 =	sld [smem:$0x3FFE];
	_ =	sdelay $0x1  }
0x8a: {  	s1 =	srdreg.scid  }
0x8b: {  	s0 =	sand.u32 $0x1, s1  }
0x8c: {  	s17 =	sshll.u32 s0, $0xA;
	s2 =	sadd.s32 s3, s2  }
0x8d: {  	s2 =	sadd.s32 s2, s17  }
0x8e: {  	[smem:$0x3FC5] =	sst s2  }
0x8f: {  	_ = 	snop  }
0x90: {  	s2 =	sld [smem:$0x3FC9]  }
0x91: {  	s18 =	sld [smem:$0x3FD0];
	(tm) =	ssettm $0x1  }
0x92: {  	s4 =	sld [smem:$0x3FFB];
	_ =	sdelay $0x3  }
0x93: {  	_ =	strace s4  }
0x94: {  	s4 =	sld [smem:$0x3FFC];
	_ =	sdelay $0x3  }
0x95: {  	_ =	strace s4  }
0x96: {  	s4 =	sld [smem:$0x3FFD];
	_ =	sdelay $0x3  }
0x97: {  	_ =	strace s4  }
0x98: {  	_ =	strace $0x8FFFFFFF  }
0x99: {  	s19 =	sld [smem:$0x3FDB];
	_ =	sdelay $0x1  }
0x9a: {  	s5 =	simm.s32 $_scs_section_size  }
0x9b: {  	s6 =	simm.s32 $_size__tile_overlayer_lowered;
	s7 =	simm.s32 $_tile_overlayer_lowered  }
0x9c: {  	s22 =	simm.s32 $0x1BFF;
	s21 =	sshll.u32 s7, $0x1;
	s4 =	sadd.s32 s5, s19  }
0x9d: {  	s8 =	simm.s32 $0x0;
	s20 =	sshll.u32 s6, $0x1;
	s6 =	sadd.s32 s21, s4  }
0x9e: {  	[timem:s8], [sflag:s22] =	dma.local [hbm:s6], s20  }
0x9f: {  	_ =	swait.ge [sflag:s22], s20  }
0xa0: {  	s5 =	ssub.s32 $0x0, s20;
	[sflag:s22] =	ssyncset.done $0x0  }
0xa1: {  	[sflag:s22] =	ssyncadd.s32 s5;
	_ =	sdelay $0x1  }
0xa2: {  	s23 =	simm.s32 $0x1B8B  }
0xa3: {  	_ =	swait.ge [sflag:s23], $0x1  }
0xa4: {  	[sflag:s23] =	ssyncset.done $0x0  }
0xa5: {  	s25 =	simm.s32 $0x1B8E;
	s24 =	sld [smem:$0x3FFE];
	[sflag:s23] =	ssyncadd.s32 $0xFFFFFFFF  }
0xa6: {  	s26 =	simm.s32 $execute0_lowered;
	[smem:$0x3FD2] =	sst s25  }
0xa7: {  	s6 =	sshll.u32 s26, $0x1;
	_ =	strace $0x80000046;
	[dreg:$0x1] =	wrdreg $0xFFFFFFFF  }
0xa8: {  	s28 =	simm.s32 $_size_execute0_lowered;
	s4 =	sadd.s32 s4, s6;
	[dreg:$0x0] =	wrdreg $0x0  }
0xa9: {  	s6 =	sshll.u32 s28, $0x1;
	[dreg:$0x2] =	wrdreg s4  }
0xaa: {  	[dreg:$0x3] =	wrdreg s6  }
0xab: {  	[dreg:$0x4] =	wrdreg $0xC0  }
0xac: {  	_ =	task [dreg:s8], $0x5FFFF  }
0xad: {  	[dreg:$0x1] =	wrdreg $0xFFFFFFFF  }
0xae: {  	[dreg:$0x0] =	wrdreg $0x60  }
0xaf: {  	[dreg:$0x2] =	wrdreg s2  }
0xb0: {  	[dreg:$0x3] =	wrdreg s24  }
0xb1: {  	[dreg:$0x4] =	wrdreg s18  }
0xb2: {  	[dreg:$0x5] =	wrdreg $0x9  }
0xb3: {  	_ =	task.clear_ibuf [dreg:s8], $0x6FFFF;
	_ =	strace $0x90000046  }
0xb4: {  	s29 =	simm.s32 $0x9;
	_ =	strace $0x80000048  }
0xb5: {  	_ =	swait.ge [sflag:s29], $0x1  }
0xb6: {  	[sflag:s29] =	ssyncadd.s32 $0xFFFFFFFF  }
0xb7: {  	_ =	strace $0x90000048  }
0xb8: {  	_ =	sfence  }
0xb9: {  	s30 =	sld [smem:$0x0];
	_ =	sdelay $0x2  }
0xba: {  	s31 =	sshll.u32 s1, $0xD;
	s1 =	sshrl.u32 s1, $0x2  }
0xbb: {  	s3 =	sand.u32 $0x4000, s31;
	s1 =	sadd.s32 s1, s30  }
0xbc: {  	s0 =	sor.u32 s3, s0;
	s1 =	sshll.u32 s1, $0x11  }
0xbd: {  	s0 =	sor.u32 s1, s0  }
0xbe: {  	s0 =	sadd.s32 $0x8F2B, s0  }
0xbf: {  	[sflag:s0] =	ssyncadd.remote.s32 $0x1  }
0xc0: {  	_ =	sfence.sel $0xFFFF  }
0xc1: {  	[dreg:$0x0] =	wrdreg $0xFFFFFFFF;
	(pc) =	sbr.abs _section_cstart, $3  }
0xc2: {  	[dreg:$0x1] =	wrdreg $0xFFFFFFFF  }
0xc3: {  	_ =	task.clear_ibuf [dreg:s8], $0x2FFFF;
	_ =	strace $0x9FFFFFFF  }
0xc4: {  	(tm) =	ssettm $0x7FFFFFFF  }
0xc5: {  	_ =	shalt  }
tec
execute0_lowered:
.L_overlay_start_1:
0x0: {  	(tag) =	ssettag $0x1  }
0x1: {  	s2 =	rddreg [dreg:$0x0]  }
0x2: {  	s0 =	srdreg.scid;
	s7 =	rddreg [dreg:$0x1]  }
0x3: {  	s1 =	stileid.u32;
	s4 =	rddreg [dreg:$0x2];
	s5 =	simm.s32 $0x0  }
0x4: {  	s11 =	simm.s32 $0x6;
	s13 =	simm.s32 $0x1;
	s14 =	simm.s32 $0x80  }
0x5: {  	s15 =	simm.s32 $0x100;
	s16 =	simm.s32 $0x1300;
	s17 =	simm.s32 $0x2  }
0x6: {  	s18 =	simm.s32 $0x180;
	s0 =	sand.u32 $0x1, s0;
	s1 =	sshll.u32 s1, $0x1  }
0x7: {  	s19 =	simm.s32 $0x5300;
	s20 =	simm.s32 $0x9300;
	s1 =	sor.u32 s0, s1  }
0x8: {  	s21 =	simm.s32 $0x400;
	s22 =	simm.s32 $0x20000;
	s3 =	smul.u32 $0x3400, s1  }
0x9: {  	s23 =	simm.s32 $0x3;
	s24 =	simm.s32 $0xA300;
	s25 =	simm.s32 $0x4  }
0xa: {  	[smem:$0x7FF] =	sst s5;
	s6 =	sadd.s32 $0x600, s7;
	s1 =	sshrl.u32 s3, $0x7  }
0xb: {  	s7 =	sadd.s32 $0x9F0600, s7;
	s0 =	ssub.s32 $0x2, s0;
	s1 =	sor.u32 s3, s1  }
0xc: {  	_ =	strace $0x80000047;
	s8 =	sshrl.u32 s0, $0x1;
	s1 =	sand.u32 $0x60380, s1  }
0xd: {  	v0 =	vlaneseq.u32;
	[dreg:$0x4] =	wrdreg s7;
	s0 =	ssub.s32 s0, s8;
	s1 =	sshrl.u32 s1, $0x3  }
0xe: {  	v0 =	vmul.u32 $0x80, v0;
	s30 =	sand.u32 $0x3C00, s3;
	s0 =	smax.u32 s0, $0x1;
	s1 =	sadd.s32 s2, s1  }
0xf: {  	s26 =	simm.s32 $0x5;
	[dreg:$0x5] =	wrdreg s0;
	s31 =	sadd.s32 s30, s1  }
0x10: {  	s28 =	simm.s32 $0x0;
	v1 =	vor.u32 $0x800, v0;
	s8 =	sor.u32 $0x100, s3;
	[dreg:$0x6] =	wrdreg s31  }
.LBB2_1:
0x11: {  	s0 =	rddreg [dreg:$0x4];
	s1 =	simm.s32 $0x300  }
0x12: {  	[tilespmem:s1], [sflag:$0x6] =	stream.linear.gather [hbm4b:s0+s5], $0xD00, $0x38;
	[tilespmem:$0xB300] =	vst v63  }
0x13: {  	_ =	swait.ge [sflag:s11], $0xD00  }
0x14: {  	[sflag:s11] =	ssyncset.done $0x0  }
0x15: {  	s29 =	simm.s32 $0x0;
	s31 =	rddreg [dreg:$0x6];
	[sflag:s11] =	ssyncadd.s32 $0xFFFFF300  }
0x16: {  	[tilespmem:s5], [sflag:$0x1] =	stream.linear.gather [hbm4b:s31+s5], $0x80, $0x38;
	[tilespmem:$0xB300] =	vst v63  }
.LBB2_2:
0x17: {  	s9 =	sshll.u32 s29, $0x8  }
0x18: {  	s1 =	sadd.s32 s3, s9  }
0x19: {  	s7 =	sadd.s32 $0x80, s1  }
0x1a: {  	s0 =	sshrl.u32 s7, $0x7  }
0x1b: {  	s10 =	sand.u32 $0xE0000, s7;
	s0 =	sand.u32 $0x380, s0  }
0x1c: {  	_ =	swait.ge [sflag:s13], $0x80;
	s0 =	sor.u32 s10, s0  }
0x1d: {  	[sflag:s13] =	ssyncset.done $0x0;
	s0 =	sshrl.u32 s0, $0x3  }
0x1e: {  	s30 =	sand.u32 $0x3F80, s7;
	s12 =	sadd.s32 s2, s0;
	s0 =	sshrl.u32 s1, $0xE  }
0x1f: {  	[sflag:s13] =	ssyncadd.s32 $0xFFFFFF80;
	s10 =	sadd.s32 s30, s12;
	s12 =	sshll.u32 s0, $0x7  }
0x20: {  	[tilespmem:s14], [sflag:$0x1] =	stream.linear.gather [hbm4b:s10+s5], $0x80, $0x38;
	[tilespmem:$0xB300] =	vst v63  }
0x21: {  	v2 =	vld [tilespmem:s12+$0x300]  }
0x22: {  	v3 =	vld [tilespmem:$0x0]  }
0x23: {  	v4 =	vld [tilespmem:$0x10]  }
0x24: {  	v5 =	vld [tilespmem:$0x20]  }
0x25: {  	v8 =	vld [tilespmem:$0x30]  }
0x26: {  	v10 =	vld [tilespmem:$0x40]  }
0x27: {  	v15 =	vld [tilespmem:$0x50];
	_ =	sdelay $0x2  }
0x28: {  	v3 =	vadd.s32 v2, v3  }
0x29: {  	v4 =	vadd.s32 v2, v4;
	v5 =	vadd.s32 v2, v5;
	v8 =	vadd.s32 v2, v8  }
0x2a: {  	v21 =	vadd.s32 v2, v10;
	v24 =	vadd.s32 v2, v15;
	v6 =	vshrl.u32 v3, $0x6  }
0x2b: {  	v7 =	vshrl.u32 v3, $0x2;
	v3 =	vand.u32 $0x7FF, v3;
	v63 =	vshrl.u32 v4, $0x6  }
0x2c: {  	v9 =	vshrl.u32 v4, $0x2;
	v4 =	vand.u32 $0x7FF, v4;
	v6 =	vand.u32 $0x60, v6  }
0x2d: {  	v13 =	vshrl.u32 v5, $0x6;
	v7 =	vand.u32 $0x3FFFF800, v7;
	v12 =	vand.u32 $0x60, v63;
	[tilespmem:$0x200] =	vst v6  }
0x2e: {  	v14 =	vshrl.u32 v5, $0x2;
	v9 =	vand.u32 $0x3FFFF800, v9;
	v3 =	vor.u32 v3, v7;
	[tilespmem:$0x210] =	vst v12  }
0x2f: {  	v5 =	vand.u32 $0x7FF, v5;
	v17 =	vshrl.u32 v8, $0x6;
	v4 =	vor.u32 v4, v9;
	[tilespmem:$0x100] =	vst v3  }
0x30: {  	v19 =	vld [tilespmem:$0x60];
	v18 =	vshrl.u32 v8, $0x2;
	v16 =	vand.u32 $0x3FFFF800, v14;
	v3 =	vand.u32 $0x60, v13;
	[tilespmem:$0x110] =	vst v4  }
0x31: {  	v25 =	vld [tilespmem:$0x70];
	v20 =	vand.u32 $0x7FF, v8;
	v22 =	vshrl.u32 v21, $0x2;
	v4 =	vor.u32 v5, v16;
	[tilespmem:$0x220] =	vst v3  }
0x32: {  	v23 =	vand.u32 $0x7FF, v21;
	v5 =	vand.u32 $0x60, v17;
	v3 =	vand.u32 $0x3FFFF800, v18;
	[tilespmem:$0x120] =	vst v4  }
0x33: {  	v4 =	vshrl.u32 v21, $0x6;
	[tilespmem:$0x230] =	vst v5;
	v5 =	vand.u32 $0x3FFFF800, v22;
	v3 =	vor.u32 v20, v3  }
0x34: {  	[tilespmem:$0x130] =	vst v3;
	v3 =	vand.u32 $0x60, v4;
	v4 =	vor.u32 v23, v5;
	v5 =	vshrl.u32 v24, $0x6  }
0x35: {  	v26 =	vadd.s32 v2, v19;
	[tilespmem:$0x240] =	vst v3;
	v3 =	vand.u32 $0x60, v5;
	v5 =	vshrl.u32 v24, $0x2  }
0x36: {  	v2 =	vadd.s32 v2, v25;
	[tilespmem:$0x140] =	vst v4;
	v4 =	vand.u32 $0x3FFFF800, v5;
	v5 =	vand.u32 $0x7FF, v24  }
0x37: {  	v7 =	vshrl.u32 v26, $0x6;
	[tilespmem:$0x250] =	vst v3;
	v3 =	vor.u32 v5, v4;
	v5 =	vshrl.u32 v26, $0x2  }
0x38: {  	p0 =	seq.s32 s29, $0x33;
	v4 =	vand.u32 $0x60, v7;
	[tilespmem:$0x150] =	vst v3;
	v3 =	vand.u32 $0x3FFFF800, v5;
	v5 =	vand.u32 $0x7FF, v26  }
0x39: {  	s9 =	sadd.s32 @!p0 s9, s8;
	[tilespmem:$0x260] =	vst v4;
	v4 =	vshrl.u32 v2, $0x6;
	v3 =	vor.u32 v5, v3;
	v5 =	vshrl.u32 v2, $0x2  }
0x3a: {  	s10 =	sshrl.u32 @!p0 s9, $0x7;
	v2 =	vand.u32 $0x7FF, v2;
	[tilespmem:$0x160] =	vst v3;
	v3 =	vand.u32 $0x60, v4;
	v4 =	vand.u32 $0x3FFFF800, v5  }
0x3b: {  	s31 =	sand.u32 @!p0 $0xE0000, s9;
	s10 =	sand.u32 @!p0 $0x380, s10;
	[tilespmem:$0x270] =	vst v3;
	v2 =	vor.u32 v2, v4  }
0x3c: {  	s9 =	sand.u32 @!p0 $0x3F00, s9;
	s10 =	sor.u32 @!p0 s31, s10;
	[tilespmem:$0x170] =	vst v2  }
0x3d: {  	[tilespmem:s16], [sflag:$0x2] =	stream.indirect.gather [hbm4b:s6+s14], $0x80, s15, s14, $0xb8;
	[tilespmem:$0xB300] =	vst v63  }
0x3e: {  	s31 =	sshrl.u32 s7, $0xE;
	s7 =	sshrl.u32 @!p0 s10, $0x3;
	_ =	swait.ge [sflag:s13], $0x80  }
0x3f: {  	s12 =	sshll.u32 s31, $0x7;
	s7 =	sadd.s32 @!p0 s2, s7;
	[sflag:s13] =	ssyncset.done $0x0  }
0x40: {  	s7 =	sadd.s32 @!p0 s9, s7;
	s9 =	simm.s32 @!p0 $0x0;
	[sflag:s13] =	ssyncadd.s32 $0xFFFFFF80  }
0x41: {  	[tilespmem:s9], [sflag:$0x1] =	stream.linear.gather @!p0 [hbm4b:s7+s9], $0x80, $0x38;
	[tilespmem:$0xB300] =	vst v63  }
0x42: {  	v2 =	vld [tilespmem:s12+$0x300]  }
0x43: {  	v3 =	vld [tilespmem:$0x80]  }
0x44: {  	v4 =	vld [tilespmem:$0x90]  }
0x45: {  	v5 =	vld [tilespmem:$0xA0]  }
0x46: {  	v29 =	vld [tilespmem:$0xB0]  }
0x47: {  	v32 =	vld [tilespmem:$0xC0]  }
0x48: {  	v36 =	vld [tilespmem:$0xD0];
	_ =	sdelay $0x2  }
0x49: {  	v3 =	vadd.s32 v2, v3  }
0x4a: {  	v4 =	vadd.s32 v2, v4;
	v5 =	vadd.s32 v2, v5;
	v8 =	vadd.s32 v2, v29  }
0x4b: {  	v42 =	vadd.s32 v2, v32;
	v45 =	vadd.s32 v2, v36;
	v27 =	vshrl.u32 v3, $0x6  }
0x4c: {  	v28 =	vshrl.u32 v3, $0x2;
	v3 =	vand.u32 $0x7FF, v3;
	v30 =	vshrl.u32 v4, $0x6  }
0x4d: {  	v31 =	vshrl.u32 v4, $0x2;
	v4 =	vand.u32 $0x7FF, v4;
	v6 =	vand.u32 $0x60, v27  }
0x4e: {  	v34 =	vshrl.u32 v5, $0x6;
	v7 =	vand.u32 $0x3FFFF800, v28;
	v33 =	vand.u32 $0x60, v30;
	[tilespmem:$0x280] =	vst v6  }
0x4f: {  	v35 =	vshrl.u32 v5, $0x2;
	v9 =	vand.u32 $0x3FFFF800, v31;
	v3 =	vor.u32 v3, v7;
	[tilespmem:$0x290] =	vst v33  }
0x50: {  	v5 =	vand.u32 $0x7FF, v5;
	v38 =	vshrl.u32 v8, $0x6;
	v4 =	vor.u32 v4, v9;
	[tilespmem:$0x180] =	vst v3  }
0x51: {  	v40 =	vld [tilespmem:$0xE0];
	v39 =	vshrl.u32 v8, $0x2;
	v37 =	vand.u32 $0x3FFFF800, v35;
	v3 =	vand.u32 $0x60, v34;
	[tilespmem:$0x190] =	vst v4  }
0x52: {  	v46 =	vld [tilespmem:$0xF0];
	v41 =	vand.u32 $0x7FF, v8;
	v43 =	vshrl.u32 v42, $0x2;
	v4 =	vor.u32 v5, v37;
	[tilespmem:$0x2A0] =	vst v3  }
0x53: {  	v44 =	vand.u32 $0x7FF, v42;
	v5 =	vand.u32 $0x60, v38;
	v3 =	vand.u32 $0x3FFFF800, v39;
	[tilespmem:$0x1A0] =	vst v4  }
0x54: {  	v4 =	vshrl.u32 v42, $0x6;
	[tilespmem:$0x2B0] =	vst v5;
	v5 =	vand.u32 $0x3FFFF800, v43;
	v3 =	vor.u32 v41, v3  }
0x55: {  	[tilespmem:$0x1B0] =	vst v3;
	v3 =	vand.u32 $0x60, v4;
	v4 =	vor.u32 v44, v5;
	v5 =	vshrl.u32 v45, $0x6  }
0x56: {  	v47 =	vadd.s32 v2, v40;
	[tilespmem:$0x2C0] =	vst v3;
	v3 =	vand.u32 $0x60, v5;
	v5 =	vshrl.u32 v45, $0x2  }
0x57: {  	v2 =	vadd.s32 v2, v46;
	[tilespmem:$0x1C0] =	vst v4;
	v4 =	vand.u32 $0x3FFFF800, v5;
	v5 =	vand.u32 $0x7FF, v45  }
0x58: {  	v7 =	vshrl.u32 v47, $0x6;
	[tilespmem:$0x2D0] =	vst v3;
	v3 =	vor.u32 v5, v4;
	v5 =	vshrl.u32 v47, $0x2  }
0x59: {  	v4 =	vand.u32 $0x60, v7;
	[tilespmem:$0x1D0] =	vst v3;
	v3 =	vand.u32 $0x3FFFF800, v5;
	v5 =	vand.u32 $0x7FF, v47  }
0x5a: {  	[tilespmem:$0x2E0] =	vst v4;
	v4 =	vshrl.u32 v2, $0x6;
	v3 =	vor.u32 v5, v3;
	v5 =	vshrl.u32 v2, $0x2  }
0x5b: {  	v2 =	vand.u32 $0x7FF, v2;
	[tilespmem:$0x1E0] =	vst v3;
	v3 =	vand.u32 $0x60, v4;
	v4 =	vand.u32 $0x3FFFF800, v5  }
0x5c: {  	[tilespmem:$0x2F0] =	vst v3;
	v2 =	vor.u32 v2, v4  }
0x5d: {  	[tilespmem:$0x1F0] =	vst v2  }
0x5e: {  	_ =	swait.ge [sflag:s17], $0x4000  }
0x5f: {  	p0 =	seq.s32 s29, $0x0;
	[sflag:s17] =	ssyncset.done $0x0  }
0x60: {  	s7 =	simm.s32 @!p0 $0x4;
	[sflag:s17] =	ssyncadd.s32 $0xFFFFC000  }
0x61: {  	[tilespmem:s19], [sflag:$0x3] =	stream.indirect.gather [hbm4b:s6+s14], $0x80, s18, s14, $0xb8;
	[tilespmem:$0xB300] =	vst v63  }
0x62: {  	_ =	swait.ge @!p0 [sflag:s7], $0x1000  }
0x63: {  	[sflag:s7] =	ssyncset.done @!p0 $0x0  }
0x64: {  	s10 =	simm.s32 $0x200;
	[sflag:s7] =	ssyncadd.s32 @!p0 $0xFFFFF000  }
0x65: {  	v2 =	vld [tilespmem:s10+$0x0];
	_ =	sdelay $0x4  }
0x66: {  	v2 =	vshll.u32 v2, $0x2  }
0x67: {  	s9 =	simm.s32 $0x0;
	v2 =	vshra.s32 v2, $0x2  }
0x68: {  	v2 =	vadd.s32 s9, v2  }
0x69: {  	(v2sf) =	vpush v2, $0x0;
	_ =	sdelay $0x6  }
0x6a: {  	(v2sf) =	vpush v2, $0x1;
	_ =	sdelay $0x3  }
0x6b: {  	s12 =	simm.s32 $0x0  }
0x6c: {  	v3 =	vmov s12  }
0x6d: {  	v3 =	vand.u32 $0x70, v3  }
0x6e: {  	v3 =	vbroadcast v3, $0x0;
	(v2sf) =	vpush v2, $0x2  }
0x6f: {  	s9 =	spop (v2sf)  }
0x70: {  	v5 =	vor.u32 v0, v3;
	v4 =	vld [tilespmem:s9+$0x1300]  }
0x71: {  	v3 =	vor.u32 v1, v3;
	v48 =	vld [tilespmem:s9+$0x1310]  }
0x72: {  	s12 =	simm.s32 $0x1  }
0x73: {  	v49 =	vmov s12  }
0x74: {  	v7 =	vand.u32 $0x71, v49  }
0x75: {  	(v2sf) =	vpush v2, $0x3;
	[tilespmem:v5+s20+$0x0] =	vst.idx.msk $0xffff, v4;
	v4 =	vbroadcast v7, $0x0  }
0x76: {  	s9 =	spop (v2sf);
	[tilespmem:v3+s20+$0x0] =	vst.idx.msk $0xffff, v48  }
0x77: {  	v3 =	vld [tilespmem:s9+$0x1380];
	v5 =	vor.u32 v0, v4  }
0x78: {  	v6 =	vld [tilespmem:s9+$0x1390];
	v4 =	vor.u32 v1, v4  }
0x79: {  	s12 =	simm.s32 $0x2  }
0x7a: {  	v50 =	vmov s12  }
0x7b: {  	v7 =	vand.u32 $0x72, v50  }
0x7c: {  	(v2sf) =	vpush v2, $0x4;
	[tilespmem:v5+s20+$0x0] =	vst.idx.msk $0xffff, v3;
	v3 =	vbroadcast v7, $0x0  }
0x7d: {  	s9 =	spop (v2sf);
	[tilespmem:v4+s20+$0x0] =	vst.idx.msk $0xffff, v6  }
0x7e: {  	v4 =	vld [tilespmem:s9+$0x1400];
	v5 =	vor.u32 v0, v3  }
0x7f: {  	v6 =	vld [tilespmem:s9+$0x1410];
	v3 =	vor.u32 v1, v3  }
0x80: {  	s12 =	simm.s32 $0x3  }
0x81: {  	v51 =	vmov s12  }
0x82: {  	v7 =	vand.u32 $0x73, v51  }
0x83: {  	(v2sf) =	vpush v2, $0x5;
	[tilespmem:v5+s20+$0x0] =	vst.idx.msk $0xffff, v4;
	v4 =	vbroadcast v7, $0x0  }
0x84: {  	s9 =	spop (v2sf);
	[tilespmem:v3+s20+$0x0] =	vst.idx.msk $0xffff, v6  }
0x85: {  	v3 =	vld [tilespmem:s9+$0x1480];
	v5 =	vor.u32 v0, v4  }
0x86: {  	v6 =	vld [tilespmem:s9+$0x1490];
	v4 =	vor.u32 v1, v4  }
0x87: {  	s12 =	simm.s32 $0x4  }
0x88: {  	v52 =	vmov s12  }
0x89: {  	v7 =	vand.u32 $0x74, v52  }
0x8a: {  	(v2sf) =	vpush v2, $0x6;
	[tilespmem:v5+s20+$0x0] =	vst.idx.msk $0xffff, v3;
	v3 =	vbroadcast v7, $0x0  }
0x8b: {  	s9 =	spop (v2sf);
	[tilespmem:v4+s20+$0x0] =	vst.idx.msk $0xffff, v6  }
0x8c: {  	v4 =	vld [tilespmem:s9+$0x1500];
	v5 =	vor.u32 v0, v3  }
0x8d: {  	v6 =	vld [tilespmem:s9+$0x1510];
	v3 =	vor.u32 v1, v3  }
0x8e: {  	s12 =	simm.s32 $0x5  }
0x8f: {  	v53 =	vmov s12  }
0x90: {  	v7 =	vand.u32 $0x75, v53  }
0x91: {  	(v2sf) =	vpush v2, $0x7;
	[tilespmem:v5+s20+$0x0] =	vst.idx.msk $0xffff, v4;
	v4 =	vbroadcast v7, $0x0  }
0x92: {  	s9 =	spop (v2sf);
	[tilespmem:v3+s20+$0x0] =	vst.idx.msk $0xffff, v6  }
0x93: {  	v3 =	vld [tilespmem:s9+$0x1580];
	v5 =	vor.u32 v0, v4  }
0x94: {  	v6 =	vld [tilespmem:s9+$0x1590];
	v4 =	vor.u32 v1, v4  }
0x95: {  	s12 =	simm.s32 $0x6  }
0x96: {  	v54 =	vmov s12  }
0x97: {  	v7 =	vand.u32 $0x76, v54  }
0x98: {  	(v2sf) =	vpush v2, $0x8;
	[tilespmem:v5+s20+$0x0] =	vst.idx.msk $0xffff, v3;
	v3 =	vbroadcast v7, $0x0  }
0x99: {  	s9 =	spop (v2sf);
	[tilespmem:v4+s20+$0x0] =	vst.idx.msk $0xffff, v6  }
0x9a: {  	v4 =	vld [tilespmem:s9+$0x1600];
	v5 =	vor.u32 v0, v3  }
0x9b: {  	v6 =	vld [tilespmem:s9+$0x1610];
	v3 =	vor.u32 v1, v3  }
0x9c: {  	s12 =	simm.s32 $0x7  }
0x9d: {  	v55 =	vmov s12  }
0x9e: {  	v7 =	vand.u32 $0x77, v55  }
0x9f: {  	(v2sf) =	vpush v2, $0x9;
	[tilespmem:v5+s20+$0x0] =	vst.idx.msk $0xffff, v4;
	v4 =	vbroadcast v7, $0x0  }
0xa0: {  	s9 =	spop (v2sf);
	[tilespmem:v3+s20+$0x0] =	vst.idx.msk $0xffff, v6  }
0xa1: {  	v3 =	vld [tilespmem:s9+$0x1680];
	v5 =	vor.u32 v0, v4  }
0xa2: {  	v6 =	vld [tilespmem:s9+$0x1690];
	v4 =	vor.u32 v1, v4  }
0xa3: {  	s12 =	simm.s32 $0x8  }
0xa4: {  	v56 =	vmov s12  }
0xa5: {  	v7 =	vand.u32 $0x78, v56  }
0xa6: {  	(v2sf) =	vpush v2, $0xA;
	[tilespmem:v5+s20+$0x0] =	vst.idx.msk $0xffff, v3;
	v3 =	vbroadcast v7, $0x0  }
0xa7: {  	s9 =	spop (v2sf);
	[tilespmem:v4+s20+$0x0] =	vst.idx.msk $0xffff, v6  }
0xa8: {  	v4 =	vld [tilespmem:s9+$0x1700];
	v5 =	vor.u32 v0, v3  }
0xa9: {  	v6 =	vld [tilespmem:s9+$0x1710];
	v3 =	vor.u32 v1, v3  }
0xaa: {  	s12 =	simm.s32 $0x9  }
0xab: {  	v57 =	vmov s12  }
0xac: {  	v7 =	vand.u32 $0x79, v57  }
0xad: {  	(v2sf) =	vpush v2, $0xB;
	[tilespmem:v5+s20+$0x0] =	vst.idx.msk $0xffff, v4;
	v4 =	vbroadcast v7, $0x0  }
0xae: {  	s9 =	spop (v2sf);
	[tilespmem:v3+s20+$0x0] =	vst.idx.msk $0xffff, v6  }
0xaf: {  	v3 =	vld [tilespmem:s9+$0x1780];
	v5 =	vor.u32 v0, v4  }
0xb0: {  	v6 =	vld [tilespmem:s9+$0x1790];
	v4 =	vor.u32 v1, v4  }
0xb1: {  	s12 =	simm.s32 $0xA  }
0xb2: {  	v58 =	vmov s12  }
0xb3: {  	v7 =	vand.u32 $0x7A, v58  }
0xb4: {  	(v2sf) =	vpush v2, $0xC;
	[tilespmem:v5+s20+$0x0] =	vst.idx.msk $0xffff, v3;
	v3 =	vbroadcast v7, $0x0  }
0xb5: {  	s9 =	spop (v2sf);
	[tilespmem:v4+s20+$0x0] =	vst.idx.msk $0xffff, v6  }
0xb6: {  	v4 =	vld [tilespmem:s9+$0x1800];
	v5 =	vor.u32 v0, v3  }
0xb7: {  	v6 =	vld [tilespmem:s9+$0x1810];
	v3 =	vor.u32 v1, v3  }
0xb8: {  	s12 =	simm.s32 $0xB  }
0xb9: {  	v59 =	vmov s12  }
0xba: {  	v7 =	vand.u32 $0x7B, v59  }
0xbb: {  	(v2sf) =	vpush v2, $0xD;
	[tilespmem:v5+s20+$0x0] =	vst.idx.msk $0xffff, v4;
	v4 =	vbroadcast v7, $0x0  }
0xbc: {  	s9 =	spop (v2sf);
	[tilespmem:v3+s20+$0x0] =	vst.idx.msk $0xffff, v6  }
0xbd: {  	v3 =	vld [tilespmem:s9+$0x1880];
	v5 =	vor.u32 v0, v4  }
0xbe: {  	v6 =	vld [tilespmem:s9+$0x1890];
	v4 =	vor.u32 v1, v4  }
0xbf: {  	s12 =	simm.s32 $0xC  }
0xc0: {  	v60 =	vmov s12  }
0xc1: {  	v7 =	vand.u32 $0x7C, v60  }
0xc2: {  	(v2sf) =	vpush v2, $0xE;
	[tilespmem:v5+s20+$0x0] =	vst.idx.msk $0xffff, v3;
	v3 =	vbroadcast v7, $0x0  }
0xc3: {  	s9 =	spop (v2sf);
	[tilespmem:v4+s20+$0x0] =	vst.idx.msk $0xffff, v6  }
0xc4: {  	v4 =	vld [tilespmem:s9+$0x1900];
	v5 =	vor.u32 v0, v3  }
0xc5: {  	v6 =	vld [tilespmem:s9+$0x1910];
	v3 =	vor.u32 v1, v3  }
0xc6: {  	s12 =	simm.s32 $0xD  }
0xc7: {  	v61 =	vmov s12  }
0xc8: {  	v7 =	vand.u32 $0x7D, v61  }
0xc9: {  	(v2sf) =	vpush v2, $0xF;
	[tilespmem:v5+s20+$0x0] =	vst.idx.msk $0xffff, v4;
	v4 =	vbroadcast v7, $0x0  }
0xca: {  	s9 =	spop (v2sf);
	[tilespmem:v3+s20+$0x0] =	vst.idx.msk $0xffff, v6  }
0xcb: {  	v2 =	vld [tilespmem:s9+$0x1980];
	v3 =	vor.u32 v0, v4  }
0xcc: {  	v5 =	vld [tilespmem:s9+$0x1990];
	v4 =	vor.u32 v1, v4  }
0xcd: {  	s12 =	simm.s32 $0xE  }
0xce: {  	v62 =	vmov s12  }
0xcf: {  	v6 =	vand.u32 $0x7E, v62  }
0xd0: {  	[tilespmem:v3+s20+$0x0] =	vst.idx.msk $0xffff, v2;
	v2 =	vbroadcast v6, $0x0  }
0xd1: {  	s9 =	spop (v2sf);
	[tilespmem:v4+s20+$0x0] =	vst.idx.msk $0xffff, v5  }
0xd2: {  	v3 =	vld [tilespmem:s9+$0x1A00];
	v4 =	vor.u32 v0, v2  }
0xd3: {  	v5 =	vld [tilespmem:s9+$0x1A10];
	v2 =	vor.u32 v1, v2  }
0xd4: {  	s7 =	simm.s32 $0xF  }
0xd5: {  	v63 =	vmov s7  }
0xd6: {  	v6 =	vand.u32 $0x7F, v63  }
0xd7: {  	[tilespmem:v4+s20+$0x0] =	vst.idx.msk $0xffff, v3;
	v3 =	vbroadcast v6, $0x0  }
0xd8: {  	s12 =	spop (v2sf);
	[tilespmem:v2+s20+$0x0] =	vst.idx.msk $0xffff, v5  }
0xd9: {  	v4 =	vld [tilespmem:s12+$0x1A80];
	v5 =	vor.u32 v0, v3  }
0xda: {  	v2 =	vld [tilespmem:s12+$0x1A90];
	v3 =	vor.u32 v1, v3;
	_ =	sdelay $0x3  }
0xdb: {  	s9 =	simm.s32 $0x2000;
	[tilespmem:v5+s20+$0x0] =	vst.idx.msk $0xffff, v4  }
.LBB2_3:
0xdc: {  	p1 =	sne.s32 s9, $0xE000;
	[tilespmem:v3+s20+$0x0] =	vst.idx.msk $0xffff, v2;
	s7 =	sadd.s32 $0x10, s7;
	s10 =	sadd.s32 $0x10, s10  }
0xdd: {  	s12 =	smov.u32 s9;
	s9 =	sadd.s32 $0x2000, s9;
	v2 =	vld [tilespmem:s10+$0x0];
	_ =	sdelay $0x4  }
0xde: {  	v2 =	vshll.u32 v2, $0x2  }
0xdf: {  	s12 =	sshra.s32 s12, $0x2;
	v2 =	vshra.s32 v2, $0x2  }
0xe0: {  	v2 =	vadd.s32 s12, v2  }
0xe1: {  	(v2sf) =	vpush v2, $0x0;
	_ =	sdelay $0x6  }
0xe2: {  	(v2sf) =	vpush v2, $0x1;
	_ =	sdelay $0x3  }
0xe3: {  	s12 =	sadd.s32 $0xFFFFFFF1, s7  }
0xe4: {  	v3 =	vmov s12  }
0xe5: {  	v3 =	vand.u32 $0x70, v3  }
0xe6: {  	v3 =	vbroadcast v3, $0x0;
	(v2sf) =	vpush v2, $0x2  }
0xe7: {  	s12 =	spop (v2sf)  }
0xe8: {  	v5 =	vor.u32 v0, v3;
	v4 =	vld [tilespmem:s12+$0x1300]  }
0xe9: {  	v3 =	vor.u32 v1, v3;
	v6 =	vld [tilespmem:s12+$0x1310]  }
0xea: {  	s12 =	sadd.s32 $0xFFFFFFF2, s7  }
0xeb: {  	v7 =	vmov s12  }
0xec: {  	v7 =	vand.u32 $0x71, v7  }
0xed: {  	[tilespmem:v5+s20+$0x0] =	vst.idx.msk $0xffff, v4;
	v4 =	vbroadcast v7, $0x0;
	(v2sf) =	vpush v2, $0x3  }
0xee: {  	[tilespmem:v3+s20+$0x0] =	vst.idx.msk $0xffff, v6;
	s12 =	spop (v2sf)  }
0xef: {  	v3 =	vld [tilespmem:s12+$0x1380];
	v5 =	vor.u32 v0, v4  }
0xf0: {  	v4 =	vor.u32 v1, v4;
	v6 =	vld [tilespmem:s12+$0x1390]  }
0xf1: {  	s12 =	sadd.s32 $0xFFFFFFF3, s7  }
0xf2: {  	v7 =	vmov s12  }
0xf3: {  	v7 =	vand.u32 $0x72, v7  }
0xf4: {  	[tilespmem:v5+s20+$0x0] =	vst.idx.msk $0xffff, v3;
	v3 =	vbroadcast v7, $0x0;
	(v2sf) =	vpush v2, $0x4  }
0xf5: {  	[tilespmem:v4+s20+$0x0] =	vst.idx.msk $0xffff, v6;
	s12 =	spop (v2sf)  }
0xf6: {  	v4 =	vld [tilespmem:s12+$0x1400];
	v5 =	vor.u32 v0, v3  }
0xf7: {  	v3 =	vor.u32 v1, v3;
	v6 =	vld [tilespmem:s12+$0x1410]  }
0xf8: {  	s12 =	sadd.s32 $0xFFFFFFF4, s7  }
0xf9: {  	v7 =	vmov s12  }
0xfa: {  	v7 =	vand.u32 $0x73, v7  }
0xfb: {  	[tilespmem:v5+s20+$0x0] =	vst.idx.msk $0xffff, v4;
	v4 =	vbroadcast v7, $0x0;
	(v2sf) =	vpush v2, $0x5  }
0xfc: {  	[tilespmem:v3+s20+$0x0] =	vst.idx.msk $0xffff, v6;
	s12 =	spop (v2sf)  }
0xfd: {  	v3 =	vld [tilespmem:s12+$0x1480];
	v5 =	vor.u32 v0, v4  }
0xfe: {  	v4 =	vor.u32 v1, v4;
	v6 =	vld [tilespmem:s12+$0x1490]  }
0xff: {  	s12 =	sadd.s32 $0xFFFFFFF5, s7  }
0x100: {  	v7 =	vmov s12  }
0x101: {  	v7 =	vand.u32 $0x74, v7  }
0x102: {  	[tilespmem:v5+s20+$0x0] =	vst.idx.msk $0xffff, v3;
	v3 =	vbroadcast v7, $0x0;
	(v2sf) =	vpush v2, $0x6  }
0x103: {  	[tilespmem:v4+s20+$0x0] =	vst.idx.msk $0xffff, v6;
	s12 =	spop (v2sf)  }
0x104: {  	v4 =	vld [tilespmem:s12+$0x1500];
	v5 =	vor.u32 v0, v3  }
0x105: {  	v3 =	vor.u32 v1, v3;
	v6 =	vld [tilespmem:s12+$0x1510]  }
0x106: {  	s12 =	sadd.s32 $0xFFFFFFF6, s7  }
0x107: {  	v7 =	vmov s12  }
0x108: {  	v7 =	vand.u32 $0x75, v7  }
0x109: {  	[tilespmem:v5+s20+$0x0] =	vst.idx.msk $0xffff, v4;
	v4 =	vbroadcast v7, $0x0;
	(v2sf) =	vpush v2, $0x7  }
0x10a: {  	[tilespmem:v3+s20+$0x0] =	vst.idx.msk $0xffff, v6;
	s12 =	spop (v2sf)  }
0x10b: {  	v3 =	vld [tilespmem:s12+$0x1580];
	v5 =	vor.u32 v0, v4  }
0x10c: {  	v4 =	vor.u32 v1, v4;
	v6 =	vld [tilespmem:s12+$0x1590]  }
0x10d: {  	s12 =	sadd.s32 $0xFFFFFFF7, s7  }
0x10e: {  	v7 =	vmov s12  }
0x10f: {  	v7 =	vand.u32 $0x76, v7  }
0x110: {  	[tilespmem:v5+s20+$0x0] =	vst.idx.msk $0xffff, v3;
	v3 =	vbroadcast v7, $0x0;
	(v2sf) =	vpush v2, $0x8  }
0x111: {  	[tilespmem:v4+s20+$0x0] =	vst.idx.msk $0xffff, v6;
	s12 =	spop (v2sf)  }
0x112: {  	v4 =	vld [tilespmem:s12+$0x1600];
	v5 =	vor.u32 v0, v3  }
0x113: {  	v3 =	vor.u32 v1, v3;
	v6 =	vld [tilespmem:s12+$0x1610]  }
0x114: {  	s12 =	sadd.s32 $0xFFFFFFF8, s7  }
0x115: {  	v7 =	vmov s12  }
0x116: {  	v7 =	vand.u32 $0x77, v7  }
0x117: {  	[tilespmem:v5+s20+$0x0] =	vst.idx.msk $0xffff, v4;
	v4 =	vbroadcast v7, $0x0;
	(v2sf) =	vpush v2, $0x9  }
0x118: {  	[tilespmem:v3+s20+$0x0] =	vst.idx.msk $0xffff, v6;
	s12 =	spop (v2sf)  }
0x119: {  	v3 =	vld [tilespmem:s12+$0x1680];
	v5 =	vor.u32 v0, v4  }
0x11a: {  	v4 =	vor.u32 v1, v4;
	v6 =	vld [tilespmem:s12+$0x1690]  }
0x11b: {  	s12 =	sadd.s32 $0xFFFFFFF9, s7  }
0x11c: {  	v7 =	vmov s12  }
0x11d: {  	v7 =	vand.u32 $0x78, v7  }
0x11e: {  	[tilespmem:v5+s20+$0x0] =	vst.idx.msk $0xffff, v3;
	v3 =	vbroadcast v7, $0x0;
	(v2sf) =	vpush v2, $0xA  }
0x11f: {  	[tilespmem:v4+s20+$0x0] =	vst.idx.msk $0xffff, v6;
	s12 =	spop (v2sf)  }
0x120: {  	v4 =	vld [tilespmem:s12+$0x1700];
	v5 =	vor.u32 v0, v3  }
0x121: {  	v3 =	vor.u32 v1, v3;
	v6 =	vld [tilespmem:s12+$0x1710]  }
0x122: {  	s12 =	sadd.s32 $0xFFFFFFFA, s7  }
0x123: {  	v7 =	vmov s12  }
0x124: {  	v7 =	vand.u32 $0x79, v7  }
0x125: {  	[tilespmem:v5+s20+$0x0] =	vst.idx.msk $0xffff, v4;
	v4 =	vbroadcast v7, $0x0;
	(v2sf) =	vpush v2, $0xB  }
0x126: {  	[tilespmem:v3+s20+$0x0] =	vst.idx.msk $0xffff, v6;
	s12 =	spop (v2sf)  }
0x127: {  	v3 =	vld [tilespmem:s12+$0x1780];
	v5 =	vor.u32 v0, v4  }
0x128: {  	v4 =	vor.u32 v1, v4;
	v6 =	vld [tilespmem:s12+$0x1790]  }
0x129: {  	s12 =	sadd.s32 $0xFFFFFFFB, s7  }
0x12a: {  	v7 =	vmov s12  }
0x12b: {  	v7 =	vand.u32 $0x7A, v7  }
0x12c: {  	[tilespmem:v5+s20+$0x0] =	vst.idx.msk $0xffff, v3;
	v3 =	vbroadcast v7, $0x0;
	(v2sf) =	vpush v2, $0xC  }
0x12d: {  	[tilespmem:v4+s20+$0x0] =	vst.idx.msk $0xffff, v6;
	s12 =	spop (v2sf)  }
0x12e: {  	v4 =	vld [tilespmem:s12+$0x1800];
	v5 =	vor.u32 v0, v3  }
0x12f: {  	v3 =	vor.u32 v1, v3;
	v6 =	vld [tilespmem:s12+$0x1810]  }
0x130: {  	s12 =	sadd.s32 $0xFFFFFFFC, s7  }
0x131: {  	v7 =	vmov s12  }
0x132: {  	v7 =	vand.u32 $0x7B, v7  }
0x133: {  	[tilespmem:v5+s20+$0x0] =	vst.idx.msk $0xffff, v4;
	v4 =	vbroadcast v7, $0x0;
	(v2sf) =	vpush v2, $0xD  }
0x134: {  	[tilespmem:v3+s20+$0x0] =	vst.idx.msk $0xffff, v6;
	s12 =	spop (v2sf)  }
0x135: {  	v3 =	vld [tilespmem:s12+$0x1880];
	v5 =	vor.u32 v0, v4  }
0x136: {  	v4 =	vor.u32 v1, v4;
	v6 =	vld [tilespmem:s12+$0x1890]  }
0x137: {  	s12 =	sadd.s32 $0xFFFFFFFD, s7  }
0x138: {  	v7 =	vmov s12  }
0x139: {  	v7 =	vand.u32 $0x7C, v7  }
0x13a: {  	[tilespmem:v5+s20+$0x0] =	vst.idx.msk $0xffff, v3;
	v3 =	vbroadcast v7, $0x0;
	(v2sf) =	vpush v2, $0xE  }
0x13b: {  	[tilespmem:v4+s20+$0x0] =	vst.idx.msk $0xffff, v6;
	s12 =	spop (v2sf)  }
0x13c: {  	v4 =	vld [tilespmem:s12+$0x1900];
	v5 =	vor.u32 v0, v3  }
0x13d: {  	v3 =	vor.u32 v1, v3;
	v6 =	vld [tilespmem:s12+$0x1910]  }
0x13e: {  	s12 =	sadd.s32 $0xFFFFFFFE, s7  }
0x13f: {  	v7 =	vmov s12  }
0x140: {  	v7 =	vand.u32 $0x7D, v7  }
0x141: {  	[tilespmem:v5+s20+$0x0] =	vst.idx.msk $0xffff, v4;
	v4 =	vbroadcast v7, $0x0;
	(v2sf) =	vpush v2, $0xF  }
0x142: {  	[tilespmem:v3+s20+$0x0] =	vst.idx.msk $0xffff, v6;
	s12 =	spop (v2sf)  }
0x143: {  	v2 =	vld [tilespmem:s12+$0x1980];
	v3 =	vor.u32 v0, v4  }
0x144: {  	v4 =	vor.u32 v1, v4;
	v5 =	vld [tilespmem:s12+$0x1990]  }
0x145: {  	s12 =	sadd.s32 $0xFFFFFFFF, s7  }
0x146: {  	v6 =	vmov s12  }
0x147: {  	v6 =	vand.u32 $0x7E, v6  }
0x148: {  	[tilespmem:v3+s20+$0x0] =	vst.idx.msk $0xffff, v2;
	v2 =	vbroadcast v6, $0x0  }
0x149: {  	[tilespmem:v4+s20+$0x0] =	vst.idx.msk $0xffff, v5;
	s12 =	spop (v2sf)  }
0x14a: {  	v3 =	vld [tilespmem:s12+$0x1A00];
	v4 =	vor.u32 v0, v2  }
0x14b: {  	v2 =	vor.u32 v1, v2;
	v5 =	vld [tilespmem:s12+$0x1A10];
	_ =	sdelay $0x1  }
0x14c: {  	v6 =	vmov s7  }
0x14d: {  	v6 =	vand.u32 $0x7F, v6  }
0x14e: {  	[tilespmem:v4+s20+$0x0] =	vst.idx.msk $0xffff, v3;
	v3 =	vbroadcast v6, $0x0  }
0x14f: {  	[tilespmem:v2+s20+$0x0] =	vst.idx.msk $0xffff, v5;
	s12 =	spop (v2sf)  }
0x150: {  	v4 =	vld [tilespmem:s12+$0x1A80];
	v5 =	vor.u32 v0, v3  }
.Ltmp0:
0x151: {  	v3 =	vor.u32 v1, v3;
	v2 =	vld [tilespmem:s12+$0x1A90];
	(pc) =	sbr.rel @p1 .LBB2_3-.Ltmp0, $2  }
0x152: {  	_ =	sdelay $0x2  }
0x153: {  	[tilespmem:v5+s20+$0x0] =	vst.idx.msk $0xffff, v4  }
0x154: {  	_ = 	snop  }
0x155: {  	s0 =	sshll.u32 s0, $0x10  }
0x156: {  	s0 =	sand.u32 $0x1FFF0000, s0  }
0x157: {  	s1 =	sand.u32 $0x3F00, s1;
	s0 =	sadd.s32 s4, s0  }
0x158: {  	[tilespmem:v3+s20+$0x0] =	vst.idx.msk $0xffff, v2;
	s0 =	sadd.s32 s1, s0  }
0x159: {  	[hbm4b:s0+s21] =	stream.strided.scatter [tilespmem:s20], [sflag:$0x4], $0x1000, s22, s21, $0x38;
	[tilespmem:$0xB300] =	vst v63  }
0x15a: {  	_ =	swait.ge [sflag:s23], $0x4000  }
0x15b: {  	[sflag:s23] =	ssyncset.done $0x0  }
0x15c: {  	s0 =	simm.s32 @!p0 $0x5;
	[sflag:s23] =	ssyncadd.s32 $0xFFFFC000  }
0x15d: {  	_ =	swait.ge @!p0 [sflag:s0], $0x1000  }
0x15e: {  	[sflag:s0] =	ssyncset.done @!p0 $0x0  }
0x15f: {  	[sflag:s0] =	ssyncadd.s32 @!p0 $0xFFFFF000;
	s0 =	simm.s32 $0x280  }
0x160: {  	v2 =	vld [tilespmem:s0+$0x0];
	_ =	sdelay $0x4  }
0x161: {  	v2 =	vshll.u32 v2, $0x2  }
0x162: {  	s9 =	simm.s32 $0x0;
	v2 =	vshra.s32 v2, $0x2  }
0x163: {  	v2 =	vadd.s32 s9, v2  }
0x164: {  	(v2sf) =	vpush v2, $0x0;
	_ =	sdelay $0x6  }
0x165: {  	(v2sf) =	vpush v2, $0x1;
	_ =	sdelay $0x3  }
0x166: {  	s10 =	simm.s32 $0x0  }
0x167: {  	v3 =	vmov s10  }
0x168: {  	v3 =	vand.u32 $0x70, v3  }
0x169: {  	v3 =	vbroadcast v3, $0x0;
	(v2sf) =	vpush v2, $0x2  }
0x16a: {  	s12 =	spop (v2sf)  }
0x16b: {  	v5 =	vor.u32 v0, v3;
	v4 =	vld [tilespmem:s12+$0x5300]  }
0x16c: {  	v3 =	vor.u32 v1, v3;
	v6 =	vld [tilespmem:s12+$0x5310]  }
0x16d: {  	s7 =	simm.s32 $0x1  }
0x16e: {  	v7 =	vmov s7  }
0x16f: {  	v7 =	vand.u32 $0x71, v7  }
0x170: {  	(v2sf) =	vpush v2, $0x3;
	[tilespmem:v5+s24+$0x0] =	vst.idx.msk $0xffff, v4;
	v4 =	vbroadcast v7, $0x0  }
0x171: {  	s9 =	spop (v2sf);
	[tilespmem:v3+s24+$0x0] =	vst.idx.msk $0xffff, v6  }
0x172: {  	v3 =	vld [tilespmem:s9+$0x5380];
	v5 =	vor.u32 v0, v4  }
0x173: {  	v6 =	vld [tilespmem:s9+$0x5390];
	v4 =	vor.u32 v1, v4  }
0x174: {  	s10 =	simm.s32 $0x2  }
0x175: {  	v50 =	vmov s10  }
0x176: {  	v7 =	vand.u32 $0x72, v50  }
0x177: {  	(v2sf) =	vpush v2, $0x4;
	[tilespmem:v5+s24+$0x0] =	vst.idx.msk $0xffff, v3;
	v3 =	vbroadcast v7, $0x0  }
0x178: {  	s12 =	spop (v2sf);
	[tilespmem:v4+s24+$0x0] =	vst.idx.msk $0xffff, v6  }
0x179: {  	v4 =	vld [tilespmem:s12+$0x5400];
	v5 =	vor.u32 v0, v3  }
0x17a: {  	v6 =	vld [tilespmem:s12+$0x5410];
	v3 =	vor.u32 v1, v3  }
0x17b: {  	s7 =	simm.s32 $0x3  }
0x17c: {  	v51 =	vmov s7  }
0x17d: {  	v7 =	vand.u32 $0x73, v51  }
0x17e: {  	(v2sf) =	vpush v2, $0x5;
	[tilespmem:v5+s24+$0x0] =	vst.idx.msk $0xffff, v4;
	v4 =	vbroadcast v7, $0x0  }
0x17f: {  	s9 =	spop (v2sf);
	[tilespmem:v3+s24+$0x0] =	vst.idx.msk $0xffff, v6  }
0x180: {  	v3 =	vld [tilespmem:s9+$0x5480];
	v5 =	vor.u32 v0, v4  }
0x181: {  	v6 =	vld [tilespmem:s9+$0x5490];
	v4 =	vor.u32 v1, v4  }
0x182: {  	s10 =	simm.s32 $0x4  }
0x183: {  	v52 =	vmov s10  }
0x184: {  	v7 =	vand.u32 $0x74, v52  }
0x185: {  	(v2sf) =	vpush v2, $0x6;
	[tilespmem:v5+s24+$0x0] =	vst.idx.msk $0xffff, v3;
	v3 =	vbroadcast v7, $0x0  }
0x186: {  	s12 =	spop (v2sf);
	[tilespmem:v4+s24+$0x0] =	vst.idx.msk $0xffff, v6  }
0x187: {  	v4 =	vld [tilespmem:s12+$0x5500];
	v5 =	vor.u32 v0, v3  }
0x188: {  	v6 =	vld [tilespmem:s12+$0x5510];
	v3 =	vor.u32 v1, v3  }
0x189: {  	s7 =	simm.s32 $0x5  }
0x18a: {  	v53 =	vmov s7  }
0x18b: {  	v7 =	vand.u32 $0x75, v53  }
0x18c: {  	(v2sf) =	vpush v2, $0x7;
	[tilespmem:v5+s24+$0x0] =	vst.idx.msk $0xffff, v4;
	v4 =	vbroadcast v7, $0x0  }
0x18d: {  	s9 =	spop (v2sf);
	[tilespmem:v3+s24+$0x0] =	vst.idx.msk $0xffff, v6  }
0x18e: {  	v3 =	vld [tilespmem:s9+$0x5580];
	v5 =	vor.u32 v0, v4  }
0x18f: {  	v6 =	vld [tilespmem:s9+$0x5590];
	v4 =	vor.u32 v1, v4  }
0x190: {  	s10 =	simm.s32 $0x6  }
0x191: {  	v54 =	vmov s10  }
0x192: {  	v7 =	vand.u32 $0x76, v54  }
0x193: {  	(v2sf) =	vpush v2, $0x8;
	[tilespmem:v5+s24+$0x0] =	vst.idx.msk $0xffff, v3;
	v3 =	vbroadcast v7, $0x0  }
0x194: {  	s12 =	spop (v2sf);
	[tilespmem:v4+s24+$0x0] =	vst.idx.msk $0xffff, v6  }
0x195: {  	v4 =	vld [tilespmem:s12+$0x5600];
	v5 =	vor.u32 v0, v3  }
0x196: {  	v6 =	vld [tilespmem:s12+$0x5610];
	v3 =	vor.u32 v1, v3  }
0x197: {  	s7 =	simm.s32 $0x7  }
0x198: {  	v55 =	vmov s7  }
0x199: {  	v7 =	vand.u32 $0x77, v55  }
0x19a: {  	(v2sf) =	vpush v2, $0x9;
	[tilespmem:v5+s24+$0x0] =	vst.idx.msk $0xffff, v4;
	v4 =	vbroadcast v7, $0x0  }
0x19b: {  	s9 =	spop (v2sf);
	[tilespmem:v3+s24+$0x0] =	vst.idx.msk $0xffff, v6  }
0x19c: {  	v3 =	vld [tilespmem:s9+$0x5680];
	v5 =	vor.u32 v0, v4  }
0x19d: {  	v6 =	vld [tilespmem:s9+$0x5690];
	v4 =	vor.u32 v1, v4  }
0x19e: {  	s10 =	simm.s32 $0x8  }
0x19f: {  	v56 =	vmov s10  }
0x1a0: {  	v7 =	vand.u32 $0x78, v56  }
0x1a1: {  	(v2sf) =	vpush v2, $0xA;
	[tilespmem:v5+s24+$0x0] =	vst.idx.msk $0xffff, v3;
	v3 =	vbroadcast v7, $0x0  }
0x1a2: {  	s12 =	spop (v2sf);
	[tilespmem:v4+s24+$0x0] =	vst.idx.msk $0xffff, v6  }
0x1a3: {  	v4 =	vld [tilespmem:s12+$0x5700];
	v5 =	vor.u32 v0, v3  }
0x1a4: {  	v6 =	vld [tilespmem:s12+$0x5710];
	v3 =	vor.u32 v1, v3  }
0x1a5: {  	s7 =	simm.s32 $0x9  }
0x1a6: {  	v57 =	vmov s7  }
0x1a7: {  	v7 =	vand.u32 $0x79, v57  }
0x1a8: {  	(v2sf) =	vpush v2, $0xB;
	[tilespmem:v5+s24+$0x0] =	vst.idx.msk $0xffff, v4;
	v4 =	vbroadcast v7, $0x0  }
0x1a9: {  	s9 =	spop (v2sf);
	[tilespmem:v3+s24+$0x0] =	vst.idx.msk $0xffff, v6  }
0x1aa: {  	v3 =	vld [tilespmem:s9+$0x5780];
	v5 =	vor.u32 v0, v4  }
0x1ab: {  	v6 =	vld [tilespmem:s9+$0x5790];
	v4 =	vor.u32 v1, v4  }
0x1ac: {  	s10 =	simm.s32 $0xA  }
0x1ad: {  	v58 =	vmov s10  }
0x1ae: {  	v7 =	vand.u32 $0x7A, v58  }
0x1af: {  	(v2sf) =	vpush v2, $0xC;
	[tilespmem:v5+s24+$0x0] =	vst.idx.msk $0xffff, v3;
	v3 =	vbroadcast v7, $0x0  }
0x1b0: {  	s12 =	spop (v2sf);
	[tilespmem:v4+s24+$0x0] =	vst.idx.msk $0xffff, v6  }
0x1b1: {  	v4 =	vld [tilespmem:s12+$0x5800];
	v5 =	vor.u32 v0, v3  }
0x1b2: {  	v6 =	vld [tilespmem:s12+$0x5810];
	v3 =	vor.u32 v1, v3  }
0x1b3: {  	s7 =	simm.s32 $0xB  }
0x1b4: {  	v59 =	vmov s7  }
0x1b5: {  	v7 =	vand.u32 $0x7B, v59  }
0x1b6: {  	(v2sf) =	vpush v2, $0xD;
	[tilespmem:v5+s24+$0x0] =	vst.idx.msk $0xffff, v4;
	v4 =	vbroadcast v7, $0x0  }
0x1b7: {  	s9 =	spop (v2sf);
	[tilespmem:v3+s24+$0x0] =	vst.idx.msk $0xffff, v6  }
0x1b8: {  	v3 =	vld [tilespmem:s9+$0x5880];
	v5 =	vor.u32 v0, v4  }
0x1b9: {  	v6 =	vld [tilespmem:s9+$0x5890];
	v4 =	vor.u32 v1, v4  }
0x1ba: {  	s10 =	simm.s32 $0xC  }
0x1bb: {  	v60 =	vmov s10  }
0x1bc: {  	v7 =	vand.u32 $0x7C, v60  }
0x1bd: {  	(v2sf) =	vpush v2, $0xE;
	[tilespmem:v5+s24+$0x0] =	vst.idx.msk $0xffff, v3;
	v3 =	vbroadcast v7, $0x0  }
0x1be: {  	s12 =	spop (v2sf);
	[tilespmem:v4+s24+$0x0] =	vst.idx.msk $0xffff, v6  }
0x1bf: {  	v4 =	vld [tilespmem:s12+$0x5900];
	v5 =	vor.u32 v0, v3  }
0x1c0: {  	v6 =	vld [tilespmem:s12+$0x5910];
	v3 =	vor.u32 v1, v3  }
0x1c1: {  	s7 =	simm.s32 $0xD  }
0x1c2: {  	v61 =	vmov s7  }
0x1c3: {  	v7 =	vand.u32 $0x7D, v61  }
0x1c4: {  	(v2sf) =	vpush v2, $0xF;
	[tilespmem:v5+s24+$0x0] =	vst.idx.msk $0xffff, v4;
	v4 =	vbroadcast v7, $0x0  }
0x1c5: {  	s9 =	spop (v2sf);
	[tilespmem:v3+s24+$0x0] =	vst.idx.msk $0xffff, v6  }
0x1c6: {  	v2 =	vld [tilespmem:s9+$0x5980];
	v3 =	vor.u32 v0, v4  }
0x1c7: {  	v5 =	vld [tilespmem:s9+$0x5990];
	v4 =	vor.u32 v1, v4  }
0x1c8: {  	s10 =	simm.s32 $0xE  }
0x1c9: {  	v62 =	vmov s10  }
0x1ca: {  	v6 =	vand.u32 $0x7E, v62  }
0x1cb: {  	[tilespmem:v3+s24+$0x0] =	vst.idx.msk $0xffff, v2;
	v2 =	vbroadcast v6, $0x0  }
0x1cc: {  	s12 =	spop (v2sf);
	[tilespmem:v4+s24+$0x0] =	vst.idx.msk $0xffff, v5  }
0x1cd: {  	v3 =	vld [tilespmem:s12+$0x5A00];
	v4 =	vor.u32 v0, v2  }
0x1ce: {  	v5 =	vld [tilespmem:s12+$0x5A10];
	v2 =	vor.u32 v1, v2  }
0x1cf: {  	s1 =	simm.s32 $0xF  }
0x1d0: {  	v63 =	vmov s1  }
0x1d1: {  	v6 =	vand.u32 $0x7F, v63  }
0x1d2: {  	[tilespmem:v4+s24+$0x0] =	vst.idx.msk $0xffff, v3;
	v3 =	vbroadcast v6, $0x0  }
0x1d3: {  	s7 =	spop (v2sf);
	[tilespmem:v2+s24+$0x0] =	vst.idx.msk $0xffff, v5  }
0x1d4: {  	v4 =	vld [tilespmem:s7+$0x5A80];
	v5 =	vor.u32 v0, v3  }
0x1d5: {  	v2 =	vld [tilespmem:s7+$0x5A90];
	v3 =	vor.u32 v1, v3;
	_ =	sdelay $0x3  }
0x1d6: {  	s7 =	simm.s32 $0x2000;
	[tilespmem:v5+s24+$0x0] =	vst.idx.msk $0xffff, v4  }
.LBB2_5:
0x1d7: {  	p0 =	sne.s32 s7, $0xE000;
	[tilespmem:v3+s24+$0x0] =	vst.idx.msk $0xffff, v2;
	s0 =	sadd.s32 $0x10, s0;
	s1 =	sadd.s32 $0x10, s1  }
0x1d8: {  	s9 =	smov.u32 s7;
	s7 =	sadd.s32 $0x2000, s7;
	v2 =	vld [tilespmem:s0+$0x0];
	_ =	sdelay $0x4  }
0x1d9: {  	v2 =	vshll.u32 v2, $0x2  }
0x1da: {  	s9 =	sshra.s32 s9, $0x2;
	v2 =	vshra.s32 v2, $0x2  }
0x1db: {  	v2 =	vadd.s32 s9, v2  }
0x1dc: {  	(v2sf) =	vpush v2, $0x0;
	_ =	sdelay $0x6  }
0x1dd: {  	(v2sf) =	vpush v2, $0x1;
	_ =	sdelay $0x3  }
0x1de: {  	s9 =	sadd.s32 $0xFFFFFFF1, s1  }
0x1df: {  	v3 =	vmov s9  }
0x1e0: {  	v3 =	vand.u32 $0x70, v3  }
0x1e1: {  	v3 =	vbroadcast v3, $0x0;
	(v2sf) =	vpush v2, $0x2  }
0x1e2: {  	s9 =	spop (v2sf)  }
0x1e3: {  	v5 =	vor.u32 v0, v3;
	v4 =	vld [tilespmem:s9+$0x5300]  }
0x1e4: {  	v3 =	vor.u32 v1, v3;
	v6 =	vld [tilespmem:s9+$0x5310]  }
0x1e5: {  	s9 =	sadd.s32 $0xFFFFFFF2, s1  }
0x1e6: {  	v7 =	vmov s9  }
0x1e7: {  	v7 =	vand.u32 $0x71, v7  }
0x1e8: {  	[tilespmem:v5+s24+$0x0] =	vst.idx.msk $0xffff, v4;
	v4 =	vbroadcast v7, $0x0;
	(v2sf) =	vpush v2, $0x3  }
0x1e9: {  	[tilespmem:v3+s24+$0x0] =	vst.idx.msk $0xffff, v6;
	s9 =	spop (v2sf)  }
0x1ea: {  	v3 =	vld [tilespmem:s9+$0x5380];
	v5 =	vor.u32 v0, v4  }
0x1eb: {  	v4 =	vor.u32 v1, v4;
	v6 =	vld [tilespmem:s9+$0x5390]  }
0x1ec: {  	s9 =	sadd.s32 $0xFFFFFFF3, s1  }
0x1ed: {  	v7 =	vmov s9  }
0x1ee: {  	v7 =	vand.u32 $0x72, v7  }
0x1ef: {  	[tilespmem:v5+s24+$0x0] =	vst.idx.msk $0xffff, v3;
	v3 =	vbroadcast v7, $0x0;
	(v2sf) =	vpush v2, $0x4  }
0x1f0: {  	[tilespmem:v4+s24+$0x0] =	vst.idx.msk $0xffff, v6;
	s9 =	spop (v2sf)  }
0x1f1: {  	v4 =	vld [tilespmem:s9+$0x5400];
	v5 =	vor.u32 v0, v3  }
0x1f2: {  	v3 =	vor.u32 v1, v3;
	v6 =	vld [tilespmem:s9+$0x5410]  }
0x1f3: {  	s9 =	sadd.s32 $0xFFFFFFF4, s1  }
0x1f4: {  	v7 =	vmov s9  }
0x1f5: {  	v7 =	vand.u32 $0x73, v7  }
0x1f6: {  	[tilespmem:v5+s24+$0x0] =	vst.idx.msk $0xffff, v4;
	v4 =	vbroadcast v7, $0x0;
	(v2sf) =	vpush v2, $0x5  }
0x1f7: {  	[tilespmem:v3+s24+$0x0] =	vst.idx.msk $0xffff, v6;
	s9 =	spop (v2sf)  }
0x1f8: {  	v3 =	vld [tilespmem:s9+$0x5480];
	v5 =	vor.u32 v0, v4  }
0x1f9: {  	v4 =	vor.u32 v1, v4;
	v6 =	vld [tilespmem:s9+$0x5490]  }
0x1fa: {  	s9 =	sadd.s32 $0xFFFFFFF5, s1  }
0x1fb: {  	v7 =	vmov s9  }
0x1fc: {  	v7 =	vand.u32 $0x74, v7  }
0x1fd: {  	[tilespmem:v5+s24+$0x0] =	vst.idx.msk $0xffff, v3;
	v3 =	vbroadcast v7, $0x0;
	(v2sf) =	vpush v2, $0x6  }
0x1fe: {  	[tilespmem:v4+s24+$0x0] =	vst.idx.msk $0xffff, v6;
	s9 =	spop (v2sf)  }
0x1ff: {  	v4 =	vld [tilespmem:s9+$0x5500];
	v5 =	vor.u32 v0, v3  }
0x200: {  	v3 =	vor.u32 v1, v3;
	v6 =	vld [tilespmem:s9+$0x5510]  }
0x201: {  	s9 =	sadd.s32 $0xFFFFFFF6, s1  }
0x202: {  	v7 =	vmov s9  }
0x203: {  	v7 =	vand.u32 $0x75, v7  }
0x204: {  	[tilespmem:v5+s24+$0x0] =	vst.idx.msk $0xffff, v4;
	v4 =	vbroadcast v7, $0x0;
	(v2sf) =	vpush v2, $0x7  }
0x205: {  	[tilespmem:v3+s24+$0x0] =	vst.idx.msk $0xffff, v6;
	s9 =	spop (v2sf)  }
0x206: {  	v3 =	vld [tilespmem:s9+$0x5580];
	v5 =	vor.u32 v0, v4  }
0x207: {  	v4 =	vor.u32 v1, v4;
	v6 =	vld [tilespmem:s9+$0x5590]  }
0x208: {  	s9 =	sadd.s32 $0xFFFFFFF7, s1  }
0x209: {  	v7 =	vmov s9  }
0x20a: {  	v7 =	vand.u32 $0x76, v7  }
0x20b: {  	[tilespmem:v5+s24+$0x0] =	vst.idx.msk $0xffff, v3;
	v3 =	vbroadcast v7, $0x0;
	(v2sf) =	vpush v2, $0x8  }
0x20c: {  	[tilespmem:v4+s24+$0x0] =	vst.idx.msk $0xffff, v6;
	s9 =	spop (v2sf)  }
0x20d: {  	v4 =	vld [tilespmem:s9+$0x5600];
	v5 =	vor.u32 v0, v3  }
0x20e: {  	v3 =	vor.u32 v1, v3;
	v6 =	vld [tilespmem:s9+$0x5610]  }
0x20f: {  	s9 =	sadd.s32 $0xFFFFFFF8, s1  }
0x210: {  	v7 =	vmov s9  }
0x211: {  	v7 =	vand.u32 $0x77, v7  }
0x212: {  	[tilespmem:v5+s24+$0x0] =	vst.idx.msk $0xffff, v4;
	v4 =	vbroadcast v7, $0x0;
	(v2sf) =	vpush v2, $0x9  }
0x213: {  	[tilespmem:v3+s24+$0x0] =	vst.idx.msk $0xffff, v6;
	s9 =	spop (v2sf)  }
0x214: {  	v3 =	vld [tilespmem:s9+$0x5680];
	v5 =	vor.u32 v0, v4  }
0x215: {  	v4 =	vor.u32 v1, v4;
	v6 =	vld [tilespmem:s9+$0x5690]  }
0x216: {  	s9 =	sadd.s32 $0xFFFFFFF9, s1  }
0x217: {  	v7 =	vmov s9  }
0x218: {  	v7 =	vand.u32 $0x78, v7  }
0x219: {  	[tilespmem:v5+s24+$0x0] =	vst.idx.msk $0xffff, v3;
	v3 =	vbroadcast v7, $0x0;
	(v2sf) =	vpush v2, $0xA  }
0x21a: {  	[tilespmem:v4+s24+$0x0] =	vst.idx.msk $0xffff, v6;
	s9 =	spop (v2sf)  }
0x21b: {  	v4 =	vld [tilespmem:s9+$0x5700];
	v5 =	vor.u32 v0, v3  }
0x21c: {  	v3 =	vor.u32 v1, v3;
	v6 =	vld [tilespmem:s9+$0x5710]  }
0x21d: {  	s9 =	sadd.s32 $0xFFFFFFFA, s1  }
0x21e: {  	v7 =	vmov s9  }
0x21f: {  	v7 =	vand.u32 $0x79, v7  }
0x220: {  	[tilespmem:v5+s24+$0x0] =	vst.idx.msk $0xffff, v4;
	v4 =	vbroadcast v7, $0x0;
	(v2sf) =	vpush v2, $0xB  }
0x221: {  	[tilespmem:v3+s24+$0x0] =	vst.idx.msk $0xffff, v6;
	s9 =	spop (v2sf)  }
0x222: {  	v3 =	vld [tilespmem:s9+$0x5780];
	v5 =	vor.u32 v0, v4  }
0x223: {  	v4 =	vor.u32 v1, v4;
	v6 =	vld [tilespmem:s9+$0x5790]  }
0x224: {  	s9 =	sadd.s32 $0xFFFFFFFB, s1  }
0x225: {  	v7 =	vmov s9  }
0x226: {  	v7 =	vand.u32 $0x7A, v7  }
0x227: {  	[tilespmem:v5+s24+$0x0] =	vst.idx.msk $0xffff, v3;
	v3 =	vbroadcast v7, $0x0;
	(v2sf) =	vpush v2, $0xC  }
0x228: {  	[tilespmem:v4+s24+$0x0] =	vst.idx.msk $0xffff, v6;
	s9 =	spop (v2sf)  }
0x229: {  	v4 =	vld [tilespmem:s9+$0x5800];
	v5 =	vor.u32 v0, v3  }
0x22a: {  	v3 =	vor.u32 v1, v3;
	v6 =	vld [tilespmem:s9+$0x5810]  }
0x22b: {  	s9 =	sadd.s32 $0xFFFFFFFC, s1  }
0x22c: {  	v7 =	vmov s9  }
0x22d: {  	v7 =	vand.u32 $0x7B, v7  }
0x22e: {  	[tilespmem:v5+s24+$0x0] =	vst.idx.msk $0xffff, v4;
	v4 =	vbroadcast v7, $0x0;
	(v2sf) =	vpush v2, $0xD  }
0x22f: {  	[tilespmem:v3+s24+$0x0] =	vst.idx.msk $0xffff, v6;
	s9 =	spop (v2sf)  }
0x230: {  	v3 =	vld [tilespmem:s9+$0x5880];
	v5 =	vor.u32 v0, v4  }
0x231: {  	v4 =	vor.u32 v1, v4;
	v6 =	vld [tilespmem:s9+$0x5890]  }
0x232: {  	s9 =	sadd.s32 $0xFFFFFFFD, s1  }
0x233: {  	v7 =	vmov s9  }
0x234: {  	v7 =	vand.u32 $0x7C, v7  }
0x235: {  	[tilespmem:v5+s24+$0x0] =	vst.idx.msk $0xffff, v3;
	v3 =	vbroadcast v7, $0x0;
	(v2sf) =	vpush v2, $0xE  }
0x236: {  	[tilespmem:v4+s24+$0x0] =	vst.idx.msk $0xffff, v6;
	s9 =	spop (v2sf)  }
0x237: {  	v4 =	vld [tilespmem:s9+$0x5900];
	v5 =	vor.u32 v0, v3  }
0x238: {  	v3 =	vor.u32 v1, v3;
	v6 =	vld [tilespmem:s9+$0x5910]  }
0x239: {  	s9 =	sadd.s32 $0xFFFFFFFE, s1  }
0x23a: {  	v7 =	vmov s9  }
0x23b: {  	v7 =	vand.u32 $0x7D, v7  }
0x23c: {  	[tilespmem:v5+s24+$0x0] =	vst.idx.msk $0xffff, v4;
	v4 =	vbroadcast v7, $0x0;
	(v2sf) =	vpush v2, $0xF  }
0x23d: {  	[tilespmem:v3+s24+$0x0] =	vst.idx.msk $0xffff, v6;
	s9 =	spop (v2sf)  }
0x23e: {  	v2 =	vld [tilespmem:s9+$0x5980];
	v3 =	vor.u32 v0, v4  }
0x23f: {  	v4 =	vor.u32 v1, v4;
	v5 =	vld [tilespmem:s9+$0x5990]  }
0x240: {  	s9 =	sadd.s32 $0xFFFFFFFF, s1  }
0x241: {  	v6 =	vmov s9  }
0x242: {  	v6 =	vand.u32 $0x7E, v6  }
0x243: {  	[tilespmem:v3+s24+$0x0] =	vst.idx.msk $0xffff, v2;
	v2 =	vbroadcast v6, $0x0  }
0x244: {  	[tilespmem:v4+s24+$0x0] =	vst.idx.msk $0xffff, v5;
	s9 =	spop (v2sf)  }
0x245: {  	v3 =	vld [tilespmem:s9+$0x5A00];
	v4 =	vor.u32 v0, v2  }
0x246: {  	v2 =	vor.u32 v1, v2;
	v5 =	vld [tilespmem:s9+$0x5A10];
	_ =	sdelay $0x1  }
0x247: {  	v6 =	vmov s1  }
0x248: {  	v6 =	vand.u32 $0x7F, v6  }
0x249: {  	[tilespmem:v4+s24+$0x0] =	vst.idx.msk $0xffff, v3;
	v3 =	vbroadcast v6, $0x0  }
0x24a: {  	[tilespmem:v2+s24+$0x0] =	vst.idx.msk $0xffff, v5;
	s9 =	spop (v2sf)  }
0x24b: {  	v4 =	vld [tilespmem:s9+$0x5A80];
	v5 =	vor.u32 v0, v3  }
.Ltmp1:
0x24c: {  	v3 =	vor.u32 v1, v3;
	v2 =	vld [tilespmem:s9+$0x5A90];
	(pc) =	sbr.rel @p0 .LBB2_5-.Ltmp1, $2  }
0x24d: {  	_ =	sdelay $0x2  }
0x24e: {  	[tilespmem:v5+s24+$0x0] =	vst.idx.msk $0xffff, v4  }
0x24f: {  	s29 =	sadd.s32 $0x1, s29  }
0x250: {  	p0 =	sne.s32 s29, $0x34  }
.Ltmp2:
0x251: {  	s0 =	sshll.u32 s31, $0x10;
	(pc) =	sbr.rel @p0 .LBB2_2-.Ltmp2, $4  }
0x252: {  	s0 =	sand.u32 $0x1FFF0000, s0  }
0x253: {  	s0 =	sadd.s32 s4, s0  }
0x254: {  	[tilespmem:v3+s24+$0x0] =	vst.idx.msk $0xffff, v2;
	s0 =	sadd.s32 s30, s0  }
0x255: {  	[hbm4b:s0+s21] =	stream.strided.scatter [tilespmem:s24], [sflag:$0x5], $0x1000, s22, s21, $0x38;
	[tilespmem:$0xB300] =	vst v63  }
0x256: {  	_ =	swait.ge [sflag:s25], $0x1000  }
0x257: {  	[sflag:s25] =	ssyncset.done $0x0  }
0x258: {  	[sflag:s25] =	ssyncadd.s32 $0xFFFFF000  }
0x259: {  	_ =	swait.ge [sflag:s26], $0x1000  }
0x25a: {  	s28 =	sadd.s32 $0x1, s28;
	s0 =	rddreg [dreg:$0x5]  }
0x25b: {  	p0 =	sne.s32 s28, s0  }
.Ltmp3:
0x25c: {  	_ = 	snop;
	(pc) =	sbr.rel @p0 .LBB2_1-.Ltmp3, $3  }
0x25d: {  	_ =	sdelay $0x1  }
0x25e: {  	[sflag:s26] =	ssyncset.done $0x0  }
0x25f: {  	[sflag:s26] =	ssyncadd.s32 $0xFFFFF000  }
0x260: {  	_ =	sfence.sel $0x180000  }
0x261: {  	[bflag:$0x0] =	sbarrier.arrive $0xFFFF  }
0x262: {  	_ =	strace $0x90000047  }
0x263: {  	s0 =	stileid.u32;
	[bflag:$0x2] =	sbarrier.arrive $0xFFFF  }
0x264: {  	p0 =	sne.s32 s0, $0x0;
	s0 =	rddreg [dreg:$0x3]  }
0x265: {  	s0 =	sadd.s32 @!p0 $0x100000, s0  }
0x266: {  	[sflag:s0] =	ssyncadd.tile.s32 @!p0 $0x1;
	_ =	shalt  }
.Lfunc_end2:
_tile_overlayer_lowered:
.L_overlay_start_2:
0x267: {  	(tag) =	ssettag $0x2  }
0x268: {  	s0 =	rddreg [dreg:$0x0];
	s2 =	stileid.u32  }
0x269: {  	s1 =	rddreg [dreg:$0x1];
	p0 =	sne.s32 s2, $0x0  }
0x26a: {  	s3 =	rddreg [dreg:$0x2];
	[bflag:$0x3] =	sbarrier.arrive $0xFFFF;
	s2 =	simm.s32 @!p0 $0x1C06  }
0x26b: {  	[timem:s3], [sflag:s2] =	dma.local @!p0 [hbm:s0], s1  }
0x26c: {  	s0 =	simm.s32 @!p0 $0x6  }
0x26d: {  	_ =	swait.ge @!p0 [sflag:s0], s1  }
0x26e: {  	s1 =	ssub.s32 @!p0 $0x0, s1;
	[sflag:s0] =	ssyncset.done @!p0 $0x0  }
0x26f: {  	[sflag:s0] =	ssyncadd.s32 @!p0 s1  }
0x270: {  	[bflag:$0x3] =	sbarrier.arrive $0xFFFF  }
0x271: {  	_ =	shalt  }

</sc_bundles>
